<compile_context>
chip_gen: v7x
topology: tpu7x:2x2x1
jax: 0.10.2.dev20260603
libtpu: 0.0.44.dev20260713+nightly
codegen_flags: <defaults>
</compile_context>

<pallas_src>
import jax
import jax.numpy as jnp
from jax import lax
from jax.experimental import pallas as pl
from jax.experimental.pallas import tpu as pltpu
from jax.experimental.pallas import tpu_sc as plsc

B, C, H, W = 8, 3, 512, 512
NC, NS, L = 2, 16, 16
NW = NC * NS
ROWS = B * H
ROWS_PER_W = ROWS // NW
G = 8
NG = ROWS_PER_W // G
UNROLL = 8
_MAGIC = 12582912.0


def _dp_body(image_hbm, depth_hbm, out_l_hbm, out_r_hbm,
             dep0, dep1,
             im00, im10, im20, im01, im11, im21,
             ol00, ol10, ol20, ol01, ol11, ol21,
             or00, or10, or20, or01, or11, or21,
             acc_l, acc_r, cnt_l, cnt_r,
             sin0, sin1, sout0, sout1):
    wid = lax.axis_index("s") * NC + lax.axis_index("c")
    r0 = wid * ROWS_PER_W
    b = r0 // H
    h0 = r0 - b * H

    dep_b = [dep0, dep1]
    img_b = [[im00, im10, im20], [im01, im11, im21]]
    ol_b = [[ol00, ol10, ol20], [ol01, ol11, ol21]]
    or_b = [[or00, or10, or20], [or01, or11, or21]]
    sin = [sin0, sin1]
    sout = [sout0, sout1]

    ones = jnp.ones((L,), jnp.float32)
    zeros = jnp.zeros((L,), jnp.float32)
    col0 = lax.iota(jnp.int32, L)

    def in_copies(g, p):
        hh = h0 + g * G
        cps = [pltpu.make_async_copy(
            depth_hbm.at[b, pl.ds(hh, G), :], dep_b[p], sin[p])]
        for c in range(C):
            cps.append(pltpu.make_async_copy(
                image_hbm.at[b, c, pl.ds(hh, G), :], img_b[p][c], sin[p]))
        return cps

    def out_copies(g, p):
        hh = h0 + g * G
        cps = []
        for c in range(C):
            cps.append(pltpu.make_async_copy(
                ol_b[p][c], out_l_hbm.at[b, c, pl.ds(hh, G), :], sout[p]))
            cps.append(pltpu.make_async_copy(
                or_b[p][c], out_r_hbm.at[b, c, pl.ds(hh, G), :], sout[p]))
        return cps

    @plsc.parallel_loop(0, W, L)
    def _zero(wb):
        for c in range(C):
            acc_l[pl.ds(c * W + wb, L)] = zeros
            acc_r[pl.ds(c * W + wb, L)] = zeros
        cnt_l[pl.ds(wb, L)] = zeros
        cnt_r[pl.ds(wb, L)] = zeros

    def process_group(p):
        def row_body(j, _):
            @plsc.parallel_loop(0, W, L, unroll=UNROLL)
            def _scatter(wb):
                d = dep_b[p][j, pl.ds(wb, L)]
                d = jnp.minimum(jnp.maximum(d, -1024.0), 1024.0)
                s = ((d + _MAGIC) - _MAGIC).astype(jnp.int32)
                colv = col0 + wb
                tl = jnp.clip(colv + s, 0, W - 1)
                tr = jnp.clip(colv - s, 0, W - 1)
                for c in range(C):
                    v = img_b[p][c][j, pl.ds(wb, L)]
                    plsc.addupdate_scatter(acc_l, [tl + (c * W)], v)
                    plsc.addupdate_scatter(acc_r, [tr + (c * W)], v)
                plsc.addupdate_scatter(cnt_l, [tl], ones)
                plsc.addupdate_scatter(cnt_r, [tr], ones)

            @plsc.parallel_loop(0, W, L, unroll=UNROLL)
            def _norm(wb):
                rcl = 1.0 / jnp.maximum(cnt_l[pl.ds(wb, L)], 1.0)
                rcr = 1.0 / jnp.maximum(cnt_r[pl.ds(wb, L)], 1.0)
                for c in range(C):
                    ol_b[p][c][j, pl.ds(wb, L)] = (
                        acc_l[pl.ds(c * W + wb, L)] * rcl)
                    or_b[p][c][j, pl.ds(wb, L)] = (
                        acc_r[pl.ds(c * W + wb, L)] * rcr)
                    acc_l[pl.ds(c * W + wb, L)] = zeros
                    acc_r[pl.ds(c * W + wb, L)] = zeros
                cnt_l[pl.ds(wb, L)] = zeros
                cnt_r[pl.ds(wb, L)] = zeros

            return 0

        lax.fori_loop(0, G, row_body, 0)

    for cp in in_copies(0, 0):
        cp.start()

    def pair_body(gg, _):
        g0 = 2 * gg
        for p in range(2):
            g = g0 + p
            @pl.when(g + 1 < NG)
            def _():
                for cp in in_copies(g + 1, 1 - p):
                    cp.start()
            for cp in in_copies(g, p):
                cp.wait()
            @pl.when(gg > 0)
            def _():
                for cp in out_copies(g - 2, p):
                    cp.wait()
            process_group(p)
            for cp in out_copies(g, p):
                cp.start()
        return 0

    lax.fori_loop(0, NG // 2, pair_body, 0)

    for p in range(2):
        for cp in out_copies(NG - 2 + p, p):
            cp.wait()


@jax.jit
def _dp_merge(image, depth):
    mesh = plsc.VectorSubcoreMesh(core_axis_name="c", subcore_axis_name="s")
    gw2 = pltpu.VMEM((G, W), jnp.float32)
    f = pl.kernel(
        _dp_body,
        out_type=(
            jax.ShapeDtypeStruct((B, C, H, W), jnp.float32),
            jax.ShapeDtypeStruct((B, C, H, W), jnp.float32),
        ),
        mesh=mesh,
        compiler_params=pltpu.CompilerParams(
            needs_layout_passes=False, use_tc_tiling_on_sc=True),
        scratch_types=(
            [gw2, gw2] +
            [gw2] * 6 +
            [gw2] * 6 +
            [gw2] * 6 +
            [
                pltpu.VMEM((C * W,), jnp.float32),
                pltpu.VMEM((C * W,), jnp.float32),
                pltpu.VMEM((W,), jnp.float32),
                pltpu.VMEM((W,), jnp.float32),
                pltpu.SemaphoreType.DMA,
                pltpu.SemaphoreType.DMA,
                pltpu.SemaphoreType.DMA,
                pltpu.SemaphoreType.DMA,
            ]
        ),
    )
    return f(image, depth)


def kernel(image, depth):
    return _dp_merge(image, depth)

# --- scband reference (transcript-rebuilt; emitter-appended) ---
"""Pipeline reference for scband-dpmerge-module-22608707846355 (READ-ONLY COPY).

The authoritative reference and input builder live on the scoring server;
editing this copy changes nothing except your own understanding.
"""

import jax, jax.numpy as jnp
import numpy as np


def setup_inputs(seed: int = 0) -> dict:
    key = jax.random.key(seed)
    k1, k2 = jax.random.split(key)
    image = jax.random.normal(k1, (8, 3, 512, 512), dtype=jnp.float32)
    depth = jax.random.normal(k2, (8, 512, 512), dtype=jnp.float32)
    return {"image": image, "depth": depth}


def reference(image, depth):
    # DPMergeModule forward: dual-pixel depth merge.
    # The DualPixel.DepthMerge CUDA kernel scatters each source pixel
    # horizontally by its (rounded) depth/disparity: left view shifts by
    # +d, right view by -d, accumulating pixel values and hit counts,
    # then the module averages by count (with zero counts clamped to 1).
    b, c, h, w = image.shape
    img = jnp.transpose(image, (0, 2, 3, 1))  # [B,H,W,C] (permute(0,2,3,1))
    shift = jnp.round(depth).astype(jnp.int32)  # integer disparity per pixel
    cols = jnp.arange(w, dtype=jnp.int32)[None, None, :]  # [1,1,W]
    col_l = jnp.clip(cols + shift, 0, w - 1)  # [B,H,W]
    col_r = jnp.clip(cols - shift, 0, w - 1)  # [B,H,W]
    bidx = jnp.arange(b)[:, None, None]
    ridx = jnp.arange(h)[None, :, None]
    ones = jnp.ones((b, h, w), dtype=image.dtype)
    # scatter-add counts and image values (SparseCore-mappable .at[].add)
    count_left = jnp.zeros((b, h, w), dtype=image.dtype).at[bidx, ridx, col_l].add(ones)
    count_right = jnp.zeros((b, h, w), dtype=image.dtype).at[bidx, ridx, col_r].add(ones)
    img_left = jnp.zeros((b, h, w, c), dtype=image.dtype).at[bidx, ridx, col_l].add(img)
    img_right = jnp.zeros((b, h, w, c), dtype=image.dtype).at[bidx, ridx, col_r].add(img)
    # count_left[count_left == 0] = 1 (and same for right)
    count_left = jnp.where(count_left == 0, jnp.ones_like(count_left), count_left)
    count_right = jnp.where(count_right == 0, jnp.ones_like(count_right), count_right)
    # img_left.permute(0, 3, 1, 2) then divide by count.unsqueeze(1)
    img_left = jnp.transpose(img_left, (0, 3, 1, 2))
    img_right = jnp.transpose(img_right, (0, 3, 1, 2))
    img_left_avg = img_left / count_left[:, None, :, :]
    img_right_avg = img_right / count_right[:, None, :, :]
    return (img_left_avg, img_right_avg)

if __name__ == "__main__":
    import jax
    _d = setup_inputs()
    print(jax.jit(kernel)(*tuple(_d.values())))

</pallas_src>

<mosaic_0001>
#map = affine_map<(d0, d1) -> (0, 0, 0, 0)>
#map1 = affine_map<(d0, d1) -> (0, 0, 0)>
module attributes {stable_mosaic.version = 14 : i64} {
  func.func @_dp_body(%arg0: i32, %arg1: i32, %arg2: memref<8x3x512x512xf32, #tpu.memory_space<hbm>>, %arg3: memref<8x512x512xf32, #tpu.memory_space<hbm>>, %arg4: memref<8x3x512x512xf32, #tpu.memory_space<hbm>>, %arg5: memref<8x3x512x512xf32, #tpu.memory_space<hbm>>, %arg6: memref<8x512xf32, #tpu.memory_space<vmem>>, %arg7: memref<8x512xf32, #tpu.memory_space<vmem>>, %arg8: memref<8x512xf32, #tpu.memory_space<vmem>>, %arg9: memref<8x512xf32, #tpu.memory_space<vmem>>, %arg10: memref<8x512xf32, #tpu.memory_space<vmem>>, %arg11: memref<8x512xf32, #tpu.memory_space<vmem>>, %arg12: memref<8x512xf32, #tpu.memory_space<vmem>>, %arg13: memref<8x512xf32, #tpu.memory_space<vmem>>, %arg14: memref<8x512xf32, #tpu.memory_space<vmem>>, %arg15: memref<8x512xf32, #tpu.memory_space<vmem>>, %arg16: memref<8x512xf32, #tpu.memory_space<vmem>>, %arg17: memref<8x512xf32, #tpu.memory_space<vmem>>, %arg18: memref<8x512xf32, #tpu.memory_space<vmem>>, %arg19: memref<8x512xf32, #tpu.memory_space<vmem>>, %arg20: memref<8x512xf32, #tpu.memory_space<vmem>>, %arg21: memref<8x512xf32, #tpu.memory_space<vmem>>, %arg22: memref<8x512xf32, #tpu.memory_space<vmem>>, %arg23: memref<8x512xf32, #tpu.memory_space<vmem>>, %arg24: memref<8x512xf32, #tpu.memory_space<vmem>>, %arg25: memref<8x512xf32, #tpu.memory_space<vmem>>, %arg26: memref<1536xf32, #tpu.memory_space<vmem>>, %arg27: memref<1536xf32, #tpu.memory_space<vmem>>, %arg28: memref<512xf32, #tpu.memory_space<vmem>>, %arg29: memref<512xf32, #tpu.memory_space<vmem>>, %arg30: memref<!tpu.dma_semaphore, #tpu.memory_space<semaphore_mem>>, %arg31: memref<!tpu.dma_semaphore, #tpu.memory_space<semaphore_mem>>, %arg32: memref<!tpu.dma_semaphore, #tpu.memory_space<semaphore_mem>>, %arg33: memref<!tpu.dma_semaphore, #tpu.memory_space<semaphore_mem>>) attributes {dimension_semantics = [#tpu.dimension_semantics<core_parallel>, #tpu.dimension_semantics<subcore_parallel>], iteration_bounds = array<i64: 2, 16>, scalar_prefetch = 0 : i64, scratch_operands = 28 : i64, tpu.core_type = #tpu.core_type<sc_vector_subcore>, window_params = [{transform_indices = #map}, {transform_indices = #map1}, {transform_indices = #map}, {transform_indices = #map}]} {
    %mul3A = arith.constant 2 : i32
    %mul3A_0 = arith.muli %arg1, %mul3A : i32
    %add3A = arith.addi %mul3A_0, %arg0 : i32
    %mul3A_1 = arith.constant 128 : i32
    %mul3A_2 = arith.muli %add3A, %mul3A_1 : i32
    %jit3A = arith.constant 512 : i32
    %div3A = arith.divsi %mul3A_2, %jit3A : i32
    %sign3A = arith.constant 0 : i32
    %sign3A_3 = arith.cmpi sgt, %mul3A_2, %sign3A : i32
    %sign3A_4 = arith.extui %sign3A_3 : i1 to i32
    %sign3A_5 = arith.constant 0 : i32
    %sign3A_6 = arith.cmpi slt, %mul3A_2, %sign3A_5 : i32
    %sign3A_7 = arith.extui %sign3A_6 : i1 to i32
    %sign3A_8 = arith.subi %sign3A_4, %sign3A_7 : i32
    %sign3A_9 = arith.constant 0 : i32
    %sign3A_10 = arith.cmpi sgt, %jit3A, %sign3A_9 : i32
    %sign3A_11 = arith.extui %sign3A_10 : i1 to i32
    %sign3A_12 = arith.constant 0 : i32
    %sign3A_13 = arith.cmpi slt, %jit3A, %sign3A_12 : i32
    %sign3A_14 = arith.extui %sign3A_13 : i1 to i32
    %sign3A_15 = arith.subi %sign3A_11, %sign3A_14 : i32
    %ne3A = arith.cmpi ne, %sign3A_8, %sign3A_15 : i32
    %rem3A = arith.remsi %mul3A_2, %jit3A : i32
    %ne3A_16 = arith.constant 0 : i32
    %ne3A_17 = arith.cmpi ne, %rem3A, %ne3A_16 : i32
    %and3A = arith.andi %ne3A, %ne3A_17 : i1
    %sub3A = arith.constant 1 : i32
    %sub3A_18 = arith.subi %div3A, %sub3A : i32
    %select_n3A = arith.select %and3A, %sub3A_18, %div3A : i32
    %mul3A_19 = arith.constant 512 : i32
    %mul3A_20 = arith.muli %select_n3A, %mul3A_19 : i32
    %sub3A_21 = arith.subi %mul3A_2, %mul3A_20 : i32
    %broadcast_in_dim3A = arith.constant 1.000000e+00 : f32
    %broadcast_in_dim3A_22 = vector.broadcast %broadcast_in_dim3A : f32 to vector<16xf32>
    %broadcast_in_dim3A_23 = arith.constant 0.000000e+00 : f32
    %broadcast_in_dim3A_24 = vector.broadcast %broadcast_in_dim3A_23 : f32 to vector<16xf32>
    %iota3A = tpu.iota {dimensions = array<i32: 0>} : vector<16xi32>
    %parallel_loop3A = arith.constant 0 : i32
    %parallel_loop3A_25 = arith.constant 512 : i32
    %parallel_loop3A_26 = arith.constant 16 : i32
    scf.for %parallel_loop3A_148 = %parallel_loop3A to %parallel_loop3A_25 step %parallel_loop3A_26  : i32 {
      %parallel_loop3A_149 = arith.constant 0 : i32
      %parallel_loop3A_150 = arith.addi %parallel_loop3A_149, %parallel_loop3A_148 : i32
      %parallel_loop3A_151 = arith.index_cast %parallel_loop3A_150 : i32 to index
      %parallel_loop3A_152 = tpu.vector_load %arg26[%parallel_loop3A_151] {strides = array<i32>} : memref<1536xf32, #tpu.memory_space<vmem>>, vector<16xf32>,
      tpu.vector_store %arg26[%parallel_loop3A_151], %broadcast_in_dim3A_24 {strides = array<i32>} : memref<1536xf32, #tpu.memory_space<vmem>>, vector<16xf32>,
      %parallel_loop3A_153 = arith.constant 0 : i32
      %parallel_loop3A_154 = arith.addi %parallel_loop3A_153, %parallel_loop3A_148 : i32
      %parallel_loop3A_155 = arith.index_cast %parallel_loop3A_154 : i32 to index
      %parallel_loop3A_156 = tpu.vector_load %arg27[%parallel_loop3A_155] {strides = array<i32>} : memref<1536xf32, #tpu.memory_space<vmem>>, vector<16xf32>,
      tpu.vector_store %arg27[%parallel_loop3A_155], %broadcast_in_dim3A_24 {strides = array<i32>} : memref<1536xf32, #tpu.memory_space<vmem>>, vector<16xf32>,
      %parallel_loop3A_157 = arith.constant 512 : i32
      %parallel_loop3A_158 = arith.addi %parallel_loop3A_157, %parallel_loop3A_148 : i32
      %parallel_loop3A_159 = arith.index_cast %parallel_loop3A_158 : i32 to index
      %parallel_loop3A_160 = tpu.vector_load %arg26[%parallel_loop3A_159] {strides = array<i32>} : memref<1536xf32, #tpu.memory_space<vmem>>, vector<16xf32>,
      tpu.vector_store %arg26[%parallel_loop3A_159], %broadcast_in_dim3A_24 {strides = array<i32>} : memref<1536xf32, #tpu.memory_space<vmem>>, vector<16xf32>,
      %parallel_loop3A_161 = arith.constant 512 : i32
      %parallel_loop3A_162 = arith.addi %parallel_loop3A_161, %parallel_loop3A_148 : i32
      %parallel_loop3A_163 = arith.index_cast %parallel_loop3A_162 : i32 to index
      %parallel_loop3A_164 = tpu.vector_load %arg27[%parallel_loop3A_163] {strides = array<i32>} : memref<1536xf32, #tpu.memory_space<vmem>>, vector<16xf32>,
      tpu.vector_store %arg27[%parallel_loop3A_163], %broadcast_in_dim3A_24 {strides = array<i32>} : memref<1536xf32, #tpu.memory_space<vmem>>, vector<16xf32>,
      %parallel_loop3A_165 = arith.constant 1024 : i32
      %parallel_loop3A_166 = arith.addi %parallel_loop3A_165, %parallel_loop3A_148 : i32
      %parallel_loop3A_167 = arith.index_cast %parallel_loop3A_166 : i32 to index
      %parallel_loop3A_168 = tpu.vector_load %arg26[%parallel_loop3A_167] {strides = array<i32>} : memref<1536xf32, #tpu.memory_space<vmem>>, vector<16xf32>,
      tpu.vector_store %arg26[%parallel_loop3A_167], %broadcast_in_dim3A_24 {strides = array<i32>} : memref<1536xf32, #tpu.memory_space<vmem>>, vector<16xf32>,
      %parallel_loop3A_169 = arith.constant 1024 : i32
      %parallel_loop3A_170 = arith.addi %parallel_loop3A_169, %parallel_loop3A_148 : i32
      %parallel_loop3A_171 = arith.index_cast %parallel_loop3A_170 : i32 to index
      %parallel_loop3A_172 = tpu.vector_load %arg27[%parallel_loop3A_171] {strides = array<i32>} : memref<1536xf32, #tpu.memory_space<vmem>>, vector<16xf32>,
      tpu.vector_store %arg27[%parallel_loop3A_171], %broadcast_in_dim3A_24 {strides = array<i32>} : memref<1536xf32, #tpu.memory_space<vmem>>, vector<16xf32>,
      %parallel_loop3A_173 = arith.index_cast %parallel_loop3A_148 : i32 to index
      %parallel_loop3A_174 = tpu.vector_load %arg28[%parallel_loop3A_173] {strides = array<i32>} : memref<512xf32, #tpu.memory_space<vmem>>, vector<16xf32>,
      tpu.vector_store %arg28[%parallel_loop3A_173], %broadcast_in_dim3A_24 {strides = array<i32>} : memref<512xf32, #tpu.memory_space<vmem>>, vector<16xf32>,
      %parallel_loop3A_175 = arith.index_cast %parallel_loop3A_148 : i32 to index
      %parallel_loop3A_176 = tpu.vector_load %arg29[%parallel_loop3A_175] {strides = array<i32>} : memref<512xf32, #tpu.memory_space<vmem>>, vector<16xf32>,
      tpu.vector_store %arg29[%parallel_loop3A_175], %broadcast_in_dim3A_24 {strides = array<i32>} : memref<512xf32, #tpu.memory_space<vmem>>, vector<16xf32>,
    } {sc.loop_unroll_factor = 1 : i64, sc.parallel_access}
    %add3A_27 = arith.constant 0 : i32
    %add3A_28 = arith.addi %sub3A_21, %add3A_27 : i32
    %dma_start3A = arith.constant 0 : i32
    %dma_start3A_29 = tpu.memref_slice %arg3[%select_n3A, %add3A_28, %dma_start3A] : memref<8x512x512xf32, #tpu.memory_space<hbm>> -> memref<1x8x512xf32, #tpu.memory_space<hbm>>
    %dma_start3A_30 = tpu.memref_squeeze %dma_start3A_29 : memref<1x8x512xf32, #tpu.memory_space<hbm>> -> memref<8x512xf32, #tpu.memory_space<hbm>>
    %dma_start3A_31 = arith.constant 0 : i32
    %dma_start3A_32 = tpu.memref_slice %arg3[%select_n3A, %add3A_28, %dma_start3A_31] : memref<8x512x512xf32, #tpu.memory_space<hbm>> -> memref<1x8x512xf32, #tpu.memory_space<hbm>>
    %dma_start3A_33 = tpu.memref_squeeze %dma_start3A_32 : memref<1x8x512xf32, #tpu.memory_space<hbm>> -> memref<8x512xf32, #tpu.memory_space<hbm>>
    tpu.enqueue_dma source(%dma_start3A_33 : memref<8x512xf32, #tpu.memory_space<hbm>>) target(%arg6 : memref<8x512xf32, #tpu.memory_space<vmem>>) target_semaphore(%arg30 : memref<!tpu.dma_semaphore, #tpu.memory_space<semaphore_mem>>)
    %dma_start3A_34 = arith.constant 0 : i32
    %dma_start3A_35 = arith.constant 0 : i32
    %dma_start3A_36 = tpu.memref_slice %arg2[%select_n3A, %dma_start3A_34, %add3A_28, %dma_start3A_35] : memref<8x3x512x512xf32, #tpu.memory_space<hbm>> -> memref<1x1x8x512xf32, #tpu.memory_space<hbm>>
    %dma_start3A_37 = tpu.memref_squeeze %dma_start3A_36 : memref<1x1x8x512xf32, #tpu.memory_space<hbm>> -> memref<8x512xf32, #tpu.memory_space<hbm>>
    %dma_start3A_38 = arith.constant 0 : i32
    %dma_start3A_39 = tpu.memref_slice %arg2[%select_n3A, %dma_start3A_34, %add3A_28, %dma_start3A_38] : memref<8x3x512x512xf32, #tpu.memory_space<hbm>> -> memref<1x1x8x512xf32, #tpu.memory_space<hbm>>
    %dma_start3A_40 = tpu.memref_squeeze %dma_start3A_39 : memref<1x1x8x512xf32, #tpu.memory_space<hbm>> -> memref<8x512xf32, #tpu.memory_space<hbm>>
    tpu.enqueue_dma source(%dma_start3A_40 : memref<8x512xf32, #tpu.memory_space<hbm>>) target(%arg8 : memref<8x512xf32, #tpu.memory_space<vmem>>) target_semaphore(%arg30 : memref<!tpu.dma_semaphore, #tpu.memory_space<semaphore_mem>>)
    %dma_start3A_41 = arith.constant 1 : i32
    %dma_start3A_42 = arith.constant 0 : i32
    %dma_start3A_43 = tpu.memref_slice %arg2[%select_n3A, %dma_start3A_41, %add3A_28, %dma_start3A_42] : memref<8x3x512x512xf32, #tpu.memory_space<hbm>> -> memref<1x1x8x512xf32, #tpu.memory_space<hbm>>
    %dma_start3A_44 = tpu.memref_squeeze %dma_start3A_43 : memref<1x1x8x512xf32, #tpu.memory_space<hbm>> -> memref<8x512xf32, #tpu.memory_space<hbm>>
    %dma_start3A_45 = arith.constant 0 : i32
    %dma_start3A_46 = tpu.memref_slice %arg2[%select_n3A, %dma_start3A_41, %add3A_28, %dma_start3A_45] : memref<8x3x512x512xf32, #tpu.memory_space<hbm>> -> memref<1x1x8x512xf32, #tpu.memory_space<hbm>>
    %dma_start3A_47 = tpu.memref_squeeze %dma_start3A_46 : memref<1x1x8x512xf32, #tpu.memory_space<hbm>> -> memref<8x512xf32, #tpu.memory_space<hbm>>
    tpu.enqueue_dma source(%dma_start3A_47 : memref<8x512xf32, #tpu.memory_space<hbm>>) target(%arg9 : memref<8x512xf32, #tpu.memory_space<vmem>>) target_semaphore(%arg30 : memref<!tpu.dma_semaphore, #tpu.memory_space<semaphore_mem>>)
    %dma_start3A_48 = arith.constant 2 : i32
    %dma_start3A_49 = arith.constant 0 : i32
    %dma_start3A_50 = tpu.memref_slice %arg2[%select_n3A, %dma_start3A_48, %add3A_28, %dma_start3A_49] : memref<8x3x512x512xf32, #tpu.memory_space<hbm>> -> memref<1x1x8x512xf32, #tpu.memory_space<hbm>>
    %dma_start3A_51 = tpu.memref_squeeze %dma_start3A_50 : memref<1x1x8x512xf32, #tpu.memory_space<hbm>> -> memref<8x512xf32, #tpu.memory_space<hbm>>
    %dma_start3A_52 = arith.constant 0 : i32
    %dma_start3A_53 = tpu.memref_slice %arg2[%select_n3A, %dma_start3A_48, %add3A_28, %dma_start3A_52] : memref<8x3x512x512xf32, #tpu.memory_space<hbm>> -> memref<1x1x8x512xf32, #tpu.memory_space<hbm>>
    %dma_start3A_54 = tpu.memref_squeeze %dma_start3A_53 : memref<1x1x8x512xf32, #tpu.memory_space<hbm>> -> memref<8x512xf32, #tpu.memory_space<hbm>>
    tpu.enqueue_dma source(%dma_start3A_54 : memref<8x512xf32, #tpu.memory_space<hbm>>) target(%arg10 : memref<8x512xf32, #tpu.memory_space<vmem>>) target_semaphore(%arg30 : memref<!tpu.dma_semaphore, #tpu.memory_space<semaphore_mem>>)
    %scan3A = arith.constant 0 : i32
    %scan3A_55 = arith.constant 0 : i32
    %scan3A_56 = arith.constant 8 : i32
    %scan3A_57 = arith.addi %scan3A_55, %scan3A_56 : i32
    %scan3A_58 = arith.constant 1 : i32
    %scan3A_59 = scf.for %scan3A_148 = %scan3A_55 to %scan3A_57 step %scan3A_58 iter_args(%scan3A_149 = %scan3A) -> (i32)  : i32 {
      %mul3A_150 = arith.constant 2 : i32
      %mul3A_151 = arith.muli %mul3A_150, %scan3A_148 : i32
      %add3A_152 = arith.constant 0 : i32
      %add3A_153 = arith.addi %mul3A_151, %add3A_152 : i32
      %add3A_154 = arith.constant 1 : i32
      %add3A_155 = arith.addi %add3A_153, %add3A_154 : i32
      %lt3A = arith.constant 16 : i32
      %lt3A_156 = arith.cmpi slt, %add3A_155, %lt3A : i32
      %convert_element_type3A = arith.extui %lt3A_156 : i1 to i32
      %cond3A = arith.constant 0 : i32
      %cond3A_157 = arith.cmpi ne, %convert_element_type3A, %cond3A : i32
      scf.if %cond3A_157 {
        %add3A_341 = arith.constant 1 : i32
        %add3A_342 = arith.addi %add3A_153, %add3A_341 : i32
        %mul3A_343 = arith.constant 8 : i32
        %mul3A_344 = arith.muli %add3A_342, %mul3A_343 : i32
        %add3A_345 = arith.addi %sub3A_21, %mul3A_344 : i32
        %dma_start3A_346 = arith.constant 0 : i32
        %dma_start3A_347 = tpu.memref_slice %arg3[%select_n3A, %add3A_345, %dma_start3A_346] : memref<8x512x512xf32, #tpu.memory_space<hbm>> -> memref<1x8x512xf32, #tpu.memory_space<hbm>>
        %dma_start3A_348 = tpu.memref_squeeze %dma_start3A_347 : memref<1x8x512xf32, #tpu.memory_space<hbm>> -> memref<8x512xf32, #tpu.memory_space<hbm>>
        %dma_start3A_349 = arith.constant 0 : i32
        %dma_start3A_350 = tpu.memref_slice %arg3[%select_n3A, %add3A_345, %dma_start3A_349] : memref<8x512x512xf32, #tpu.memory_space<hbm>> -> memref<1x8x512xf32, #tpu.memory_space<hbm>>
        %dma_start3A_351 = tpu.memref_squeeze %dma_start3A_350 : memref<1x8x512xf32, #tpu.memory_space<hbm>> -> memref<8x512xf32, #tpu.memory_space<hbm>>
        tpu.enqueue_dma source(%dma_start3A_351 : memref<8x512xf32, #tpu.memory_space<hbm>>) target(%arg7 : memref<8x512xf32, #tpu.memory_space<vmem>>) target_semaphore(%arg31 : memref<!tpu.dma_semaphore, #tpu.memory_space<semaphore_mem>>)
        %dma_start3A_352 = arith.constant 0 : i32
        %dma_start3A_353 = arith.constant 0 : i32
        %dma_start3A_354 = tpu.memref_slice %arg2[%select_n3A, %dma_start3A_352, %add3A_345, %dma_start3A_353] : memref<8x3x512x512xf32, #tpu.memory_space<hbm>> -> memref<1x1x8x512xf32, #tpu.memory_space<hbm>>
        %dma_start3A_355 = tpu.memref_squeeze %dma_start3A_354 : memref<1x1x8x512xf32, #tpu.memory_space<hbm>> -> memref<8x512xf32, #tpu.memory_space<hbm>>
        %dma_start3A_356 = arith.constant 0 : i32
        %dma_start3A_357 = tpu.memref_slice %arg2[%select_n3A, %dma_start3A_352, %add3A_345, %dma_start3A_356] : memref<8x3x512x512xf32, #tpu.memory_space<hbm>> -> memref<1x1x8x512xf32, #tpu.memory_space<hbm>>
        %dma_start3A_358 = tpu.memref_squeeze %dma_start3A_357 : memref<1x1x8x512xf32, #tpu.memory_space<hbm>> -> memref<8x512xf32, #tpu.memory_space<hbm>>
        tpu.enqueue_dma source(%dma_start3A_358 : memref<8x512xf32, #tpu.memory_space<hbm>>) target(%arg11 : memref<8x512xf32, #tpu.memory_space<vmem>>) target_semaphore(%arg31 : memref<!tpu.dma_semaphore, #tpu.memory_space<semaphore_mem>>)
        %dma_start3A_359 = arith.constant 1 : i32
        %dma_start3A_360 = arith.constant 0 : i32
        %dma_start3A_361 = tpu.memref_slice %arg2[%select_n3A, %dma_start3A_359, %add3A_345, %dma_start3A_360] : memref<8x3x512x512xf32, #tpu.memory_space<hbm>> -> memref<1x1x8x512xf32, #tpu.memory_space<hbm>>
        %dma_start3A_362 = tpu.memref_squeeze %dma_start3A_361 : memref<1x1x8x512xf32, #tpu.memory_space<hbm>> -> memref<8x512xf32, #tpu.memory_space<hbm>>
        %dma_start3A_363 = arith.constant 0 : i32
        %dma_start3A_364 = tpu.memref_slice %arg2[%select_n3A, %dma_start3A_359, %add3A_345, %dma_start3A_363] : memref<8x3x512x512xf32, #tpu.memory_space<hbm>> -> memref<1x1x8x512xf32, #tpu.memory_space<hbm>>
        %dma_start3A_365 = tpu.memref_squeeze %dma_start3A_364 : memref<1x1x8x512xf32, #tpu.memory_space<hbm>> -> memref<8x512xf32, #tpu.memory_space<hbm>>
        tpu.enqueue_dma source(%dma_start3A_365 : memref<8x512xf32, #tpu.memory_space<hbm>>) target(%arg12 : memref<8x512xf32, #tpu.memory_space<vmem>>) target_semaphore(%arg31 : memref<!tpu.dma_semaphore, #tpu.memory_space<semaphore_mem>>)
        %dma_start3A_366 = arith.constant 2 : i32
        %dma_start3A_367 = arith.constant 0 : i32
        %dma_start3A_368 = tpu.memref_slice %arg2[%select_n3A, %dma_start3A_366, %add3A_345, %dma_start3A_367] : memref<8x3x512x512xf32, #tpu.memory_space<hbm>> -> memref<1x1x8x512xf32, #tpu.memory_space<hbm>>
        %dma_start3A_369 = tpu.memref_squeeze %dma_start3A_368 : memref<1x1x8x512xf32, #tpu.memory_space<hbm>> -> memref<8x512xf32, #tpu.memory_space<hbm>>
        %dma_start3A_370 = arith.constant 0 : i32
        %dma_start3A_371 = tpu.memref_slice %arg2[%select_n3A, %dma_start3A_366, %add3A_345, %dma_start3A_370] : memref<8x3x512x512xf32, #tpu.memory_space<hbm>> -> memref<1x1x8x512xf32, #tpu.memory_space<hbm>>
        %dma_start3A_372 = tpu.memref_squeeze %dma_start3A_371 : memref<1x1x8x512xf32, #tpu.memory_space<hbm>> -> memref<8x512xf32, #tpu.memory_space<hbm>>
        tpu.enqueue_dma source(%dma_start3A_372 : memref<8x512xf32, #tpu.memory_space<hbm>>) target(%arg13 : memref<8x512xf32, #tpu.memory_space<vmem>>) target_semaphore(%arg31 : memref<!tpu.dma_semaphore, #tpu.memory_space<semaphore_mem>>)
      } else {
      }
      %mul3A_158 = arith.constant 8 : i32
      %mul3A_159 = arith.muli %add3A_153, %mul3A_158 : i32
      %add3A_160 = arith.addi %sub3A_21, %mul3A_159 : i32
      %dma_wait3A_161 = arith.constant 0 : i32
      %dma_wait3A_162 = tpu.memref_slice %arg3[%select_n3A, %add3A_160, %dma_wait3A_161] : memref<8x512x512xf32, #tpu.memory_space<hbm>> -> memref<1x8x512xf32, #tpu.memory_space<hbm>>
      %dma_wait3A_163 = tpu.memref_squeeze %dma_wait3A_162 : memref<1x8x512xf32, #tpu.memory_space<hbm>> -> memref<8x512xf32, #tpu.memory_space<hbm>>
      %dma_wait3A_164 = arith.constant 0 : i32
      %dma_wait3A_165 = tpu.memref_slice %arg3[%select_n3A, %add3A_160, %dma_wait3A_164] : memref<8x512x512xf32, #tpu.memory_space<hbm>> -> memref<1x8x512xf32, #tpu.memory_space<hbm>>
      %dma_wait3A_166 = tpu.memref_squeeze %dma_wait3A_165 : memref<1x8x512xf32, #tpu.memory_space<hbm>> -> memref<8x512xf32, #tpu.memory_space<hbm>>
      tpu.wait_dma2 semaphore(%arg30 : memref<!tpu.dma_semaphore, #tpu.memory_space<semaphore_mem>>) src(%dma_wait3A_166 : memref<8x512xf32, #tpu.memory_space<hbm>>) dst(%arg6 : memref<8x512xf32, #tpu.memory_space<vmem>>)
      %dma_wait3A_167 = arith.constant 0 : i32
      %dma_wait3A_168 = arith.constant 0 : i32
      %dma_wait3A_169 = tpu.memref_slice %arg2[%select_n3A, %dma_wait3A_167, %add3A_160, %dma_wait3A_168] : memref<8x3x512x512xf32, #tpu.memory_space<hbm>> -> memref<1x1x8x512xf32, #tpu.memory_space<hbm>>
      %dma_wait3A_170 = tpu.memref_squeeze %dma_wait3A_169 : memref<1x1x8x512xf32, #tpu.memory_space<hbm>> -> memref<8x512xf32, #tpu.memory_space<hbm>>
      %dma_wait3A_171 = arith.constant 0 : i32
      %dma_wait3A_172 = tpu.memref_slice %arg2[%select_n3A, %dma_wait3A_167, %add3A_160, %dma_wait3A_171] : memref<8x3x512x512xf32, #tpu.memory_space<hbm>> -> memref<1x1x8x512xf32, #tpu.memory_space<hbm>>
      %dma_wait3A_173 = tpu.memref_squeeze %dma_wait3A_172 : memref<1x1x8x512xf32, #tpu.memory_space<hbm>> -> memref<8x512xf32, #tpu.memory_space<hbm>>
      tpu.wait_dma2 semaphore(%arg30 : memref<!tpu.dma_semaphore, #tpu.memory_space<semaphore_mem>>) src(%dma_wait3A_173 : memref<8x512xf32, #tpu.memory_space<hbm>>) dst(%arg8 : memref<8x512xf32, #tpu.memory_space<vmem>>)
      %dma_wait3A_174 = arith.constant 1 : i32
      %dma_wait3A_175 = arith.constant 0 : i32
      %dma_wait3A_176 = tpu.memref_slice %arg2[%select_n3A, %dma_wait3A_174, %add3A_160, %dma_wait3A_175] : memref<8x3x512x512xf32, #tpu.memory_space<hbm>> -> memref<1x1x8x512xf32, #tpu.memory_space<hbm>>
      %dma_wait3A_177 = tpu.memref_squeeze %dma_wait3A_176 : memref<1x1x8x512xf32, #tpu.memory_space<hbm>> -> memref<8x512xf32, #tpu.memory_space<hbm>>
      %dma_wait3A_178 = arith.constant 0 : i32
      %dma_wait3A_179 = tpu.memref_slice %arg2[%select_n3A, %dma_wait3A_174, %add3A_160, %dma_wait3A_178] : memref<8x3x512x512xf32, #tpu.memory_space<hbm>> -> memref<1x1x8x512xf32, #tpu.memory_space<hbm>>
      %dma_wait3A_180 = tpu.memref_squeeze %dma_wait3A_179 : memref<1x1x8x512xf32, #tpu.memory_space<hbm>> -> memref<8x512xf32, #tpu.memory_space<hbm>>
      tpu.wait_dma2 semaphore(%arg30 : memref<!tpu.dma_semaphore, #tpu.memory_space<semaphore_mem>>) src(%dma_wait3A_180 : memref<8x512xf32, #tpu.memory_space<hbm>>) dst(%arg9 : memref<8x512xf32, #tpu.memory_space<vmem>>)
      %dma_wait3A_181 = arith.constant 2 : i32
      %dma_wait3A_182 = arith.constant 0 : i32
      %dma_wait3A_183 = tpu.memref_slice %arg2[%select_n3A, %dma_wait3A_181, %add3A_160, %dma_wait3A_182] : memref<8x3x512x512xf32, #tpu.memory_space<hbm>> -> memref<1x1x8x512xf32, #tpu.memory_space<hbm>>
      %dma_wait3A_184 = tpu.memref_squeeze %dma_wait3A_183 : memref<1x1x8x512xf32, #tpu.memory_space<hbm>> -> memref<8x512xf32, #tpu.memory_space<hbm>>
      %dma_wait3A_185 = arith.constant 0 : i32
      %dma_wait3A_186 = tpu.memref_slice %arg2[%select_n3A, %dma_wait3A_181, %add3A_160, %dma_wait3A_185] : memref<8x3x512x512xf32, #tpu.memory_space<hbm>> -> memref<1x1x8x512xf32, #tpu.memory_space<hbm>>
      %dma_wait3A_187 = tpu.memref_squeeze %dma_wait3A_186 : memref<1x1x8x512xf32, #tpu.memory_space<hbm>> -> memref<8x512xf32, #tpu.memory_space<hbm>>
      tpu.wait_dma2 semaphore(%arg30 : memref<!tpu.dma_semaphore, #tpu.memory_space<semaphore_mem>>) src(%dma_wait3A_187 : memref<8x512xf32, #tpu.memory_space<hbm>>) dst(%arg10 : memref<8x512xf32, #tpu.memory_space<vmem>>)
      %gt3A = arith.constant 0 : i32
      %gt3A_188 = arith.cmpi sgt, %scan3A_148, %gt3A : i32
      %convert_element_type3A_189 = arith.extui %gt3A_188 : i1 to i32
      %cond3A_190 = arith.constant 0 : i32
      %cond3A_191 = arith.cmpi ne, %convert_element_type3A_189, %cond3A_190 : i32
      scf.if %cond3A_191 {
        %sub3A_341 = arith.constant 2 : i32
        %sub3A_342 = arith.subi %add3A_153, %sub3A_341 : i32
        %mul3A_343 = arith.constant 8 : i32
        %mul3A_344 = arith.muli %sub3A_342, %mul3A_343 : i32
        %add3A_345 = arith.addi %sub3A_21, %mul3A_344 : i32
        %dma_wait3A_346 = arith.constant 0 : i32
        %dma_wait3A_347 = arith.constant 0 : i32
        %dma_wait3A_348 = tpu.memref_slice %arg4[%select_n3A, %dma_wait3A_346, %add3A_345, %dma_wait3A_347] : memref<8x3x512x512xf32, #tpu.memory_space<hbm>> -> memref<1x1x8x512xf32, #tpu.memory_space<hbm>>
        %dma_wait3A_349 = tpu.memref_squeeze %dma_wait3A_348 : memref<1x1x8x512xf32, #tpu.memory_space<hbm>> -> memref<8x512xf32, #tpu.memory_space<hbm>>
        %dma_wait3A_350 = arith.constant 0 : i32
        %dma_wait3A_351 = tpu.memref_slice %arg4[%select_n3A, %dma_wait3A_346, %add3A_345, %dma_wait3A_350] : memref<8x3x512x512xf32, #tpu.memory_space<hbm>> -> memref<1x1x8x512xf32, #tpu.memory_space<hbm>>
        %dma_wait3A_352 = tpu.memref_squeeze %dma_wait3A_351 : memref<1x1x8x512xf32, #tpu.memory_space<hbm>> -> memref<8x512xf32, #tpu.memory_space<hbm>>
        tpu.wait_dma2 semaphore(%arg32 : memref<!tpu.dma_semaphore, #tpu.memory_space<semaphore_mem>>) src(%arg14 : memref<8x512xf32, #tpu.memory_space<vmem>>) dst(%dma_wait3A_352 : memref<8x512xf32, #tpu.memory_space<hbm>>)
        %dma_wait3A_353 = arith.constant 0 : i32
        %dma_wait3A_354 = arith.constant 0 : i32
        %dma_wait3A_355 = tpu.memref_slice %arg5[%select_n3A, %dma_wait3A_353, %add3A_345, %dma_wait3A_354] : memref<8x3x512x512xf32, #tpu.memory_space<hbm>> -> memref<1x1x8x512xf32, #tpu.memory_space<hbm>>
        %dma_wait3A_356 = tpu.memref_squeeze %dma_wait3A_355 : memref<1x1x8x512xf32, #tpu.memory_space<hbm>> -> memref<8x512xf32, #tpu.memory_space<hbm>>
        %dma_wait3A_357 = arith.constant 0 : i32
        %dma_wait3A_358 = tpu.memref_slice %arg5[%select_n3A, %dma_wait3A_353, %add3A_345, %dma_wait3A_357] : memref<8x3x512x512xf32, #tpu.memory_space<hbm>> -> memref<1x1x8x512xf32, #tpu.memory_space<hbm>>
        %dma_wait3A_359 = tpu.memref_squeeze %dma_wait3A_358 : memref<1x1x8x512xf32, #tpu.memory_space<hbm>> -> memref<8x512xf32, #tpu.memory_space<hbm>>
        tpu.wait_dma2 semaphore(%arg32 : memref<!tpu.dma_semaphore, #tpu.memory_space<semaphore_mem>>) src(%arg20 : memref<8x512xf32, #tpu.memory_space<vmem>>) dst(%dma_wait3A_359 : memref<8x512xf32, #tpu.memory_space<hbm>>)
        %dma_wait3A_360 = arith.constant 1 : i32
        %dma_wait3A_361 = arith.constant 0 : i32
        %dma_wait3A_362 = tpu.memref_slice %arg4[%select_n3A, %dma_wait3A_360, %add3A_345, %dma_wait3A_361] : memref<8x3x512x512xf32, #tpu.memory_space<hbm>> -> memref<1x1x8x512xf32, #tpu.memory_space<hbm>>
        %dma_wait3A_363 = tpu.memref_squeeze %dma_wait3A_362 : memref<1x1x8x512xf32, #tpu.memory_space<hbm>> -> memref<8x512xf32, #tpu.memory_space<hbm>>
        %dma_wait3A_364 = arith.constant 0 : i32
        %dma_wait3A_365 = tpu.memref_slice %arg4[%select_n3A, %dma_wait3A_360, %add3A_345, %dma_wait3A_364] : memref<8x3x512x512xf32, #tpu.memory_space<hbm>> -> memref<1x1x8x512xf32, #tpu.memory_space<hbm>>
        %dma_wait3A_366 = tpu.memref_squeeze %dma_wait3A_365 : memref<1x1x8x512xf32, #tpu.memory_space<hbm>> -> memref<8x512xf32, #tpu.memory_space<hbm>>
        tpu.wait_dma2 semaphore(%arg32 : memref<!tpu.dma_semaphore, #tpu.memory_space<semaphore_mem>>) src(%arg15 : memref<8x512xf32, #tpu.memory_space<vmem>>) dst(%dma_wait3A_366 : memref<8x512xf32, #tpu.memory_space<hbm>>)
        %dma_wait3A_367 = arith.constant 1 : i32
        %dma_wait3A_368 = arith.constant 0 : i32
        %dma_wait3A_369 = tpu.memref_slice %arg5[%select_n3A, %dma_wait3A_367, %add3A_345, %dma_wait3A_368] : memref<8x3x512x512xf32, #tpu.memory_space<hbm>> -> memref<1x1x8x512xf32, #tpu.memory_space<hbm>>
        %dma_wait3A_370 = tpu.memref_squeeze %dma_wait3A_369 : memref<1x1x8x512xf32, #tpu.memory_space<hbm>> -> memref<8x512xf32, #tpu.memory_space<hbm>>
        %dma_wait3A_371 = arith.constant 0 : i32
        %dma_wait3A_372 = tpu.memref_slice %arg5[%select_n3A, %dma_wait3A_367, %add3A_345, %dma_wait3A_371] : memref<8x3x512x512xf32, #tpu.memory_space<hbm>> -> memref<1x1x8x512xf32, #tpu.memory_space<hbm>>
        %dma_wait3A_373 = tpu.memref_squeeze %dma_wait3A_372 : memref<1x1x8x512xf32, #tpu.memory_space<hbm>> -> memref<8x512xf32, #tpu.memory_space<hbm>>
        tpu.wait_dma2 semaphore(%arg32 : memref<!tpu.dma_semaphore, #tpu.memory_space<semaphore_mem>>) src(%arg21 : memref<8x512xf32, #tpu.memory_space<vmem>>) dst(%dma_wait3A_373 : memref<8x512xf32, #tpu.memory_space<hbm>>)
        %dma_wait3A_374 = arith.constant 2 : i32
        %dma_wait3A_375 = arith.constant 0 : i32
        %dma_wait3A_376 = tpu.memref_slice %arg4[%select_n3A, %dma_wait3A_374, %add3A_345, %dma_wait3A_375] : memref<8x3x512x512xf32, #tpu.memory_space<hbm>> -> memref<1x1x8x512xf32, #tpu.memory_space<hbm>>
        %dma_wait3A_377 = tpu.memref_squeeze %dma_wait3A_376 : memref<1x1x8x512xf32, #tpu.memory_space<hbm>> -> memref<8x512xf32, #tpu.memory_space<hbm>>
        %dma_wait3A_378 = arith.constant 0 : i32
        %dma_wait3A_379 = tpu.memref_slice %arg4[%select_n3A, %dma_wait3A_374, %add3A_345, %dma_wait3A_378] : memref<8x3x512x512xf32, #tpu.memory_space<hbm>> -> memref<1x1x8x512xf32, #tpu.memory_space<hbm>>
        %dma_wait3A_380 = tpu.memref_squeeze %dma_wait3A_379 : memref<1x1x8x512xf32, #tpu.memory_space<hbm>> -> memref<8x512xf32, #tpu.memory_space<hbm>>
        tpu.wait_dma2 semaphore(%arg32 : memref<!tpu.dma_semaphore, #tpu.memory_space<semaphore_mem>>) src(%arg16 : memref<8x512xf32, #tpu.memory_space<vmem>>) dst(%dma_wait3A_380 : memref<8x512xf32, #tpu.memory_space<hbm>>)
        %dma_wait3A_381 = arith.constant 2 : i32
        %dma_wait3A_382 = arith.constant 0 : i32
        %dma_wait3A_383 = tpu.memref_slice %arg5[%select_n3A, %dma_wait3A_381, %add3A_345, %dma_wait3A_382] : memref<8x3x512x512xf32, #tpu.memory_space<hbm>> -> memref<1x1x8x512xf32, #tpu.memory_space<hbm>>
        %dma_wait3A_384 = tpu.memref_squeeze %dma_wait3A_383 : memref<1x1x8x512xf32, #tpu.memory_space<hbm>> -> memref<8x512xf32, #tpu.memory_space<hbm>>
        %dma_wait3A_385 = arith.constant 0 : i32
        %dma_wait3A_386 = tpu.memref_slice %arg5[%select_n3A, %dma_wait3A_381, %add3A_345, %dma_wait3A_385] : memref<8x3x512x512xf32, #tpu.memory_space<hbm>> -> memref<1x1x8x512xf32, #tpu.memory_space<hbm>>
        %dma_wait3A_387 = tpu.memref_squeeze %dma_wait3A_386 : memref<1x1x8x512xf32, #tpu.memory_space<hbm>> -> memref<8x512xf32, #tpu.memory_space<hbm>>
        tpu.wait_dma2 semaphore(%arg32 : memref<!tpu.dma_semaphore, #tpu.memory_space<semaphore_mem>>) src(%arg22 : memref<8x512xf32, #tpu.memory_space<vmem>>) dst(%dma_wait3A_387 : memref<8x512xf32, #tpu.memory_space<hbm>>)
      } else {
      }
      %scan3A_192 = arith.constant 0 : i32
      %scan3A_193 = arith.constant 0 : i32
      %scan3A_194 = arith.constant 8 : i32
      %scan3A_195 = arith.addi %scan3A_193, %scan3A_194 : i32
      %scan3A_196 = arith.constant 1 : i32
      %scan3A_197 = scf.for %scan3A_341 = %scan3A_193 to %scan3A_195 step %scan3A_196 iter_args(%scan3A_342 = %scan3A_192) -> (i32)  : i32 {
        %parallel_loop3A_343 = arith.constant 0 : i32
        %parallel_loop3A_344 = arith.constant 512 : i32
        %parallel_loop3A_345 = arith.constant 16 : i32
        scf.for %parallel_loop3A_350 = %parallel_loop3A_343 to %parallel_loop3A_344 step %parallel_loop3A_345  : i32 {
          %parallel_loop3A_351 = arith.index_cast %scan3A_341 : i32 to index
          %parallel_loop3A_352 = arith.index_cast %parallel_loop3A_350 : i32 to index
          %parallel_loop3A_353 = tpu.vector_load %arg6[%parallel_loop3A_351, %parallel_loop3A_352] {strides = array<i32>} : memref<8x512xf32, #tpu.memory_space<vmem>>, vector<16xf32>,
          %parallel_loop3A_354 = arith.constant -1.024000e+03 : f32
          %parallel_loop3A_355 = vector.broadcast %parallel_loop3A_354 : f32 to vector<16xf32>
          %parallel_loop3A_356 = arith.maximumf %parallel_loop3A_353, %parallel_loop3A_355 : vector<16xf32>
          %parallel_loop3A_357 = arith.constant 1.024000e+03 : f32
          %parallel_loop3A_358 = vector.broadcast %parallel_loop3A_357 : f32 to vector<16xf32>
          %parallel_loop3A_359 = arith.minimumf %parallel_loop3A_356, %parallel_loop3A_358 : vector<16xf32>
          %parallel_loop3A_360 = arith.constant 0x4B400000 : f32
          %parallel_loop3A_361 = vector.broadcast %parallel_loop3A_360 : f32 to vector<16xf32>
          %parallel_loop3A_362 = arith.addf %parallel_loop3A_359, %parallel_loop3A_361 : vector<16xf32>
          %parallel_loop3A_363 = arith.constant 0x4B400000 : f32
          %parallel_loop3A_364 = vector.broadcast %parallel_loop3A_363 : f32 to vector<16xf32>
          %parallel_loop3A_365 = arith.subf %parallel_loop3A_362, %parallel_loop3A_364 : vector<16xf32>
          %parallel_loop3A_366 = arith.fptosi %parallel_loop3A_365 : vector<16xf32> to vector<16xi32>
          %parallel_loop3A_367 = vector.broadcast %parallel_loop3A_350 : i32 to vector<16xi32>
          %parallel_loop3A_368 = arith.addi %iota3A, %parallel_loop3A_367 : vector<16xi32>
          %parallel_loop3A_369 = arith.addi %parallel_loop3A_368, %parallel_loop3A_366 : vector<16xi32>
          %parallel_loop3A_370 = arith.constant 0 : i32
          %parallel_loop3A_371 = arith.constant 511 : i32
          %parallel_loop3A_372 = vector.broadcast %parallel_loop3A_370 : i32 to vector<16xi32>
          %parallel_loop3A_373 = arith.maxsi %parallel_loop3A_372, %parallel_loop3A_369 : vector<16xi32>
          %parallel_loop3A_374 = vector.broadcast %parallel_loop3A_371 : i32 to vector<16xi32>
          %parallel_loop3A_375 = arith.minsi %parallel_loop3A_374, %parallel_loop3A_373 : vector<16xi32>
          %parallel_loop3A_376 = arith.subi %parallel_loop3A_368, %parallel_loop3A_366 : vector<16xi32>
          %parallel_loop3A_377 = arith.constant 0 : i32
          %parallel_loop3A_378 = arith.constant 511 : i32
          %parallel_loop3A_379 = vector.broadcast %parallel_loop3A_377 : i32 to vector<16xi32>
          %parallel_loop3A_380 = arith.maxsi %parallel_loop3A_379, %parallel_loop3A_376 : vector<16xi32>
          %parallel_loop3A_381 = vector.broadcast %parallel_loop3A_378 : i32 to vector<16xi32>
          %parallel_loop3A_382 = arith.minsi %parallel_loop3A_381, %parallel_loop3A_380 : vector<16xi32>
          %parallel_loop3A_383 = arith.index_cast %scan3A_341 : i32 to index
          %parallel_loop3A_384 = arith.index_cast %parallel_loop3A_350 : i32 to index
          %parallel_loop3A_385 = tpu.vector_load %arg8[%parallel_loop3A_383, %parallel_loop3A_384] {strides = array<i32>} : memref<8x512xf32, #tpu.memory_space<vmem>>, vector<16xf32>,
          %parallel_loop3A_386 = arith.constant 0 : i32
          %parallel_loop3A_387 = vector.broadcast %parallel_loop3A_386 : i32 to vector<16xi32>
          %parallel_loop3A_388 = arith.addi %parallel_loop3A_375, %parallel_loop3A_387 : vector<16xi32>
          tpu.vector_store_idx %arg26[%parallel_loop3A_388], %parallel_loop3A_385 {add = true} : memref<1536xf32, #tpu.memory_space<vmem>>[vector<16xi32>], vector<16xf32>,
          %parallel_loop3A_389 = arith.constant 0 : i32
          %parallel_loop3A_390 = vector.broadcast %parallel_loop3A_389 : i32 to vector<16xi32>
          %parallel_loop3A_391 = arith.addi %parallel_loop3A_382, %parallel_loop3A_390 : vector<16xi32>
          tpu.vector_store_idx %arg27[%parallel_loop3A_391], %parallel_loop3A_385 {add = true} : memref<1536xf32, #tpu.memory_space<vmem>>[vector<16xi32>], vector<16xf32>,
          %parallel_loop3A_392 = arith.index_cast %scan3A_341 : i32 to index
          %parallel_loop3A_393 = arith.index_cast %parallel_loop3A_350 : i32 to index
          %parallel_loop3A_394 = tpu.vector_load %arg9[%parallel_loop3A_392, %parallel_loop3A_393] {strides = array<i32>} : memref<8x512xf32, #tpu.memory_space<vmem>>, vector<16xf32>,
          %parallel_loop3A_395 = arith.constant 512 : i32
          %parallel_loop3A_396 = vector.broadcast %parallel_loop3A_395 : i32 to vector<16xi32>
          %parallel_loop3A_397 = arith.addi %parallel_loop3A_375, %parallel_loop3A_396 : vector<16xi32>
          tpu.vector_store_idx %arg26[%parallel_loop3A_397], %parallel_loop3A_394 {add = true} : memref<1536xf32, #tpu.memory_space<vmem>>[vector<16xi32>], vector<16xf32>,
          %parallel_loop3A_398 = arith.constant 512 : i32
          %parallel_loop3A_399 = vector.broadcast %parallel_loop3A_398 : i32 to vector<16xi32>
          %parallel_loop3A_400 = arith.addi %parallel_loop3A_382, %parallel_loop3A_399 : vector<16xi32>
          tpu.vector_store_idx %arg27[%parallel_loop3A_400], %parallel_loop3A_394 {add = true} : memref<1536xf32, #tpu.memory_space<vmem>>[vector<16xi32>], vector<16xf32>,
          %parallel_loop3A_401 = arith.index_cast %scan3A_341 : i32 to index
          %parallel_loop3A_402 = arith.index_cast %parallel_loop3A_350 : i32 to index
          %parallel_loop3A_403 = tpu.vector_load %arg10[%parallel_loop3A_401, %parallel_loop3A_402] {strides = array<i32>} : memref<8x512xf32, #tpu.memory_space<vmem>>, vector<16xf32>,
          %parallel_loop3A_404 = arith.constant 1024 : i32
          %parallel_loop3A_405 = vector.broadcast %parallel_loop3A_404 : i32 to vector<16xi32>
          %parallel_loop3A_406 = arith.addi %parallel_loop3A_375, %parallel_loop3A_405 : vector<16xi32>
          tpu.vector_store_idx %arg26[%parallel_loop3A_406], %parallel_loop3A_403 {add = true} : memref<1536xf32, #tpu.memory_space<vmem>>[vector<16xi32>], vector<16xf32>,
          %parallel_loop3A_407 = arith.constant 1024 : i32
          %parallel_loop3A_408 = vector.broadcast %parallel_loop3A_407 : i32 to vector<16xi32>
          %parallel_loop3A_409 = arith.addi %parallel_loop3A_382, %parallel_loop3A_408 : vector<16xi32>
          tpu.vector_store_idx %arg27[%parallel_loop3A_409], %parallel_loop3A_403 {add = true} : memref<1536xf32, #tpu.memory_space<vmem>>[vector<16xi32>], vector<16xf32>,
          tpu.vector_store_idx %arg28[%parallel_loop3A_375], %broadcast_in_dim3A_22 {add = true} : memref<512xf32, #tpu.memory_space<vmem>>[vector<16xi32>], vector<16xf32>,
          tpu.vector_store_idx %arg29[%parallel_loop3A_382], %broadcast_in_dim3A_22 {add = true} : memref<512xf32, #tpu.memory_space<vmem>>[vector<16xi32>], vector<16xf32>,
        } {sc.loop_unroll_factor = 8 : i64, sc.parallel_access}
        %parallel_loop3A_346 = arith.constant 0 : i32
        %parallel_loop3A_347 = arith.constant 512 : i32
        %parallel_loop3A_348 = arith.constant 16 : i32
        scf.for %parallel_loop3A_350 = %parallel_loop3A_346 to %parallel_loop3A_347 step %parallel_loop3A_348  : i32 {
          %parallel_loop3A_351 = arith.index_cast %parallel_loop3A_350 : i32 to index
          %parallel_loop3A_352 = tpu.vector_load %arg28[%parallel_loop3A_351] {strides = array<i32>} : memref<512xf32, #tpu.memory_space<vmem>>, vector<16xf32>,
          %parallel_loop3A_353 = arith.constant 1.000000e+00 : f32
          %parallel_loop3A_354 = vector.broadcast %parallel_loop3A_353 : f32 to vector<16xf32>
          %parallel_loop3A_355 = arith.maximumf %parallel_loop3A_352, %parallel_loop3A_354 : vector<16xf32>
          %parallel_loop3A_356 = arith.constant 1.000000e+00 : f32
          %parallel_loop3A_357 = vector.broadcast %parallel_loop3A_356 : f32 to vector<16xf32>
          %parallel_loop3A_358 = arith.divf %parallel_loop3A_357, %parallel_loop3A_355 : vector<16xf32>
          %parallel_loop3A_359 = arith.index_cast %parallel_loop3A_350 : i32 to index
          %parallel_loop3A_360 = tpu.vector_load %arg29[%parallel_loop3A_359] {strides = array<i32>} : memref<512xf32, #tpu.memory_space<vmem>>, vector<16xf32>,
          %parallel_loop3A_361 = arith.constant 1.000000e+00 : f32
          %parallel_loop3A_362 = vector.broadcast %parallel_loop3A_361 : f32 to vector<16xf32>
          %parallel_loop3A_363 = arith.maximumf %parallel_loop3A_360, %parallel_loop3A_362 : vector<16xf32>
          %parallel_loop3A_364 = arith.constant 1.000000e+00 : f32
          %parallel_loop3A_365 = vector.broadcast %parallel_loop3A_364 : f32 to vector<16xf32>
          %parallel_loop3A_366 = arith.divf %parallel_loop3A_365, %parallel_loop3A_363 : vector<16xf32>
          %parallel_loop3A_367 = arith.constant 0 : i32
          %parallel_loop3A_368 = arith.addi %parallel_loop3A_367, %parallel_loop3A_350 : i32
          %parallel_loop3A_369 = arith.index_cast %parallel_loop3A_368 : i32 to index
          %parallel_loop3A_370 = tpu.vector_load %arg26[%parallel_loop3A_369] {strides = array<i32>} : memref<1536xf32, #tpu.memory_space<vmem>>, vector<16xf32>,
          %parallel_loop3A_371 = arith.mulf %parallel_loop3A_370, %parallel_loop3A_358 : vector<16xf32>
          %parallel_loop3A_372 = arith.index_cast %scan3A_341 : i32 to index
          %parallel_loop3A_373 = arith.index_cast %parallel_loop3A_350 : i32 to index
          %parallel_loop3A_374 = tpu.vector_load %arg14[%parallel_loop3A_372, %parallel_loop3A_373] {strides = array<i32>} : memref<8x512xf32, #tpu.memory_space<vmem>>, vector<16xf32>,
          tpu.vector_store %arg14[%parallel_loop3A_372, %parallel_loop3A_373], %parallel_loop3A_371 {strides = array<i32>} : memref<8x512xf32, #tpu.memory_space<vmem>>, vector<16xf32>,
          %parallel_loop3A_375 = arith.constant 0 : i32
          %parallel_loop3A_376 = arith.addi %parallel_loop3A_375, %parallel_loop3A_350 : i32
          %parallel_loop3A_377 = arith.index_cast %parallel_loop3A_376 : i32 to index
          %parallel_loop3A_378 = tpu.vector_load %arg27[%parallel_loop3A_377] {strides = array<i32>} : memref<1536xf32, #tpu.memory_space<vmem>>, vector<16xf32>,
          %parallel_loop3A_379 = arith.mulf %parallel_loop3A_378, %parallel_loop3A_366 : vector<16xf32>
          %parallel_loop3A_380 = arith.index_cast %scan3A_341 : i32 to index
          %parallel_loop3A_381 = arith.index_cast %parallel_loop3A_350 : i32 to index
          %parallel_loop3A_382 = tpu.vector_load %arg20[%parallel_loop3A_380, %parallel_loop3A_381] {strides = array<i32>} : memref<8x512xf32, #tpu.memory_space<vmem>>, vector<16xf32>,
          tpu.vector_store %arg20[%parallel_loop3A_380, %parallel_loop3A_381], %parallel_loop3A_379 {strides = array<i32>} : memref<8x512xf32, #tpu.memory_space<vmem>>, vector<16xf32>,
          %parallel_loop3A_383 = arith.constant 0 : i32
          %parallel_loop3A_384 = arith.addi %parallel_loop3A_383, %parallel_loop3A_350 : i32
          %parallel_loop3A_385 = arith.index_cast %parallel_loop3A_384 : i32 to index
          %parallel_loop3A_386 = tpu.vector_load %arg26[%parallel_loop3A_385] {strides = array<i32>} : memref<1536xf32, #tpu.memory_space<vmem>>, vector<16xf32>,
          tpu.vector_store %arg26[%parallel_loop3A_385], %broadcast_in_dim3A_24 {strides = array<i32>} : memref<1536xf32, #tpu.memory_space<vmem>>, vector<16xf32>,
          %parallel_loop3A_387 = arith.constant 0 : i32
          %parallel_loop3A_388 = arith.addi %parallel_loop3A_387, %parallel_loop3A_350 : i32
          %parallel_loop3A_389 = arith.index_cast %parallel_loop3A_388 : i32 to index
          %parallel_loop3A_390 = tpu.vector_load %arg27[%parallel_loop3A_389] {strides = array<i32>} : memref<1536xf32, #tpu.memory_space<vmem>>, vector<16xf32>,
          tpu.vector_store %arg27[%parallel_loop3A_389], %broadcast_in_dim3A_24 {strides = array<i32>} : memref<1536xf32, #tpu.memory_space<vmem>>, vector<16xf32>,
          %parallel_loop3A_391 = arith.constant 512 : i32
          %parallel_loop3A_392 = arith.addi %parallel_loop3A_391, %parallel_loop3A_350 : i32
          %parallel_loop3A_393 = arith.index_cast %parallel_loop3A_392 : i32 to index
          %parallel_loop3A_394 = tpu.vector_load %arg26[%parallel_loop3A_393] {strides = array<i32>} : memref<1536xf32, #tpu.memory_space<vmem>>, vector<16xf32>,
          %parallel_loop3A_395 = arith.mulf %parallel_loop3A_394, %parallel_loop3A_358 : vector<16xf32>
          %parallel_loop3A_396 = arith.index_cast %scan3A_341 : i32 to index
          %parallel_loop3A_397 = arith.index_cast %parallel_loop3A_350 : i32 to index
          %parallel_loop3A_398 = tpu.vector_load %arg15[%parallel_loop3A_396, %parallel_loop3A_397] {strides = array<i32>} : memref<8x512xf32, #tpu.memory_space<vmem>>, vector<16xf32>,
          tpu.vector_store %arg15[%parallel_loop3A_396, %parallel_loop3A_397], %parallel_loop3A_395 {strides = array<i32>} : memref<8x512xf32, #tpu.memory_space<vmem>>, vector<16xf32>,
          %parallel_loop3A_399 = arith.constant 512 : i32
          %parallel_loop3A_400 = arith.addi %parallel_loop3A_399, %parallel_loop3A_350 : i32
          %parallel_loop3A_401 = arith.index_cast %parallel_loop3A_400 : i32 to index
          %parallel_loop3A_402 = tpu.vector_load %arg27[%parallel_loop3A_401] {strides = array<i32>} : memref<1536xf32, #tpu.memory_space<vmem>>, vector<16xf32>,
          %parallel_loop3A_403 = arith.mulf %parallel_loop3A_402, %parallel_loop3A_366 : vector<16xf32>
          %parallel_loop3A_404 = arith.index_cast %scan3A_341 : i32 to index
          %parallel_loop3A_405 = arith.index_cast %parallel_loop3A_350 : i32 to index
          %parallel_loop3A_406 = tpu.vector_load %arg21[%parallel_loop3A_404, %parallel_loop3A_405] {strides = array<i32>} : memref<8x512xf32, #tpu.memory_space<vmem>>, vector<16xf32>,
          tpu.vector_store %arg21[%parallel_loop3A_404, %parallel_loop3A_405], %parallel_loop3A_403 {strides = array<i32>} : memref<8x512xf32, #tpu.memory_space<vmem>>, vector<16xf32>,
          %parallel_loop3A_407 = arith.constant 512 : i32
          %parallel_loop3A_408 = arith.addi %parallel_loop3A_407, %parallel_loop3A_350 : i32
          %parallel_loop3A_409 = arith.index_cast %parallel_loop3A_408 : i32 to index
          %parallel_loop3A_410 = tpu.vector_load %arg26[%parallel_loop3A_409] {strides = array<i32>} : memref<1536xf32, #tpu.memory_space<vmem>>, vector<16xf32>,
          tpu.vector_store %arg26[%parallel_loop3A_409], %broadcast_in_dim3A_24 {strides = array<i32>} : memref<1536xf32, #tpu.memory_space<vmem>>, vector<16xf32>,
          %parallel_loop3A_411 = arith.constant 512 : i32
          %parallel_loop3A_412 = arith.addi %parallel_loop3A_411, %parallel_loop3A_350 : i32
          %parallel_loop3A_413 = arith.index_cast %parallel_loop3A_412 : i32 to index
          %parallel_loop3A_414 = tpu.vector_load %arg27[%parallel_loop3A_413] {strides = array<i32>} : memref<1536xf32, #tpu.memory_space<vmem>>, vector<16xf32>,
          tpu.vector_store %arg27[%parallel_loop3A_413], %broadcast_in_dim3A_24 {strides = array<i32>} : memref<1536xf32, #tpu.memory_space<vmem>>, vector<16xf32>,
          %parallel_loop3A_415 = arith.constant 1024 : i32
          %parallel_loop3A_416 = arith.addi %parallel_loop3A_415, %parallel_loop3A_350 : i32
          %parallel_loop3A_417 = arith.index_cast %parallel_loop3A_416 : i32 to index
          %parallel_loop3A_418 = tpu.vector_load %arg26[%parallel_loop3A_417] {strides = array<i32>} : memref<1536xf32, #tpu.memory_space<vmem>>, vector<16xf32>,
          %parallel_loop3A_419 = arith.mulf %parallel_loop3A_418, %parallel_loop3A_358 : vector<16xf32>
          %parallel_loop3A_420 = arith.index_cast %scan3A_341 : i32 to index
          %parallel_loop3A_421 = arith.index_cast %parallel_loop3A_350 : i32 to index
          %parallel_loop3A_422 = tpu.vector_load %arg16[%parallel_loop3A_420, %parallel_loop3A_421] {strides = array<i32>} : memref<8x512xf32, #tpu.memory_space<vmem>>, vector<16xf32>,
          tpu.vector_store %arg16[%parallel_loop3A_420, %parallel_loop3A_421], %parallel_loop3A_419 {strides = array<i32>} : memref<8x512xf32, #tpu.memory_space<vmem>>, vector<16xf32>,
          %parallel_loop3A_423 = arith.constant 1024 : i32
          %parallel_loop3A_424 = arith.addi %parallel_loop3A_423, %parallel_loop3A_350 : i32
          %parallel_loop3A_425 = arith.index_cast %parallel_loop3A_424 : i32 to index
          %parallel_loop3A_426 = tpu.vector_load %arg27[%parallel_loop3A_425] {strides = array<i32>} : memref<1536xf32, #tpu.memory_space<vmem>>, vector<16xf32>,
          %parallel_loop3A_427 = arith.mulf %parallel_loop3A_426, %parallel_loop3A_366 : vector<16xf32>
          %parallel_loop3A_428 = arith.index_cast %scan3A_341 : i32 to index
          %parallel_loop3A_429 = arith.index_cast %parallel_loop3A_350 : i32 to index
          %parallel_loop3A_430 = tpu.vector_load %arg22[%parallel_loop3A_428, %parallel_loop3A_429] {strides = array<i32>} : memref<8x512xf32, #tpu.memory_space<vmem>>, vector<16xf32>,
          tpu.vector_store %arg22[%parallel_loop3A_428, %parallel_loop3A_429], %parallel_loop3A_427 {strides = array<i32>} : memref<8x512xf32, #tpu.memory_space<vmem>>, vector<16xf32>,
          %parallel_loop3A_431 = arith.constant 1024 : i32
          %parallel_loop3A_432 = arith.addi %parallel_loop3A_431, %parallel_loop3A_350 : i32
          %parallel_loop3A_433 = arith.index_cast %parallel_loop3A_432 : i32 to index
          %parallel_loop3A_434 = tpu.vector_load %arg26[%parallel_loop3A_433] {strides = array<i32>} : memref<1536xf32, #tpu.memory_space<vmem>>, vector<16xf32>,
          tpu.vector_store %arg26[%parallel_loop3A_433], %broadcast_in_dim3A_24 {strides = array<i32>} : memref<1536xf32, #tpu.memory_space<vmem>>, vector<16xf32>,
          %parallel_loop3A_435 = arith.constant 1024 : i32
          %parallel_loop3A_436 = arith.addi %parallel_loop3A_435, %parallel_loop3A_350 : i32
          %parallel_loop3A_437 = arith.index_cast %parallel_loop3A_436 : i32 to index
          %parallel_loop3A_438 = tpu.vector_load %arg27[%parallel_loop3A_437] {strides = array<i32>} : memref<1536xf32, #tpu.memory_space<vmem>>, vector<16xf32>,
          tpu.vector_store %arg27[%parallel_loop3A_437], %broadcast_in_dim3A_24 {strides = array<i32>} : memref<1536xf32, #tpu.memory_space<vmem>>, vector<16xf32>,
          %parallel_loop3A_439 = arith.index_cast %parallel_loop3A_350 : i32 to index
          %parallel_loop3A_440 = tpu.vector_load %arg28[%parallel_loop3A_439] {strides = array<i32>} : memref<512xf32, #tpu.memory_space<vmem>>, vector<16xf32>,
          tpu.vector_store %arg28[%parallel_loop3A_439], %broadcast_in_dim3A_24 {strides = array<i32>} : memref<512xf32, #tpu.memory_space<vmem>>, vector<16xf32>,
          %parallel_loop3A_441 = arith.index_cast %parallel_loop3A_350 : i32 to index
          %parallel_loop3A_442 = tpu.vector_load %arg29[%parallel_loop3A_441] {strides = array<i32>} : memref<512xf32, #tpu.memory_space<vmem>>, vector<16xf32>,
          tpu.vector_store %arg29[%parallel_loop3A_441], %broadcast_in_dim3A_24 {strides = array<i32>} : memref<512xf32, #tpu.memory_space<vmem>>, vector<16xf32>,
        } {sc.loop_unroll_factor = 8 : i64, sc.parallel_access}
        %scan3A_349 = arith.constant 0 : i32
        scf.yield %scan3A_349 : i32
      }
      %scan3A_198 = arith.constant 8 : i32
      %mul3A_199 = arith.constant 8 : i32
      %mul3A_200 = arith.muli %add3A_153, %mul3A_199 : i32
      %add3A_201 = arith.addi %sub3A_21, %mul3A_200 : i32
      %dma_start3A_202 = arith.constant 0 : i32
      %dma_start3A_203 = arith.constant 0 : i32
      %dma_start3A_204 = tpu.memref_slice %arg4[%select_n3A, %dma_start3A_202, %add3A_201, %dma_start3A_203] : memref<8x3x512x512xf32, #tpu.memory_space<hbm>> -> memref<1x1x8x512xf32, #tpu.memory_space<hbm>>
      %dma_start3A_205 = tpu.memref_squeeze %dma_start3A_204 : memref<1x1x8x512xf32, #tpu.memory_space<hbm>> -> memref<8x512xf32, #tpu.memory_space<hbm>>
      %dma_start3A_206 = arith.constant 0 : i32
      %dma_start3A_207 = tpu.memref_slice %arg4[%select_n3A, %dma_start3A_202, %add3A_201, %dma_start3A_206] : memref<8x3x512x512xf32, #tpu.memory_space<hbm>> -> memref<1x1x8x512xf32, #tpu.memory_space<hbm>>
      %dma_start3A_208 = tpu.memref_squeeze %dma_start3A_207 : memref<1x1x8x512xf32, #tpu.memory_space<hbm>> -> memref<8x512xf32, #tpu.memory_space<hbm>>
      tpu.enqueue_dma source(%arg14 : memref<8x512xf32, #tpu.memory_space<vmem>>) target(%dma_start3A_208 : memref<8x512xf32, #tpu.memory_space<hbm>>) target_semaphore(%arg32 : memref<!tpu.dma_semaphore, #tpu.memory_space<semaphore_mem>>)
      %dma_start3A_209 = arith.constant 0 : i32
      %dma_start3A_210 = arith.constant 0 : i32
      %dma_start3A_211 = tpu.memref_slice %arg5[%select_n3A, %dma_start3A_209, %add3A_201, %dma_start3A_210] : memref<8x3x512x512xf32, #tpu.memory_space<hbm>> -> memref<1x1x8x512xf32, #tpu.memory_space<hbm>>
      %dma_start3A_212 = tpu.memref_squeeze %dma_start3A_211 : memref<1x1x8x512xf32, #tpu.memory_space<hbm>> -> memref<8x512xf32, #tpu.memory_space<hbm>>
      %dma_start3A_213 = arith.constant 0 : i32
      %dma_start3A_214 = tpu.memref_slice %arg5[%select_n3A, %dma_start3A_209, %add3A_201, %dma_start3A_213] : memref<8x3x512x512xf32, #tpu.memory_space<hbm>> -> memref<1x1x8x512xf32, #tpu.memory_space<hbm>>
      %dma_start3A_215 = tpu.memref_squeeze %dma_start3A_214 : memref<1x1x8x512xf32, #tpu.memory_space<hbm>> -> memref<8x512xf32, #tpu.memory_space<hbm>>
      tpu.enqueue_dma source(%arg20 : memref<8x512xf32, #tpu.memory_space<vmem>>) target(%dma_start3A_215 : memref<8x512xf32, #tpu.memory_space<hbm>>) target_semaphore(%arg32 : memref<!tpu.dma_semaphore, #tpu.memory_space<semaphore_mem>>)
      %dma_start3A_216 = arith.constant 1 : i32
      %dma_start3A_217 = arith.constant 0 : i32
      %dma_start3A_218 = tpu.memref_slice %arg4[%select_n3A, %dma_start3A_216, %add3A_201, %dma_start3A_217] : memref<8x3x512x512xf32, #tpu.memory_space<hbm>> -> memref<1x1x8x512xf32, #tpu.memory_space<hbm>>
      %dma_start3A_219 = tpu.memref_squeeze %dma_start3A_218 : memref<1x1x8x512xf32, #tpu.memory_space<hbm>> -> memref<8x512xf32, #tpu.memory_space<hbm>>
      %dma_start3A_220 = arith.constant 0 : i32
      %dma_start3A_221 = tpu.memref_slice %arg4[%select_n3A, %dma_start3A_216, %add3A_201, %dma_start3A_220] : memref<8x3x512x512xf32, #tpu.memory_space<hbm>> -> memref<1x1x8x512xf32, #tpu.memory_space<hbm>>
      %dma_start3A_222 = tpu.memref_squeeze %dma_start3A_221 : memref<1x1x8x512xf32, #tpu.memory_space<hbm>> -> memref<8x512xf32, #tpu.memory_space<hbm>>
      tpu.enqueue_dma source(%arg15 : memref<8x512xf32, #tpu.memory_space<vmem>>) target(%dma_start3A_222 : memref<8x512xf32, #tpu.memory_space<hbm>>) target_semaphore(%arg32 : memref<!tpu.dma_semaphore, #tpu.memory_space<semaphore_mem>>)
      %dma_start3A_223 = arith.constant 1 : i32
      %dma_start3A_224 = arith.constant 0 : i32
      %dma_start3A_225 = tpu.memref_slice %arg5[%select_n3A, %dma_start3A_223, %add3A_201, %dma_start3A_224] : memref<8x3x512x512xf32, #tpu.memory_space<hbm>> -> memref<1x1x8x512xf32, #tpu.memory_space<hbm>>
      %dma_start3A_226 = tpu.memref_squeeze %dma_start3A_225 : memref<1x1x8x512xf32, #tpu.memory_space<hbm>> -> memref<8x512xf32, #tpu.memory_space<hbm>>
      %dma_start3A_227 = arith.constant 0 : i32
      %dma_start3A_228 = tpu.memref_slice %arg5[%select_n3A, %dma_start3A_223, %add3A_201, %dma_start3A_227] : memref<8x3x512x512xf32, #tpu.memory_space<hbm>> -> memref<1x1x8x512xf32, #tpu.memory_space<hbm>>
      %dma_start3A_229 = tpu.memref_squeeze %dma_start3A_228 : memref<1x1x8x512xf32, #tpu.memory_space<hbm>> -> memref<8x512xf32, #tpu.memory_space<hbm>>
      tpu.enqueue_dma source(%arg21 : memref<8x512xf32, #tpu.memory_space<vmem>>) target(%dma_start3A_229 : memref<8x512xf32, #tpu.memory_space<hbm>>) target_semaphore(%arg32 : memref<!tpu.dma_semaphore, #tpu.memory_space<semaphore_mem>>)
      %dma_start3A_230 = arith.constant 2 : i32
      %dma_start3A_231 = arith.constant 0 : i32
      %dma_start3A_232 = tpu.memref_slice %arg4[%select_n3A, %dma_start3A_230, %add3A_201, %dma_start3A_231] : memref<8x3x512x512xf32, #tpu.memory_space<hbm>> -> memref<1x1x8x512xf32, #tpu.memory_space<hbm>>
      %dma_start3A_233 = tpu.memref_squeeze %dma_start3A_232 : memref<1x1x8x512xf32, #tpu.memory_space<hbm>> -> memref<8x512xf32, #tpu.memory_space<hbm>>
      %dma_start3A_234 = arith.constant 0 : i32
      %dma_start3A_235 = tpu.memref_slice %arg4[%select_n3A, %dma_start3A_230, %add3A_201, %dma_start3A_234] : memref<8x3x512x512xf32, #tpu.memory_space<hbm>> -> memref<1x1x8x512xf32, #tpu.memory_space<hbm>>
      %dma_start3A_236 = tpu.memref_squeeze %dma_start3A_235 : memref<1x1x8x512xf32, #tpu.memory_space<hbm>> -> memref<8x512xf32, #tpu.memory_space<hbm>>
      tpu.enqueue_dma source(%arg16 : memref<8x512xf32, #tpu.memory_space<vmem>>) target(%dma_start3A_236 : memref<8x512xf32, #tpu.memory_space<hbm>>) target_semaphore(%arg32 : memref<!tpu.dma_semaphore, #tpu.memory_space<semaphore_mem>>)
      %dma_start3A_237 = arith.constant 2 : i32
      %dma_start3A_238 = arith.constant 0 : i32
      %dma_start3A_239 = tpu.memref_slice %arg5[%select_n3A, %dma_start3A_237, %add3A_201, %dma_start3A_238] : memref<8x3x512x512xf32, #tpu.memory_space<hbm>> -> memref<1x1x8x512xf32, #tpu.memory_space<hbm>>
      %dma_start3A_240 = tpu.memref_squeeze %dma_start3A_239 : memref<1x1x8x512xf32, #tpu.memory_space<hbm>> -> memref<8x512xf32, #tpu.memory_space<hbm>>
      %dma_start3A_241 = arith.constant 0 : i32
      %dma_start3A_242 = tpu.memref_slice %arg5[%select_n3A, %dma_start3A_237, %add3A_201, %dma_start3A_241] : memref<8x3x512x512xf32, #tpu.memory_space<hbm>> -> memref<1x1x8x512xf32, #tpu.memory_space<hbm>>
      %dma_start3A_243 = tpu.memref_squeeze %dma_start3A_242 : memref<1x1x8x512xf32, #tpu.memory_space<hbm>> -> memref<8x512xf32, #tpu.memory_space<hbm>>
      tpu.enqueue_dma source(%arg22 : memref<8x512xf32, #tpu.memory_space<vmem>>) target(%dma_start3A_243 : memref<8x512xf32, #tpu.memory_space<hbm>>) target_semaphore(%arg32 : memref<!tpu.dma_semaphore, #tpu.memory_space<semaphore_mem>>)
      %add3A_244 = arith.constant 1 : i32
      %add3A_245 = arith.addi %mul3A_151, %add3A_244 : i32
      %add3A_246 = arith.constant 1 : i32
      %add3A_247 = arith.addi %add3A_245, %add3A_246 : i32
      %lt3A_248 = arith.constant 16 : i32
      %lt3A_249 = arith.cmpi slt, %add3A_247, %lt3A_248 : i32
      %convert_element_type3A_250 = arith.extui %lt3A_249 : i1 to i32
      %cond3A_251 = arith.constant 0 : i32
      %cond3A_252 = arith.cmpi ne, %convert_element_type3A_250, %cond3A_251 : i32
      scf.if %cond3A_252 {
        %add3A_341 = arith.constant 1 : i32
        %add3A_342 = arith.addi %add3A_245, %add3A_341 : i32
        %mul3A_343 = arith.constant 8 : i32
        %mul3A_344 = arith.muli %add3A_342, %mul3A_343 : i32
        %add3A_345 = arith.addi %sub3A_21, %mul3A_344 : i32
        %dma_start3A_346 = arith.constant 0 : i32
        %dma_start3A_347 = tpu.memref_slice %arg3[%select_n3A, %add3A_345, %dma_start3A_346] : memref<8x512x512xf32, #tpu.memory_space<hbm>> -> memref<1x8x512xf32, #tpu.memory_space<hbm>>
        %dma_start3A_348 = tpu.memref_squeeze %dma_start3A_347 : memref<1x8x512xf32, #tpu.memory_space<hbm>> -> memref<8x512xf32, #tpu.memory_space<hbm>>
        %dma_start3A_349 = arith.constant 0 : i32
        %dma_start3A_350 = tpu.memref_slice %arg3[%select_n3A, %add3A_345, %dma_start3A_349] : memref<8x512x512xf32, #tpu.memory_space<hbm>> -> memref<1x8x512xf32, #tpu.memory_space<hbm>>
        %dma_start3A_351 = tpu.memref_squeeze %dma_start3A_350 : memref<1x8x512xf32, #tpu.memory_space<hbm>> -> memref<8x512xf32, #tpu.memory_space<hbm>>
        tpu.enqueue_dma source(%dma_start3A_351 : memref<8x512xf32, #tpu.memory_space<hbm>>) target(%arg6 : memref<8x512xf32, #tpu.memory_space<vmem>>) target_semaphore(%arg30 : memref<!tpu.dma_semaphore, #tpu.memory_space<semaphore_mem>>)
        %dma_start3A_352 = arith.constant 0 : i32
        %dma_start3A_353 = arith.constant 0 : i32
        %dma_start3A_354 = tpu.memref_slice %arg2[%select_n3A, %dma_start3A_352, %add3A_345, %dma_start3A_353] : memref<8x3x512x512xf32, #tpu.memory_space<hbm>> -> memref<1x1x8x512xf32, #tpu.memory_space<hbm>>
        %dma_start3A_355 = tpu.memref_squeeze %dma_start3A_354 : memref<1x1x8x512xf32, #tpu.memory_space<hbm>> -> memref<8x512xf32, #tpu.memory_space<hbm>>
        %dma_start3A_356 = arith.constant 0 : i32
        %dma_start3A_357 = tpu.memref_slice %arg2[%select_n3A, %dma_start3A_352, %add3A_345, %dma_start3A_356] : memref<8x3x512x512xf32, #tpu.memory_space<hbm>> -> memref<1x1x8x512xf32, #tpu.memory_space<hbm>>
        %dma_start3A_358 = tpu.memref_squeeze %dma_start3A_357 : memref<1x1x8x512xf32, #tpu.memory_space<hbm>> -> memref<8x512xf32, #tpu.memory_space<hbm>>
        tpu.enqueue_dma source(%dma_start3A_358 : memref<8x512xf32, #tpu.memory_space<hbm>>) target(%arg8 : memref<8x512xf32, #tpu.memory_space<vmem>>) target_semaphore(%arg30 : memref<!tpu.dma_semaphore, #tpu.memory_space<semaphore_mem>>)
        %dma_start3A_359 = arith.constant 1 : i32
        %dma_start3A_360 = arith.constant 0 : i32
        %dma_start3A_361 = tpu.memref_slice %arg2[%select_n3A, %dma_start3A_359, %add3A_345, %dma_start3A_360] : memref<8x3x512x512xf32, #tpu.memory_space<hbm>> -> memref<1x1x8x512xf32, #tpu.memory_space<hbm>>
        %dma_start3A_362 = tpu.memref_squeeze %dma_start3A_361 : memref<1x1x8x512xf32, #tpu.memory_space<hbm>> -> memref<8x512xf32, #tpu.memory_space<hbm>>
        %dma_start3A_363 = arith.constant 0 : i32
        %dma_start3A_364 = tpu.memref_slice %arg2[%select_n3A, %dma_start3A_359, %add3A_345, %dma_start3A_363] : memref<8x3x512x512xf32, #tpu.memory_space<hbm>> -> memref<1x1x8x512xf32, #tpu.memory_space<hbm>>
        %dma_start3A_365 = tpu.memref_squeeze %dma_start3A_364 : memref<1x1x8x512xf32, #tpu.memory_space<hbm>> -> memref<8x512xf32, #tpu.memory_space<hbm>>
        tpu.enqueue_dma source(%dma_start3A_365 : memref<8x512xf32, #tpu.memory_space<hbm>>) target(%arg9 : memref<8x512xf32, #tpu.memory_space<vmem>>) target_semaphore(%arg30 : memref<!tpu.dma_semaphore, #tpu.memory_space<semaphore_mem>>)
        %dma_start3A_366 = arith.constant 2 : i32
        %dma_start3A_367 = arith.constant 0 : i32
        %dma_start3A_368 = tpu.memref_slice %arg2[%select_n3A, %dma_start3A_366, %add3A_345, %dma_start3A_367] : memref<8x3x512x512xf32, #tpu.memory_space<hbm>> -> memref<1x1x8x512xf32, #tpu.memory_space<hbm>>
        %dma_start3A_369 = tpu.memref_squeeze %dma_start3A_368 : memref<1x1x8x512xf32, #tpu.memory_space<hbm>> -> memref<8x512xf32, #tpu.memory_space<hbm>>
        %dma_start3A_370 = arith.constant 0 : i32
        %dma_start3A_371 = tpu.memref_slice %arg2[%select_n3A, %dma_start3A_366, %add3A_345, %dma_start3A_370] : memref<8x3x512x512xf32, #tpu.memory_space<hbm>> -> memref<1x1x8x512xf32, #tpu.memory_space<hbm>>
        %dma_start3A_372 = tpu.memref_squeeze %dma_start3A_371 : memref<1x1x8x512xf32, #tpu.memory_space<hbm>> -> memref<8x512xf32, #tpu.memory_space<hbm>>
        tpu.enqueue_dma source(%dma_start3A_372 : memref<8x512xf32, #tpu.memory_space<hbm>>) target(%arg10 : memref<8x512xf32, #tpu.memory_space<vmem>>) target_semaphore(%arg30 : memref<!tpu.dma_semaphore, #tpu.memory_space<semaphore_mem>>)
      } else {
      }
      %mul3A_253 = arith.constant 8 : i32
      %mul3A_254 = arith.muli %add3A_245, %mul3A_253 : i32
      %add3A_255 = arith.addi %sub3A_21, %mul3A_254 : i32
      %dma_wait3A_256 = arith.constant 0 : i32
      %dma_wait3A_257 = tpu.memref_slice %arg3[%select_n3A, %add3A_255, %dma_wait3A_256] : memref<8x512x512xf32, #tpu.memory_space<hbm>> -> memref<1x8x512xf32, #tpu.memory_space<hbm>>
      %dma_wait3A_258 = tpu.memref_squeeze %dma_wait3A_257 : memref<1x8x512xf32, #tpu.memory_space<hbm>> -> memref<8x512xf32, #tpu.memory_space<hbm>>
      %dma_wait3A_259 = arith.constant 0 : i32
      %dma_wait3A_260 = tpu.memref_slice %arg3[%select_n3A, %add3A_255, %dma_wait3A_259] : memref<8x512x512xf32, #tpu.memory_space<hbm>> -> memref<1x8x512xf32, #tpu.memory_space<hbm>>
      %dma_wait3A_261 = tpu.memref_squeeze %dma_wait3A_260 : memref<1x8x512xf32, #tpu.memory_space<hbm>> -> memref<8x512xf32, #tpu.memory_space<hbm>>
      tpu.wait_dma2 semaphore(%arg31 : memref<!tpu.dma_semaphore, #tpu.memory_space<semaphore_mem>>) src(%dma_wait3A_261 : memref<8x512xf32, #tpu.memory_space<hbm>>) dst(%arg7 : memref<8x512xf32, #tpu.memory_space<vmem>>)
      %dma_wait3A_262 = arith.constant 0 : i32
      %dma_wait3A_263 = arith.constant 0 : i32
      %dma_wait3A_264 = tpu.memref_slice %arg2[%select_n3A, %dma_wait3A_262, %add3A_255, %dma_wait3A_263] : memref<8x3x512x512xf32, #tpu.memory_space<hbm>> -> memref<1x1x8x512xf32, #tpu.memory_space<hbm>>
      %dma_wait3A_265 = tpu.memref_squeeze %dma_wait3A_264 : memref<1x1x8x512xf32, #tpu.memory_space<hbm>> -> memref<8x512xf32, #tpu.memory_space<hbm>>
      %dma_wait3A_266 = arith.constant 0 : i32
      %dma_wait3A_267 = tpu.memref_slice %arg2[%select_n3A, %dma_wait3A_262, %add3A_255, %dma_wait3A_266] : memref<8x3x512x512xf32, #tpu.memory_space<hbm>> -> memref<1x1x8x512xf32, #tpu.memory_space<hbm>>
      %dma_wait3A_268 = tpu.memref_squeeze %dma_wait3A_267 : memref<1x1x8x512xf32, #tpu.memory_space<hbm>> -> memref<8x512xf32, #tpu.memory_space<hbm>>
      tpu.wait_dma2 semaphore(%arg31 : memref<!tpu.dma_semaphore, #tpu.memory_space<semaphore_mem>>) src(%dma_wait3A_268 : memref<8x512xf32, #tpu.memory_space<hbm>>) dst(%arg11 : memref<8x512xf32, #tpu.memory_space<vmem>>)
      %dma_wait3A_269 = arith.constant 1 : i32
      %dma_wait3A_270 = arith.constant 0 : i32
      %dma_wait3A_271 = tpu.memref_slice %arg2[%select_n3A, %dma_wait3A_269, %add3A_255, %dma_wait3A_270] : memref<8x3x512x512xf32, #tpu.memory_space<hbm>> -> memref<1x1x8x512xf32, #tpu.memory_space<hbm>>
      %dma_wait3A_272 = tpu.memref_squeeze %dma_wait3A_271 : memref<1x1x8x512xf32, #tpu.memory_space<hbm>> -> memref<8x512xf32, #tpu.memory_space<hbm>>
      %dma_wait3A_273 = arith.constant 0 : i32
      %dma_wait3A_274 = tpu.memref_slice %arg2[%select_n3A, %dma_wait3A_269, %add3A_255, %dma_wait3A_273] : memref<8x3x512x512xf32, #tpu.memory_space<hbm>> -> memref<1x1x8x512xf32, #tpu.memory_space<hbm>>
      %dma_wait3A_275 = tpu.memref_squeeze %dma_wait3A_274 : memref<1x1x8x512xf32, #tpu.memory_space<hbm>> -> memref<8x512xf32, #tpu.memory_space<hbm>>
      tpu.wait_dma2 semaphore(%arg31 : memref<!tpu.dma_semaphore, #tpu.memory_space<semaphore_mem>>) src(%dma_wait3A_275 : memref<8x512xf32, #tpu.memory_space<hbm>>) dst(%arg12 : memref<8x512xf32, #tpu.memory_space<vmem>>)
      %dma_wait3A_276 = arith.constant 2 : i32
      %dma_wait3A_277 = arith.constant 0 : i32
      %dma_wait3A_278 = tpu.memref_slice %arg2[%select_n3A, %dma_wait3A_276, %add3A_255, %dma_wait3A_277] : memref<8x3x512x512xf32, #tpu.memory_space<hbm>> -> memref<1x1x8x512xf32, #tpu.memory_space<hbm>>
      %dma_wait3A_279 = tpu.memref_squeeze %dma_wait3A_278 : memref<1x1x8x512xf32, #tpu.memory_space<hbm>> -> memref<8x512xf32, #tpu.memory_space<hbm>>
      %dma_wait3A_280 = arith.constant 0 : i32
      %dma_wait3A_281 = tpu.memref_slice %arg2[%select_n3A, %dma_wait3A_276, %add3A_255, %dma_wait3A_280] : memref<8x3x512x512xf32, #tpu.memory_space<hbm>> -> memref<1x1x8x512xf32, #tpu.memory_space<hbm>>
      %dma_wait3A_282 = tpu.memref_squeeze %dma_wait3A_281 : memref<1x1x8x512xf32, #tpu.memory_space<hbm>> -> memref<8x512xf32, #tpu.memory_space<hbm>>
      tpu.wait_dma2 semaphore(%arg31 : memref<!tpu.dma_semaphore, #tpu.memory_space<semaphore_mem>>) src(%dma_wait3A_282 : memref<8x512xf32, #tpu.memory_space<hbm>>) dst(%arg13 : memref<8x512xf32, #tpu.memory_space<vmem>>)
      %gt3A_283 = arith.constant 0 : i32
      %gt3A_284 = arith.cmpi sgt, %scan3A_148, %gt3A_283 : i32
      %convert_element_type3A_285 = arith.extui %gt3A_284 : i1 to i32
      %cond3A_286 = arith.constant 0 : i32
      %cond3A_287 = arith.cmpi ne, %convert_element_type3A_285, %cond3A_286 : i32
      scf.if %cond3A_287 {
        %sub3A_341 = arith.constant 2 : i32
        %sub3A_342 = arith.subi %add3A_245, %sub3A_341 : i32
        %mul3A_343 = arith.constant 8 : i32
        %mul3A_344 = arith.muli %sub3A_342, %mul3A_343 : i32
        %add3A_345 = arith.addi %sub3A_21, %mul3A_344 : i32
        %dma_wait3A_346 = arith.constant 0 : i32
        %dma_wait3A_347 = arith.constant 0 : i32
        %dma_wait3A_348 = tpu.memref_slice %arg4[%select_n3A, %dma_wait3A_346, %add3A_345, %dma_wait3A_347] : memref<8x3x512x512xf32, #tpu.memory_space<hbm>> -> memref<1x1x8x512xf32, #tpu.memory_space<hbm>>
        %dma_wait3A_349 = tpu.memref_squeeze %dma_wait3A_348 : memref<1x1x8x512xf32, #tpu.memory_space<hbm>> -> memref<8x512xf32, #tpu.memory_space<hbm>>
        %dma_wait3A_350 = arith.constant 0 : i32
        %dma_wait3A_351 = tpu.memref_slice %arg4[%select_n3A, %dma_wait3A_346, %add3A_345, %dma_wait3A_350] : memref<8x3x512x512xf32, #tpu.memory_space<hbm>> -> memref<1x1x8x512xf32, #tpu.memory_space<hbm>>
        %dma_wait3A_352 = tpu.memref_squeeze %dma_wait3A_351 : memref<1x1x8x512xf32, #tpu.memory_space<hbm>> -> memref<8x512xf32, #tpu.memory_space<hbm>>
        tpu.wait_dma2 semaphore(%arg33 : memref<!tpu.dma_semaphore, #tpu.memory_space<semaphore_mem>>) src(%arg17 : memref<8x512xf32, #tpu.memory_space<vmem>>) dst(%dma_wait3A_352 : memref<8x512xf32, #tpu.memory_space<hbm>>)
        %dma_wait3A_353 = arith.constant 0 : i32
        %dma_wait3A_354 = arith.constant 0 : i32
        %dma_wait3A_355 = tpu.memref_slice %arg5[%select_n3A, %dma_wait3A_353, %add3A_345, %dma_wait3A_354] : memref<8x3x512x512xf32, #tpu.memory_space<hbm>> -> memref<1x1x8x512xf32, #tpu.memory_space<hbm>>
        %dma_wait3A_356 = tpu.memref_squeeze %dma_wait3A_355 : memref<1x1x8x512xf32, #tpu.memory_space<hbm>> -> memref<8x512xf32, #tpu.memory_space<hbm>>
        %dma_wait3A_357 = arith.constant 0 : i32
        %dma_wait3A_358 = tpu.memref_slice %arg5[%select_n3A, %dma_wait3A_353, %add3A_345, %dma_wait3A_357] : memref<8x3x512x512xf32, #tpu.memory_space<hbm>> -> memref<1x1x8x512xf32, #tpu.memory_space<hbm>>
        %dma_wait3A_359 = tpu.memref_squeeze %dma_wait3A_358 : memref<1x1x8x512xf32, #tpu.memory_space<hbm>> -> memref<8x512xf32, #tpu.memory_space<hbm>>
        tpu.wait_dma2 semaphore(%arg33 : memref<!tpu.dma_semaphore, #tpu.memory_space<semaphore_mem>>) src(%arg23 : memref<8x512xf32, #tpu.memory_space<vmem>>) dst(%dma_wait3A_359 : memref<8x512xf32, #tpu.memory_space<hbm>>)
        %dma_wait3A_360 = arith.constant 1 : i32
        %dma_wait3A_361 = arith.constant 0 : i32
        %dma_wait3A_362 = tpu.memref_slice %arg4[%select_n3A, %dma_wait3A_360, %add3A_345, %dma_wait3A_361] : memref<8x3x512x512xf32, #tpu.memory_space<hbm>> -> memref<1x1x8x512xf32, #tpu.memory_space<hbm>>
        %dma_wait3A_363 = tpu.memref_squeeze %dma_wait3A_362 : memref<1x1x8x512xf32, #tpu.memory_space<hbm>> -> memref<8x512xf32, #tpu.memory_space<hbm>>
        %dma_wait3A_364 = arith.constant 0 : i32
        %dma_wait3A_365 = tpu.memref_slice %arg4[%select_n3A, %dma_wait3A_360, %add3A_345, %dma_wait3A_364] : memref<8x3x512x512xf32, #tpu.memory_space<hbm>> -> memref<1x1x8x512xf32, #tpu.memory_space<hbm>>
        %dma_wait3A_366 = tpu.memref_squeeze %dma_wait3A_365 : memref<1x1x8x512xf32, #tpu.memory_space<hbm>> -> memref<8x512xf32, #tpu.memory_space<hbm>>
        tpu.wait_dma2 semaphore(%arg33 : memref<!tpu.dma_semaphore, #tpu.memory_space<semaphore_mem>>) src(%arg18 : memref<8x512xf32, #tpu.memory_space<vmem>>) dst(%dma_wait3A_366 : memref<8x512xf32, #tpu.memory_space<hbm>>)
        %dma_wait3A_367 = arith.constant 1 : i32
        %dma_wait3A_368 = arith.constant 0 : i32
        %dma_wait3A_369 = tpu.memref_slice %arg5[%select_n3A, %dma_wait3A_367, %add3A_345, %dma_wait3A_368] : memref<8x3x512x512xf32, #tpu.memory_space<hbm>> -> memref<1x1x8x512xf32, #tpu.memory_space<hbm>>
        %dma_wait3A_370 = tpu.memref_squeeze %dma_wait3A_369 : memref<1x1x8x512xf32, #tpu.memory_space<hbm>> -> memref<8x512xf32, #tpu.memory_space<hbm>>
        %dma_wait3A_371 = arith.constant 0 : i32
        %dma_wait3A_372 = tpu.memref_slice %arg5[%select_n3A, %dma_wait3A_367, %add3A_345, %dma_wait3A_371] : memref<8x3x512x512xf32, #tpu.memory_space<hbm>> -> memref<1x1x8x512xf32, #tpu.memory_space<hbm>>
        %dma_wait3A_373 = tpu.memref_squeeze %dma_wait3A_372 : memref<1x1x8x512xf32, #tpu.memory_space<hbm>> -> memref<8x512xf32, #tpu.memory_space<hbm>>
        tpu.wait_dma2 semaphore(%arg33 : memref<!tpu.dma_semaphore, #tpu.memory_space<semaphore_mem>>) src(%arg24 : memref<8x512xf32, #tpu.memory_space<vmem>>) dst(%dma_wait3A_373 : memref<8x512xf32, #tpu.memory_space<hbm>>)
        %dma_wait3A_374 = arith.constant 2 : i32
        %dma_wait3A_375 = arith.constant 0 : i32
        %dma_wait3A_376 = tpu.memref_slice %arg4[%select_n3A, %dma_wait3A_374, %add3A_345, %dma_wait3A_375] : memref<8x3x512x512xf32, #tpu.memory_space<hbm>> -> memref<1x1x8x512xf32, #tpu.memory_space<hbm>>
        %dma_wait3A_377 = tpu.memref_squeeze %dma_wait3A_376 : memref<1x1x8x512xf32, #tpu.memory_space<hbm>> -> memref<8x512xf32, #tpu.memory_space<hbm>>
        %dma_wait3A_378 = arith.constant 0 : i32
        %dma_wait3A_379 = tpu.memref_slice %arg4[%select_n3A, %dma_wait3A_374, %add3A_345, %dma_wait3A_378] : memref<8x3x512x512xf32, #tpu.memory_space<hbm>> -> memref<1x1x8x512xf32, #tpu.memory_space<hbm>>
        %dma_wait3A_380 = tpu.memref_squeeze %dma_wait3A_379 : memref<1x1x8x512xf32, #tpu.memory_space<hbm>> -> memref<8x512xf32, #tpu.memory_space<hbm>>
        tpu.wait_dma2 semaphore(%arg33 : memref<!tpu.dma_semaphore, #tpu.memory_space<semaphore_mem>>) src(%arg19 : memref<8x512xf32, #tpu.memory_space<vmem>>) dst(%dma_wait3A_380 : memref<8x512xf32, #tpu.memory_space<hbm>>)
        %dma_wait3A_381 = arith.constant 2 : i32
        %dma_wait3A_382 = arith.constant 0 : i32
        %dma_wait3A_383 = tpu.memref_slice %arg5[%select_n3A, %dma_wait3A_381, %add3A_345, %dma_wait3A_382] : memref<8x3x512x512xf32, #tpu.memory_space<hbm>> -> memref<1x1x8x512xf32, #tpu.memory_space<hbm>>
        %dma_wait3A_384 = tpu.memref_squeeze %dma_wait3A_383 : memref<1x1x8x512xf32, #tpu.memory_space<hbm>> -> memref<8x512xf32, #tpu.memory_space<hbm>>
        %dma_wait3A_385 = arith.constant 0 : i32
        %dma_wait3A_386 = tpu.memref_slice %arg5[%select_n3A, %dma_wait3A_381, %add3A_345, %dma_wait3A_385] : memref<8x3x512x512xf32, #tpu.memory_space<hbm>> -> memref<1x1x8x512xf32, #tpu.memory_space<hbm>>
        %dma_wait3A_387 = tpu.memref_squeeze %dma_wait3A_386 : memref<1x1x8x512xf32, #tpu.memory_space<hbm>> -> memref<8x512xf32, #tpu.memory_space<hbm>>
        tpu.wait_dma2 semaphore(%arg33 : memref<!tpu.dma_semaphore, #tpu.memory_space<semaphore_mem>>) src(%arg25 : memref<8x512xf32, #tpu.memory_space<vmem>>) dst(%dma_wait3A_387 : memref<8x512xf32, #tpu.memory_space<hbm>>)
      } else {
      }
      %scan3A_288 = arith.constant 0 : i32
      %scan3A_289 = arith.constant 0 : i32
      %scan3A_290 = arith.constant 8 : i32
      %scan3A_291 = arith.addi %scan3A_289, %scan3A_290 : i32
      %scan3A_292 = arith.constant 1 : i32
      %scan3A_293 = scf.for %scan3A_341 = %scan3A_289 to %scan3A_291 step %scan3A_292 iter_args(%scan3A_342 = %scan3A_288) -> (i32)  : i32 {
        %parallel_loop3A_343 = arith.constant 0 : i32
        %parallel_loop3A_344 = arith.constant 512 : i32
        %parallel_loop3A_345 = arith.constant 16 : i32
        scf.for %parallel_loop3A_350 = %parallel_loop3A_343 to %parallel_loop3A_344 step %parallel_loop3A_345  : i32 {
          %parallel_loop3A_351 = arith.index_cast %scan3A_341 : i32 to index
          %parallel_loop3A_352 = arith.index_cast %parallel_loop3A_350 : i32 to index
          %parallel_loop3A_353 = tpu.vector_load %arg7[%parallel_loop3A_351, %parallel_loop3A_352] {strides = array<i32>} : memref<8x512xf32, #tpu.memory_space<vmem>>, vector<16xf32>,
          %parallel_loop3A_354 = arith.constant -1.024000e+03 : f32
          %parallel_loop3A_355 = vector.broadcast %parallel_loop3A_354 : f32 to vector<16xf32>
          %parallel_loop3A_356 = arith.maximumf %parallel_loop3A_353, %parallel_loop3A_355 : vector<16xf32>
          %parallel_loop3A_357 = arith.constant 1.024000e+03 : f32
          %parallel_loop3A_358 = vector.broadcast %parallel_loop3A_357 : f32 to vector<16xf32>
          %parallel_loop3A_359 = arith.minimumf %parallel_loop3A_356, %parallel_loop3A_358 : vector<16xf32>
          %parallel_loop3A_360 = arith.constant 0x4B400000 : f32
          %parallel_loop3A_361 = vector.broadcast %parallel_loop3A_360 : f32 to vector<16xf32>
          %parallel_loop3A_362 = arith.addf %parallel_loop3A_359, %parallel_loop3A_361 : vector<16xf32>
          %parallel_loop3A_363 = arith.constant 0x4B400000 : f32
          %parallel_loop3A_364 = vector.broadcast %parallel_loop3A_363 : f32 to vector<16xf32>
          %parallel_loop3A_365 = arith.subf %parallel_loop3A_362, %parallel_loop3A_364 : vector<16xf32>
          %parallel_loop3A_366 = arith.fptosi %parallel_loop3A_365 : vector<16xf32> to vector<16xi32>
          %parallel_loop3A_367 = vector.broadcast %parallel_loop3A_350 : i32 to vector<16xi32>
          %parallel_loop3A_368 = arith.addi %iota3A, %parallel_loop3A_367 : vector<16xi32>
          %parallel_loop3A_369 = arith.addi %parallel_loop3A_368, %parallel_loop3A_366 : vector<16xi32>
          %parallel_loop3A_370 = arith.constant 0 : i32
          %parallel_loop3A_371 = arith.constant 511 : i32
          %parallel_loop3A_372 = vector.broadcast %parallel_loop3A_370 : i32 to vector<16xi32>
          %parallel_loop3A_373 = arith.maxsi %parallel_loop3A_372, %parallel_loop3A_369 : vector<16xi32>
          %parallel_loop3A_374 = vector.broadcast %parallel_loop3A_371 : i32 to vector<16xi32>
          %parallel_loop3A_375 = arith.minsi %parallel_loop3A_374, %parallel_loop3A_373 : vector<16xi32>
          %parallel_loop3A_376 = arith.subi %parallel_loop3A_368, %parallel_loop3A_366 : vector<16xi32>
          %parallel_loop3A_377 = arith.constant 0 : i32
          %parallel_loop3A_378 = arith.constant 511 : i32
          %parallel_loop3A_379 = vector.broadcast %parallel_loop3A_377 : i32 to vector<16xi32>
          %parallel_loop3A_380 = arith.maxsi %parallel_loop3A_379, %parallel_loop3A_376 : vector<16xi32>
          %parallel_loop3A_381 = vector.broadcast %parallel_loop3A_378 : i32 to vector<16xi32>
          %parallel_loop3A_382 = arith.minsi %parallel_loop3A_381, %parallel_loop3A_380 : vector<16xi32>
          %parallel_loop3A_383 = arith.index_cast %scan3A_341 : i32 to index
          %parallel_loop3A_384 = arith.index_cast %parallel_loop3A_350 : i32 to index
          %parallel_loop3A_385 = tpu.vector_load %arg11[%parallel_loop3A_383, %parallel_loop3A_384] {strides = array<i32>} : memref<8x512xf32, #tpu.memory_space<vmem>>, vector<16xf32>,
          %parallel_loop3A_386 = arith.constant 0 : i32
          %parallel_loop3A_387 = vector.broadcast %parallel_loop3A_386 : i32 to vector<16xi32>
          %parallel_loop3A_388 = arith.addi %parallel_loop3A_375, %parallel_loop3A_387 : vector<16xi32>
          tpu.vector_store_idx %arg26[%parallel_loop3A_388], %parallel_loop3A_385 {add = true} : memref<1536xf32, #tpu.memory_space<vmem>>[vector<16xi32>], vector<16xf32>,
          %parallel_loop3A_389 = arith.constant 0 : i32
          %parallel_loop3A_390 = vector.broadcast %parallel_loop3A_389 : i32 to vector<16xi32>
          %parallel_loop3A_391 = arith.addi %parallel_loop3A_382, %parallel_loop3A_390 : vector<16xi32>
          tpu.vector_store_idx %arg27[%parallel_loop3A_391], %parallel_loop3A_385 {add = true} : memref<1536xf32, #tpu.memory_space<vmem>>[vector<16xi32>], vector<16xf32>,
          %parallel_loop3A_392 = arith.index_cast %scan3A_341 : i32 to index
          %parallel_loop3A_393 = arith.index_cast %parallel_loop3A_350 : i32 to index
          %parallel_loop3A_394 = tpu.vector_load %arg12[%parallel_loop3A_392, %parallel_loop3A_393] {strides = array<i32>} : memref<8x512xf32, #tpu.memory_space<vmem>>, vector<16xf32>,
          %parallel_loop3A_395 = arith.constant 512 : i32
          %parallel_loop3A_396 = vector.broadcast %parallel_loop3A_395 : i32 to vector<16xi32>
          %parallel_loop3A_397 = arith.addi %parallel_loop3A_375, %parallel_loop3A_396 : vector<16xi32>
          tpu.vector_store_idx %arg26[%parallel_loop3A_397], %parallel_loop3A_394 {add = true} : memref<1536xf32, #tpu.memory_space<vmem>>[vector<16xi32>], vector<16xf32>,
          %parallel_loop3A_398 = arith.constant 512 : i32
          %parallel_loop3A_399 = vector.broadcast %parallel_loop3A_398 : i32 to vector<16xi32>
          %parallel_loop3A_400 = arith.addi %parallel_loop3A_382, %parallel_loop3A_399 : vector<16xi32>
          tpu.vector_store_idx %arg27[%parallel_loop3A_400], %parallel_loop3A_394 {add = true} : memref<1536xf32, #tpu.memory_space<vmem>>[vector<16xi32>], vector<16xf32>,
          %parallel_loop3A_401 = arith.index_cast %scan3A_341 : i32 to index
          %parallel_loop3A_402 = arith.index_cast %parallel_loop3A_350 : i32 to index
          %parallel_loop3A_403 = tpu.vector_load %arg13[%parallel_loop3A_401, %parallel_loop3A_402] {strides = array<i32>} : memref<8x512xf32, #tpu.memory_space<vmem>>, vector<16xf32>,
          %parallel_loop3A_404 = arith.constant 1024 : i32
          %parallel_loop3A_405 = vector.broadcast %parallel_loop3A_404 : i32 to vector<16xi32>
          %parallel_loop3A_406 = arith.addi %parallel_loop3A_375, %parallel_loop3A_405 : vector<16xi32>
          tpu.vector_store_idx %arg26[%parallel_loop3A_406], %parallel_loop3A_403 {add = true} : memref<1536xf32, #tpu.memory_space<vmem>>[vector<16xi32>], vector<16xf32>,
          %parallel_loop3A_407 = arith.constant 1024 : i32
          %parallel_loop3A_408 = vector.broadcast %parallel_loop3A_407 : i32 to vector<16xi32>
          %parallel_loop3A_409 = arith.addi %parallel_loop3A_382, %parallel_loop3A_408 : vector<16xi32>
          tpu.vector_store_idx %arg27[%parallel_loop3A_409], %parallel_loop3A_403 {add = true} : memref<1536xf32, #tpu.memory_space<vmem>>[vector<16xi32>], vector<16xf32>,
          tpu.vector_store_idx %arg28[%parallel_loop3A_375], %broadcast_in_dim3A_22 {add = true} : memref<512xf32, #tpu.memory_space<vmem>>[vector<16xi32>], vector<16xf32>,
          tpu.vector_store_idx %arg29[%parallel_loop3A_382], %broadcast_in_dim3A_22 {add = true} : memref<512xf32, #tpu.memory_space<vmem>>[vector<16xi32>], vector<16xf32>,
        } {sc.loop_unroll_factor = 8 : i64, sc.parallel_access}
        %parallel_loop3A_346 = arith.constant 0 : i32
        %parallel_loop3A_347 = arith.constant 512 : i32
        %parallel_loop3A_348 = arith.constant 16 : i32
        scf.for %parallel_loop3A_350 = %parallel_loop3A_346 to %parallel_loop3A_347 step %parallel_loop3A_348  : i32 {
          %parallel_loop3A_351 = arith.index_cast %parallel_loop3A_350 : i32 to index
          %parallel_loop3A_352 = tpu.vector_load %arg28[%parallel_loop3A_351] {strides = array<i32>} : memref<512xf32, #tpu.memory_space<vmem>>, vector<16xf32>,
          %parallel_loop3A_353 = arith.constant 1.000000e+00 : f32
          %parallel_loop3A_354 = vector.broadcast %parallel_loop3A_353 : f32 to vector<16xf32>
          %parallel_loop3A_355 = arith.maximumf %parallel_loop3A_352, %parallel_loop3A_354 : vector<16xf32>
          %parallel_loop3A_356 = arith.constant 1.000000e+00 : f32
          %parallel_loop3A_357 = vector.broadcast %parallel_loop3A_356 : f32 to vector<16xf32>
          %parallel_loop3A_358 = arith.divf %parallel_loop3A_357, %parallel_loop3A_355 : vector<16xf32>
          %parallel_loop3A_359 = arith.index_cast %parallel_loop3A_350 : i32 to index
          %parallel_loop3A_360 = tpu.vector_load %arg29[%parallel_loop3A_359] {strides = array<i32>} : memref<512xf32, #tpu.memory_space<vmem>>, vector<16xf32>,
          %parallel_loop3A_361 = arith.constant 1.000000e+00 : f32
          %parallel_loop3A_362 = vector.broadcast %parallel_loop3A_361 : f32 to vector<16xf32>
          %parallel_loop3A_363 = arith.maximumf %parallel_loop3A_360, %parallel_loop3A_362 : vector<16xf32>
          %parallel_loop3A_364 = arith.constant 1.000000e+00 : f32
          %parallel_loop3A_365 = vector.broadcast %parallel_loop3A_364 : f32 to vector<16xf32>
          %parallel_loop3A_366 = arith.divf %parallel_loop3A_365, %parallel_loop3A_363 : vector<16xf32>
          %parallel_loop3A_367 = arith.constant 0 : i32
          %parallel_loop3A_368 = arith.addi %parallel_loop3A_367, %parallel_loop3A_350 : i32
          %parallel_loop3A_369 = arith.index_cast %parallel_loop3A_368 : i32 to index
          %parallel_loop3A_370 = tpu.vector_load %arg26[%parallel_loop3A_369] {strides = array<i32>} : memref<1536xf32, #tpu.memory_space<vmem>>, vector<16xf32>,
          %parallel_loop3A_371 = arith.mulf %parallel_loop3A_370, %parallel_loop3A_358 : vector<16xf32>
          %parallel_loop3A_372 = arith.index_cast %scan3A_341 : i32 to index
          %parallel_loop3A_373 = arith.index_cast %parallel_loop3A_350 : i32 to index
          %parallel_loop3A_374 = tpu.vector_load %arg17[%parallel_loop3A_372, %parallel_loop3A_373] {strides = array<i32>} : memref<8x512xf32, #tpu.memory_space<vmem>>, vector<16xf32>,
          tpu.vector_store %arg17[%parallel_loop3A_372, %parallel_loop3A_373], %parallel_loop3A_371 {strides = array<i32>} : memref<8x512xf32, #tpu.memory_space<vmem>>, vector<16xf32>,
          %parallel_loop3A_375 = arith.constant 0 : i32
          %parallel_loop3A_376 = arith.addi %parallel_loop3A_375, %parallel_loop3A_350 : i32
          %parallel_loop3A_377 = arith.index_cast %parallel_loop3A_376 : i32 to index
          %parallel_loop3A_378 = tpu.vector_load %arg27[%parallel_loop3A_377] {strides = array<i32>} : memref<1536xf32, #tpu.memory_space<vmem>>, vector<16xf32>,
          %parallel_loop3A_379 = arith.mulf %parallel_loop3A_378, %parallel_loop3A_366 : vector<16xf32>
          %parallel_loop3A_380 = arith.index_cast %scan3A_341 : i32 to index
          %parallel_loop3A_381 = arith.index_cast %parallel_loop3A_350 : i32 to index
          %parallel_loop3A_382 = tpu.vector_load %arg23[%parallel_loop3A_380, %parallel_loop3A_381] {strides = array<i32>} : memref<8x512xf32, #tpu.memory_space<vmem>>, vector<16xf32>,
          tpu.vector_store %arg23[%parallel_loop3A_380, %parallel_loop3A_381], %parallel_loop3A_379 {strides = array<i32>} : memref<8x512xf32, #tpu.memory_space<vmem>>, vector<16xf32>,
          %parallel_loop3A_383 = arith.constant 0 : i32
          %parallel_loop3A_384 = arith.addi %parallel_loop3A_383, %parallel_loop3A_350 : i32
          %parallel_loop3A_385 = arith.index_cast %parallel_loop3A_384 : i32 to index
          %parallel_loop3A_386 = tpu.vector_load %arg26[%parallel_loop3A_385] {strides = array<i32>} : memref<1536xf32, #tpu.memory_space<vmem>>, vector<16xf32>,
          tpu.vector_store %arg26[%parallel_loop3A_385], %broadcast_in_dim3A_24 {strides = array<i32>} : memref<1536xf32, #tpu.memory_space<vmem>>, vector<16xf32>,
          %parallel_loop3A_387 = arith.constant 0 : i32
          %parallel_loop3A_388 = arith.addi %parallel_loop3A_387, %parallel_loop3A_350 : i32
          %parallel_loop3A_389 = arith.index_cast %parallel_loop3A_388 : i32 to index
          %parallel_loop3A_390 = tpu.vector_load %arg27[%parallel_loop3A_389] {strides = array<i32>} : memref<1536xf32, #tpu.memory_space<vmem>>, vector<16xf32>,
          tpu.vector_store %arg27[%parallel_loop3A_389], %broadcast_in_dim3A_24 {strides = array<i32>} : memref<1536xf32, #tpu.memory_space<vmem>>, vector<16xf32>,
          %parallel_loop3A_391 = arith.constant 512 : i32
          %parallel_loop3A_392 = arith.addi %parallel_loop3A_391, %parallel_loop3A_350 : i32
          %parallel_loop3A_393 = arith.index_cast %parallel_loop3A_392 : i32 to index
          %parallel_loop3A_394 = tpu.vector_load %arg26[%parallel_loop3A_393] {strides = array<i32>} : memref<1536xf32, #tpu.memory_space<vmem>>, vector<16xf32>,
          %parallel_loop3A_395 = arith.mulf %parallel_loop3A_394, %parallel_loop3A_358 : vector<16xf32>
          %parallel_loop3A_396 = arith.index_cast %scan3A_341 : i32 to index
          %parallel_loop3A_397 = arith.index_cast %parallel_loop3A_350 : i32 to index
          %parallel_loop3A_398 = tpu.vector_load %arg18[%parallel_loop3A_396, %parallel_loop3A_397] {strides = array<i32>} : memref<8x512xf32, #tpu.memory_space<vmem>>, vector<16xf32>,
          tpu.vector_store %arg18[%parallel_loop3A_396, %parallel_loop3A_397], %parallel_loop3A_395 {strides = array<i32>} : memref<8x512xf32, #tpu.memory_space<vmem>>, vector<16xf32>,
          %parallel_loop3A_399 = arith.constant 512 : i32
          %parallel_loop3A_400 = arith.addi %parallel_loop3A_399, %parallel_loop3A_350 : i32
          %parallel_loop3A_401 = arith.index_cast %parallel_loop3A_400 : i32 to index
          %parallel_loop3A_402 = tpu.vector_load %arg27[%parallel_loop3A_401] {strides = array<i32>} : memref<1536xf32, #tpu.memory_space<vmem>>, vector<16xf32>,
          %parallel_loop3A_403 = arith.mulf %parallel_loop3A_402, %parallel_loop3A_366 : vector<16xf32>
          %parallel_loop3A_404 = arith.index_cast %scan3A_341 : i32 to index
          %parallel_loop3A_405 = arith.index_cast %parallel_loop3A_350 : i32 to index
          %parallel_loop3A_406 = tpu.vector_load %arg24[%parallel_loop3A_404, %parallel_loop3A_405] {strides = array<i32>} : memref<8x512xf32, #tpu.memory_space<vmem>>, vector<16xf32>,
          tpu.vector_store %arg24[%parallel_loop3A_404, %parallel_loop3A_405], %parallel_loop3A_403 {strides = array<i32>} : memref<8x512xf32, #tpu.memory_space<vmem>>, vector<16xf32>,
          %parallel_loop3A_407 = arith.constant 512 : i32
          %parallel_loop3A_408 = arith.addi %parallel_loop3A_407, %parallel_loop3A_350 : i32
          %parallel_loop3A_409 = arith.index_cast %parallel_loop3A_408 : i32 to index
          %parallel_loop3A_410 = tpu.vector_load %arg26[%parallel_loop3A_409] {strides = array<i32>} : memref<1536xf32, #tpu.memory_space<vmem>>, vector<16xf32>,
          tpu.vector_store %arg26[%parallel_loop3A_409], %broadcast_in_dim3A_24 {strides = array<i32>} : memref<1536xf32, #tpu.memory_space<vmem>>, vector<16xf32>,
          %parallel_loop3A_411 = arith.constant 512 : i32
          %parallel_loop3A_412 = arith.addi %parallel_loop3A_411, %parallel_loop3A_350 : i32
          %parallel_loop3A_413 = arith.index_cast %parallel_loop3A_412 : i32 to index
          %parallel_loop3A_414 = tpu.vector_load %arg27[%parallel_loop3A_413] {strides = array<i32>} : memref<1536xf32, #tpu.memory_space<vmem>>, vector<16xf32>,
          tpu.vector_store %arg27[%parallel_loop3A_413], %broadcast_in_dim3A_24 {strides = array<i32>} : memref<1536xf32, #tpu.memory_space<vmem>>, vector<16xf32>,
          %parallel_loop3A_415 = arith.constant 1024 : i32
          %parallel_loop3A_416 = arith.addi %parallel_loop3A_415, %parallel_loop3A_350 : i32
          %parallel_loop3A_417 = arith.index_cast %parallel_loop3A_416 : i32 to index
          %parallel_loop3A_418 = tpu.vector_load %arg26[%parallel_loop3A_417] {strides = array<i32>} : memref<1536xf32, #tpu.memory_space<vmem>>, vector<16xf32>,
          %parallel_loop3A_419 = arith.mulf %parallel_loop3A_418, %parallel_loop3A_358 : vector<16xf32>
          %parallel_loop3A_420 = arith.index_cast %scan3A_341 : i32 to index
          %parallel_loop3A_421 = arith.index_cast %parallel_loop3A_350 : i32 to index
          %parallel_loop3A_422 = tpu.vector_load %arg19[%parallel_loop3A_420, %parallel_loop3A_421] {strides = array<i32>} : memref<8x512xf32, #tpu.memory_space<vmem>>, vector<16xf32>,
          tpu.vector_store %arg19[%parallel_loop3A_420, %parallel_loop3A_421], %parallel_loop3A_419 {strides = array<i32>} : memref<8x512xf32, #tpu.memory_space<vmem>>, vector<16xf32>,
          %parallel_loop3A_423 = arith.constant 1024 : i32
          %parallel_loop3A_424 = arith.addi %parallel_loop3A_423, %parallel_loop3A_350 : i32
          %parallel_loop3A_425 = arith.index_cast %parallel_loop3A_424 : i32 to index
          %parallel_loop3A_426 = tpu.vector_load %arg27[%parallel_loop3A_425] {strides = array<i32>} : memref<1536xf32, #tpu.memory_space<vmem>>, vector<16xf32>,
          %parallel_loop3A_427 = arith.mulf %parallel_loop3A_426, %parallel_loop3A_366 : vector<16xf32>
          %parallel_loop3A_428 = arith.index_cast %scan3A_341 : i32 to index
          %parallel_loop3A_429 = arith.index_cast %parallel_loop3A_350 : i32 to index
          %parallel_loop3A_430 = tpu.vector_load %arg25[%parallel_loop3A_428, %parallel_loop3A_429] {strides = array<i32>} : memref<8x512xf32, #tpu.memory_space<vmem>>, vector<16xf32>,
          tpu.vector_store %arg25[%parallel_loop3A_428, %parallel_loop3A_429], %parallel_loop3A_427 {strides = array<i32>} : memref<8x512xf32, #tpu.memory_space<vmem>>, vector<16xf32>,
          %parallel_loop3A_431 = arith.constant 1024 : i32
          %parallel_loop3A_432 = arith.addi %parallel_loop3A_431, %parallel_loop3A_350 : i32
          %parallel_loop3A_433 = arith.index_cast %parallel_loop3A_432 : i32 to index
          %parallel_loop3A_434 = tpu.vector_load %arg26[%parallel_loop3A_433] {strides = array<i32>} : memref<1536xf32, #tpu.memory_space<vmem>>, vector<16xf32>,
          tpu.vector_store %arg26[%parallel_loop3A_433], %broadcast_in_dim3A_24 {strides = array<i32>} : memref<1536xf32, #tpu.memory_space<vmem>>, vector<16xf32>,
          %parallel_loop3A_435 = arith.constant 1024 : i32
          %parallel_loop3A_436 = arith.addi %parallel_loop3A_435, %parallel_loop3A_350 : i32
          %parallel_loop3A_437 = arith.index_cast %parallel_loop3A_436 : i32 to index
          %parallel_loop3A_438 = tpu.vector_load %arg27[%parallel_loop3A_437] {strides = array<i32>} : memref<1536xf32, #tpu.memory_space<vmem>>, vector<16xf32>,
          tpu.vector_store %arg27[%parallel_loop3A_437], %broadcast_in_dim3A_24 {strides = array<i32>} : memref<1536xf32, #tpu.memory_space<vmem>>, vector<16xf32>,
          %parallel_loop3A_439 = arith.index_cast %parallel_loop3A_350 : i32 to index
          %parallel_loop3A_440 = tpu.vector_load %arg28[%parallel_loop3A_439] {strides = array<i32>} : memref<512xf32, #tpu.memory_space<vmem>>, vector<16xf32>,
          tpu.vector_store %arg28[%parallel_loop3A_439], %broadcast_in_dim3A_24 {strides = array<i32>} : memref<512xf32, #tpu.memory_space<vmem>>, vector<16xf32>,
          %parallel_loop3A_441 = arith.index_cast %parallel_loop3A_350 : i32 to index
          %parallel_loop3A_442 = tpu.vector_load %arg29[%parallel_loop3A_441] {strides = array<i32>} : memref<512xf32, #tpu.memory_space<vmem>>, vector<16xf32>,
          tpu.vector_store %arg29[%parallel_loop3A_441], %broadcast_in_dim3A_24 {strides = array<i32>} : memref<512xf32, #tpu.memory_space<vmem>>, vector<16xf32>,
        } {sc.loop_unroll_factor = 8 : i64, sc.parallel_access}
        %scan3A_349 = arith.constant 0 : i32
        scf.yield %scan3A_349 : i32
      }
      %scan3A_294 = arith.constant 8 : i32
      %mul3A_295 = arith.constant 8 : i32
      %mul3A_296 = arith.muli %add3A_245, %mul3A_295 : i32
      %add3A_297 = arith.addi %sub3A_21, %mul3A_296 : i32
      %dma_start3A_298 = arith.constant 0 : i32
      %dma_start3A_299 = arith.constant 0 : i32
      %dma_start3A_300 = tpu.memref_slice %arg4[%select_n3A, %dma_start3A_298, %add3A_297, %dma_start3A_299] : memref<8x3x512x512xf32, #tpu.memory_space<hbm>> -> memref<1x1x8x512xf32, #tpu.memory_space<hbm>>
      %dma_start3A_301 = tpu.memref_squeeze %dma_start3A_300 : memref<1x1x8x512xf32, #tpu.memory_space<hbm>> -> memref<8x512xf32, #tpu.memory_space<hbm>>
      %dma_start3A_302 = arith.constant 0 : i32
      %dma_start3A_303 = tpu.memref_slice %arg4[%select_n3A, %dma_start3A_298, %add3A_297, %dma_start3A_302] : memref<8x3x512x512xf32, #tpu.memory_space<hbm>> -> memref<1x1x8x512xf32, #tpu.memory_space<hbm>>
      %dma_start3A_304 = tpu.memref_squeeze %dma_start3A_303 : memref<1x1x8x512xf32, #tpu.memory_space<hbm>> -> memref<8x512xf32, #tpu.memory_space<hbm>>
      tpu.enqueue_dma source(%arg17 : memref<8x512xf32, #tpu.memory_space<vmem>>) target(%dma_start3A_304 : memref<8x512xf32, #tpu.memory_space<hbm>>) target_semaphore(%arg33 : memref<!tpu.dma_semaphore, #tpu.memory_space<semaphore_mem>>)
      %dma_start3A_305 = arith.constant 0 : i32
      %dma_start3A_306 = arith.constant 0 : i32
      %dma_start3A_307 = tpu.memref_slice %arg5[%select_n3A, %dma_start3A_305, %add3A_297, %dma_start3A_306] : memref<8x3x512x512xf32, #tpu.memory_space<hbm>> -> memref<1x1x8x512xf32, #tpu.memory_space<hbm>>
      %dma_start3A_308 = tpu.memref_squeeze %dma_start3A_307 : memref<1x1x8x512xf32, #tpu.memory_space<hbm>> -> memref<8x512xf32, #tpu.memory_space<hbm>>
      %dma_start3A_309 = arith.constant 0 : i32
      %dma_start3A_310 = tpu.memref_slice %arg5[%select_n3A, %dma_start3A_305, %add3A_297, %dma_start3A_309] : memref<8x3x512x512xf32, #tpu.memory_space<hbm>> -> memref<1x1x8x512xf32, #tpu.memory_space<hbm>>
      %dma_start3A_311 = tpu.memref_squeeze %dma_start3A_310 : memref<1x1x8x512xf32, #tpu.memory_space<hbm>> -> memref<8x512xf32, #tpu.memory_space<hbm>>
      tpu.enqueue_dma source(%arg23 : memref<8x512xf32, #tpu.memory_space<vmem>>) target(%dma_start3A_311 : memref<8x512xf32, #tpu.memory_space<hbm>>) target_semaphore(%arg33 : memref<!tpu.dma_semaphore, #tpu.memory_space<semaphore_mem>>)
      %dma_start3A_312 = arith.constant 1 : i32
      %dma_start3A_313 = arith.constant 0 : i32
      %dma_start3A_314 = tpu.memref_slice %arg4[%select_n3A, %dma_start3A_312, %add3A_297, %dma_start3A_313] : memref<8x3x512x512xf32, #tpu.memory_space<hbm>> -> memref<1x1x8x512xf32, #tpu.memory_space<hbm>>
      %dma_start3A_315 = tpu.memref_squeeze %dma_start3A_314 : memref<1x1x8x512xf32, #tpu.memory_space<hbm>> -> memref<8x512xf32, #tpu.memory_space<hbm>>
      %dma_start3A_316 = arith.constant 0 : i32
      %dma_start3A_317 = tpu.memref_slice %arg4[%select_n3A, %dma_start3A_312, %add3A_297, %dma_start3A_316] : memref<8x3x512x512xf32, #tpu.memory_space<hbm>> -> memref<1x1x8x512xf32, #tpu.memory_space<hbm>>
      %dma_start3A_318 = tpu.memref_squeeze %dma_start3A_317 : memref<1x1x8x512xf32, #tpu.memory_space<hbm>> -> memref<8x512xf32, #tpu.memory_space<hbm>>
      tpu.enqueue_dma source(%arg18 : memref<8x512xf32, #tpu.memory_space<vmem>>) target(%dma_start3A_318 : memref<8x512xf32, #tpu.memory_space<hbm>>) target_semaphore(%arg33 : memref<!tpu.dma_semaphore, #tpu.memory_space<semaphore_mem>>)
      %dma_start3A_319 = arith.constant 1 : i32
      %dma_start3A_320 = arith.constant 0 : i32
      %dma_start3A_321 = tpu.memref_slice %arg5[%select_n3A, %dma_start3A_319, %add3A_297, %dma_start3A_320] : memref<8x3x512x512xf32, #tpu.memory_space<hbm>> -> memref<1x1x8x512xf32, #tpu.memory_space<hbm>>
      %dma_start3A_322 = tpu.memref_squeeze %dma_start3A_321 : memref<1x1x8x512xf32, #tpu.memory_space<hbm>> -> memref<8x512xf32, #tpu.memory_space<hbm>>
      %dma_start3A_323 = arith.constant 0 : i32
      %dma_start3A_324 = tpu.memref_slice %arg5[%select_n3A, %dma_start3A_319, %add3A_297, %dma_start3A_323] : memref<8x3x512x512xf32, #tpu.memory_space<hbm>> -> memref<1x1x8x512xf32, #tpu.memory_space<hbm>>
      %dma_start3A_325 = tpu.memref_squeeze %dma_start3A_324 : memref<1x1x8x512xf32, #tpu.memory_space<hbm>> -> memref<8x512xf32, #tpu.memory_space<hbm>>
      tpu.enqueue_dma source(%arg24 : memref<8x512xf32, #tpu.memory_space<vmem>>) target(%dma_start3A_325 : memref<8x512xf32, #tpu.memory_space<hbm>>) target_semaphore(%arg33 : memref<!tpu.dma_semaphore, #tpu.memory_space<semaphore_mem>>)
      %dma_start3A_326 = arith.constant 2 : i32
      %dma_start3A_327 = arith.constant 0 : i32
      %dma_start3A_328 = tpu.memref_slice %arg4[%select_n3A, %dma_start3A_326, %add3A_297, %dma_start3A_327] : memref<8x3x512x512xf32, #tpu.memory_space<hbm>> -> memref<1x1x8x512xf32, #tpu.memory_space<hbm>>
      %dma_start3A_329 = tpu.memref_squeeze %dma_start3A_328 : memref<1x1x8x512xf32, #tpu.memory_space<hbm>> -> memref<8x512xf32, #tpu.memory_space<hbm>>
      %dma_start3A_330 = arith.constant 0 : i32
      %dma_start3A_331 = tpu.memref_slice %arg4[%select_n3A, %dma_start3A_326, %add3A_297, %dma_start3A_330] : memref<8x3x512x512xf32, #tpu.memory_space<hbm>> -> memref<1x1x8x512xf32, #tpu.memory_space<hbm>>
      %dma_start3A_332 = tpu.memref_squeeze %dma_start3A_331 : memref<1x1x8x512xf32, #tpu.memory_space<hbm>> -> memref<8x512xf32, #tpu.memory_space<hbm>>
      tpu.enqueue_dma source(%arg19 : memref<8x512xf32, #tpu.memory_space<vmem>>) target(%dma_start3A_332 : memref<8x512xf32, #tpu.memory_space<hbm>>) target_semaphore(%arg33 : memref<!tpu.dma_semaphore, #tpu.memory_space<semaphore_mem>>)
      %dma_start3A_333 = arith.constant 2 : i32
      %dma_start3A_334 = arith.constant 0 : i32
      %dma_start3A_335 = tpu.memref_slice %arg5[%select_n3A, %dma_start3A_333, %add3A_297, %dma_start3A_334] : memref<8x3x512x512xf32, #tpu.memory_space<hbm>> -> memref<1x1x8x512xf32, #tpu.memory_space<hbm>>
      %dma_start3A_336 = tpu.memref_squeeze %dma_start3A_335 : memref<1x1x8x512xf32, #tpu.memory_space<hbm>> -> memref<8x512xf32, #tpu.memory_space<hbm>>
      %dma_start3A_337 = arith.constant 0 : i32
      %dma_start3A_338 = tpu.memref_slice %arg5[%select_n3A, %dma_start3A_333, %add3A_297, %dma_start3A_337] : memref<8x3x512x512xf32, #tpu.memory_space<hbm>> -> memref<1x1x8x512xf32, #tpu.memory_space<hbm>>
      %dma_start3A_339 = tpu.memref_squeeze %dma_start3A_338 : memref<1x1x8x512xf32, #tpu.memory_space<hbm>> -> memref<8x512xf32, #tpu.memory_space<hbm>>
      tpu.enqueue_dma source(%arg25 : memref<8x512xf32, #tpu.memory_space<vmem>>) target(%dma_start3A_339 : memref<8x512xf32, #tpu.memory_space<hbm>>) target_semaphore(%arg33 : memref<!tpu.dma_semaphore, #tpu.memory_space<semaphore_mem>>)
      %scan3A_340 = arith.constant 0 : i32
      scf.yield %scan3A_340 : i32
    }
    %scan3A_60 = arith.constant 8 : i32
    %add3A_61 = arith.constant 112 : i32
    %add3A_62 = arith.addi %sub3A_21, %add3A_61 : i32
    %dma_wait3A = arith.constant 0 : i32
    %dma_wait3A_63 = arith.constant 0 : i32
    %dma_wait3A_64 = tpu.memref_slice %arg4[%select_n3A, %dma_wait3A, %add3A_62, %dma_wait3A_63] : memref<8x3x512x512xf32, #tpu.memory_space<hbm>> -> memref<1x1x8x512xf32, #tpu.memory_space<hbm>>
    %dma_wait3A_65 = tpu.memref_squeeze %dma_wait3A_64 : memref<1x1x8x512xf32, #tpu.memory_space<hbm>> -> memref<8x512xf32, #tpu.memory_space<hbm>>
    %dma_wait3A_66 = arith.constant 0 : i32
    %dma_wait3A_67 = tpu.memref_slice %arg4[%select_n3A, %dma_wait3A, %add3A_62, %dma_wait3A_66] : memref<8x3x512x512xf32, #tpu.memory_space<hbm>> -> memref<1x1x8x512xf32, #tpu.memory_space<hbm>>
    %dma_wait3A_68 = tpu.memref_squeeze %dma_wait3A_67 : memref<1x1x8x512xf32, #tpu.memory_space<hbm>> -> memref<8x512xf32, #tpu.memory_space<hbm>>
    tpu.wait_dma2 semaphore(%arg32 : memref<!tpu.dma_semaphore, #tpu.memory_space<semaphore_mem>>) src(%arg14 : memref<8x512xf32, #tpu.memory_space<vmem>>) dst(%dma_wait3A_68 : memref<8x512xf32, #tpu.memory_space<hbm>>)
    %dma_wait3A_69 = arith.constant 0 : i32
    %dma_wait3A_70 = arith.constant 0 : i32
    %dma_wait3A_71 = tpu.memref_slice %arg5[%select_n3A, %dma_wait3A_69, %add3A_62, %dma_wait3A_70] : memref<8x3x512x512xf32, #tpu.memory_space<hbm>> -> memref<1x1x8x512xf32, #tpu.memory_space<hbm>>
    %dma_wait3A_72 = tpu.memref_squeeze %dma_wait3A_71 : memref<1x1x8x512xf32, #tpu.memory_space<hbm>> -> memref<8x512xf32, #tpu.memory_space<hbm>>
    %dma_wait3A_73 = arith.constant 0 : i32
    %dma_wait3A_74 = tpu.memref_slice %arg5[%select_n3A, %dma_wait3A_69, %add3A_62, %dma_wait3A_73] : memref<8x3x512x512xf32, #tpu.memory_space<hbm>> -> memref<1x1x8x512xf32, #tpu.memory_space<hbm>>
    %dma_wait3A_75 = tpu.memref_squeeze %dma_wait3A_74 : memref<1x1x8x512xf32, #tpu.memory_space<hbm>> -> memref<8x512xf32, #tpu.memory_space<hbm>>
    tpu.wait_dma2 semaphore(%arg32 : memref<!tpu.dma_semaphore, #tpu.memory_space<semaphore_mem>>) src(%arg20 : memref<8x512xf32, #tpu.memory_space<vmem>>) dst(%dma_wait3A_75 : memref<8x512xf32, #tpu.memory_space<hbm>>)
    %dma_wait3A_76 = arith.constant 1 : i32
    %dma_wait3A_77 = arith.constant 0 : i32
    %dma_wait3A_78 = tpu.memref_slice %arg4[%select_n3A, %dma_wait3A_76, %add3A_62, %dma_wait3A_77] : memref<8x3x512x512xf32, #tpu.memory_space<hbm>> -> memref<1x1x8x512xf32, #tpu.memory_space<hbm>>
    %dma_wait3A_79 = tpu.memref_squeeze %dma_wait3A_78 : memref<1x1x8x512xf32, #tpu.memory_space<hbm>> -> memref<8x512xf32, #tpu.memory_space<hbm>>
    %dma_wait3A_80 = arith.constant 0 : i32
    %dma_wait3A_81 = tpu.memref_slice %arg4[%select_n3A, %dma_wait3A_76, %add3A_62, %dma_wait3A_80] : memref<8x3x512x512xf32, #tpu.memory_space<hbm>> -> memref<1x1x8x512xf32, #tpu.memory_space<hbm>>
    %dma_wait3A_82 = tpu.memref_squeeze %dma_wait3A_81 : memref<1x1x8x512xf32, #tpu.memory_space<hbm>> -> memref<8x512xf32, #tpu.memory_space<hbm>>
    tpu.wait_dma2 semaphore(%arg32 : memref<!tpu.dma_semaphore, #tpu.memory_space<semaphore_mem>>) src(%arg15 : memref<8x512xf32, #tpu.memory_space<vmem>>) dst(%dma_wait3A_82 : memref<8x512xf32, #tpu.memory_space<hbm>>)
    %dma_wait3A_83 = arith.constant 1 : i32
    %dma_wait3A_84 = arith.constant 0 : i32
    %dma_wait3A_85 = tpu.memref_slice %arg5[%select_n3A, %dma_wait3A_83, %add3A_62, %dma_wait3A_84] : memref<8x3x512x512xf32, #tpu.memory_space<hbm>> -> memref<1x1x8x512xf32, #tpu.memory_space<hbm>>
    %dma_wait3A_86 = tpu.memref_squeeze %dma_wait3A_85 : memref<1x1x8x512xf32, #tpu.memory_space<hbm>> -> memref<8x512xf32, #tpu.memory_space<hbm>>
    %dma_wait3A_87 = arith.constant 0 : i32
    %dma_wait3A_88 = tpu.memref_slice %arg5[%select_n3A, %dma_wait3A_83, %add3A_62, %dma_wait3A_87] : memref<8x3x512x512xf32, #tpu.memory_space<hbm>> -> memref<1x1x8x512xf32, #tpu.memory_space<hbm>>
    %dma_wait3A_89 = tpu.memref_squeeze %dma_wait3A_88 : memref<1x1x8x512xf32, #tpu.memory_space<hbm>> -> memref<8x512xf32, #tpu.memory_space<hbm>>
    tpu.wait_dma2 semaphore(%arg32 : memref<!tpu.dma_semaphore, #tpu.memory_space<semaphore_mem>>) src(%arg21 : memref<8x512xf32, #tpu.memory_space<vmem>>) dst(%dma_wait3A_89 : memref<8x512xf32, #tpu.memory_space<hbm>>)
    %dma_wait3A_90 = arith.constant 2 : i32
    %dma_wait3A_91 = arith.constant 0 : i32
    %dma_wait3A_92 = tpu.memref_slice %arg4[%select_n3A, %dma_wait3A_90, %add3A_62, %dma_wait3A_91] : memref<8x3x512x512xf32, #tpu.memory_space<hbm>> -> memref<1x1x8x512xf32, #tpu.memory_space<hbm>>
    %dma_wait3A_93 = tpu.memref_squeeze %dma_wait3A_92 : memref<1x1x8x512xf32, #tpu.memory_space<hbm>> -> memref<8x512xf32, #tpu.memory_space<hbm>>
    %dma_wait3A_94 = arith.constant 0 : i32
    %dma_wait3A_95 = tpu.memref_slice %arg4[%select_n3A, %dma_wait3A_90, %add3A_62, %dma_wait3A_94] : memref<8x3x512x512xf32, #tpu.memory_space<hbm>> -> memref<1x1x8x512xf32, #tpu.memory_space<hbm>>
    %dma_wait3A_96 = tpu.memref_squeeze %dma_wait3A_95 : memref<1x1x8x512xf32, #tpu.memory_space<hbm>> -> memref<8x512xf32, #tpu.memory_space<hbm>>
    tpu.wait_dma2 semaphore(%arg32 : memref<!tpu.dma_semaphore, #tpu.memory_space<semaphore_mem>>) src(%arg16 : memref<8x512xf32, #tpu.memory_space<vmem>>) dst(%dma_wait3A_96 : memref<8x512xf32, #tpu.memory_space<hbm>>)
    %dma_wait3A_97 = arith.constant 2 : i32
    %dma_wait3A_98 = arith.constant 0 : i32
    %dma_wait3A_99 = tpu.memref_slice %arg5[%select_n3A, %dma_wait3A_97, %add3A_62, %dma_wait3A_98] : memref<8x3x512x512xf32, #tpu.memory_space<hbm>> -> memref<1x1x8x512xf32, #tpu.memory_space<hbm>>
    %dma_wait3A_100 = tpu.memref_squeeze %dma_wait3A_99 : memref<1x1x8x512xf32, #tpu.memory_space<hbm>> -> memref<8x512xf32, #tpu.memory_space<hbm>>
    %dma_wait3A_101 = arith.constant 0 : i32
    %dma_wait3A_102 = tpu.memref_slice %arg5[%select_n3A, %dma_wait3A_97, %add3A_62, %dma_wait3A_101] : memref<8x3x512x512xf32, #tpu.memory_space<hbm>> -> memref<1x1x8x512xf32, #tpu.memory_space<hbm>>
    %dma_wait3A_103 = tpu.memref_squeeze %dma_wait3A_102 : memref<1x1x8x512xf32, #tpu.memory_space<hbm>> -> memref<8x512xf32, #tpu.memory_space<hbm>>
    tpu.wait_dma2 semaphore(%arg32 : memref<!tpu.dma_semaphore, #tpu.memory_space<semaphore_mem>>) src(%arg22 : memref<8x512xf32, #tpu.memory_space<vmem>>) dst(%dma_wait3A_103 : memref<8x512xf32, #tpu.memory_space<hbm>>)
    %add3A_104 = arith.constant 120 : i32
    %add3A_105 = arith.addi %sub3A_21, %add3A_104 : i32
    %dma_wait3A_106 = arith.constant 0 : i32
    %dma_wait3A_107 = arith.constant 0 : i32
    %dma_wait3A_108 = tpu.memref_slice %arg4[%select_n3A, %dma_wait3A_106, %add3A_105, %dma_wait3A_107] : memref<8x3x512x512xf32, #tpu.memory_space<hbm>> -> memref<1x1x8x512xf32, #tpu.memory_space<hbm>>
    %dma_wait3A_109 = tpu.memref_squeeze %dma_wait3A_108 : memref<1x1x8x512xf32, #tpu.memory_space<hbm>> -> memref<8x512xf32, #tpu.memory_space<hbm>>
    %dma_wait3A_110 = arith.constant 0 : i32
    %dma_wait3A_111 = tpu.memref_slice %arg4[%select_n3A, %dma_wait3A_106, %add3A_105, %dma_wait3A_110] : memref<8x3x512x512xf32, #tpu.memory_space<hbm>> -> memref<1x1x8x512xf32, #tpu.memory_space<hbm>>
    %dma_wait3A_112 = tpu.memref_squeeze %dma_wait3A_111 : memref<1x1x8x512xf32, #tpu.memory_space<hbm>> -> memref<8x512xf32, #tpu.memory_space<hbm>>
    tpu.wait_dma2 semaphore(%arg33 : memref<!tpu.dma_semaphore, #tpu.memory_space<semaphore_mem>>) src(%arg17 : memref<8x512xf32, #tpu.memory_space<vmem>>) dst(%dma_wait3A_112 : memref<8x512xf32, #tpu.memory_space<hbm>>)
    %dma_wait3A_113 = arith.constant 0 : i32
    %dma_wait3A_114 = arith.constant 0 : i32
    %dma_wait3A_115 = tpu.memref_slice %arg5[%select_n3A, %dma_wait3A_113, %add3A_105, %dma_wait3A_114] : memref<8x3x512x512xf32, #tpu.memory_space<hbm>> -> memref<1x1x8x512xf32, #tpu.memory_space<hbm>>
    %dma_wait3A_116 = tpu.memref_squeeze %dma_wait3A_115 : memref<1x1x8x512xf32, #tpu.memory_space<hbm>> -> memref<8x512xf32, #tpu.memory_space<hbm>>
    %dma_wait3A_117 = arith.constant 0 : i32
    %dma_wait3A_118 = tpu.memref_slice %arg5[%select_n3A, %dma_wait3A_113, %add3A_105, %dma_wait3A_117] : memref<8x3x512x512xf32, #tpu.memory_space<hbm>> -> memref<1x1x8x512xf32, #tpu.memory_space<hbm>>
    %dma_wait3A_119 = tpu.memref_squeeze %dma_wait3A_118 : memref<1x1x8x512xf32, #tpu.memory_space<hbm>> -> memref<8x512xf32, #tpu.memory_space<hbm>>
    tpu.wait_dma2 semaphore(%arg33 : memref<!tpu.dma_semaphore, #tpu.memory_space<semaphore_mem>>) src(%arg23 : memref<8x512xf32, #tpu.memory_space<vmem>>) dst(%dma_wait3A_119 : memref<8x512xf32, #tpu.memory_space<hbm>>)
    %dma_wait3A_120 = arith.constant 1 : i32
    %dma_wait3A_121 = arith.constant 0 : i32
    %dma_wait3A_122 = tpu.memref_slice %arg4[%select_n3A, %dma_wait3A_120, %add3A_105, %dma_wait3A_121] : memref<8x3x512x512xf32, #tpu.memory_space<hbm>> -> memref<1x1x8x512xf32, #tpu.memory_space<hbm>>
    %dma_wait3A_123 = tpu.memref_squeeze %dma_wait3A_122 : memref<1x1x8x512xf32, #tpu.memory_space<hbm>> -> memref<8x512xf32, #tpu.memory_space<hbm>>
    %dma_wait3A_124 = arith.constant 0 : i32
    %dma_wait3A_125 = tpu.memref_slice %arg4[%select_n3A, %dma_wait3A_120, %add3A_105, %dma_wait3A_124] : memref<8x3x512x512xf32, #tpu.memory_space<hbm>> -> memref<1x1x8x512xf32, #tpu.memory_space<hbm>>
    %dma_wait3A_126 = tpu.memref_squeeze %dma_wait3A_125 : memref<1x1x8x512xf32, #tpu.memory_space<hbm>> -> memref<8x512xf32, #tpu.memory_space<hbm>>
    tpu.wait_dma2 semaphore(%arg33 : memref<!tpu.dma_semaphore, #tpu.memory_space<semaphore_mem>>) src(%arg18 : memref<8x512xf32, #tpu.memory_space<vmem>>) dst(%dma_wait3A_126 : memref<8x512xf32, #tpu.memory_space<hbm>>)
    %dma_wait3A_127 = arith.constant 1 : i32
    %dma_wait3A_128 = arith.constant 0 : i32
    %dma_wait3A_129 = tpu.memref_slice %arg5[%select_n3A, %dma_wait3A_127, %add3A_105, %dma_wait3A_128] : memref<8x3x512x512xf32, #tpu.memory_space<hbm>> -> memref<1x1x8x512xf32, #tpu.memory_space<hbm>>
    %dma_wait3A_130 = tpu.memref_squeeze %dma_wait3A_129 : memref<1x1x8x512xf32, #tpu.memory_space<hbm>> -> memref<8x512xf32, #tpu.memory_space<hbm>>
    %dma_wait3A_131 = arith.constant 0 : i32
    %dma_wait3A_132 = tpu.memref_slice %arg5[%select_n3A, %dma_wait3A_127, %add3A_105, %dma_wait3A_131] : memref<8x3x512x512xf32, #tpu.memory_space<hbm>> -> memref<1x1x8x512xf32, #tpu.memory_space<hbm>>
    %dma_wait3A_133 = tpu.memref_squeeze %dma_wait3A_132 : memref<1x1x8x512xf32, #tpu.memory_space<hbm>> -> memref<8x512xf32, #tpu.memory_space<hbm>>
    tpu.wait_dma2 semaphore(%arg33 : memref<!tpu.dma_semaphore, #tpu.memory_space<semaphore_mem>>) src(%arg24 : memref<8x512xf32, #tpu.memory_space<vmem>>) dst(%dma_wait3A_133 : memref<8x512xf32, #tpu.memory_space<hbm>>)
    %dma_wait3A_134 = arith.constant 2 : i32
    %dma_wait3A_135 = arith.constant 0 : i32
    %dma_wait3A_136 = tpu.memref_slice %arg4[%select_n3A, %dma_wait3A_134, %add3A_105, %dma_wait3A_135] : memref<8x3x512x512xf32, #tpu.memory_space<hbm>> -> memref<1x1x8x512xf32, #tpu.memory_space<hbm>>
    %dma_wait3A_137 = tpu.memref_squeeze %dma_wait3A_136 : memref<1x1x8x512xf32, #tpu.memory_space<hbm>> -> memref<8x512xf32, #tpu.memory_space<hbm>>
    %dma_wait3A_138 = arith.constant 0 : i32
    %dma_wait3A_139 = tpu.memref_slice %arg4[%select_n3A, %dma_wait3A_134, %add3A_105, %dma_wait3A_138] : memref<8x3x512x512xf32, #tpu.memory_space<hbm>> -> memref<1x1x8x512xf32, #tpu.memory_space<hbm>>
    %dma_wait3A_140 = tpu.memref_squeeze %dma_wait3A_139 : memref<1x1x8x512xf32, #tpu.memory_space<hbm>> -> memref<8x512xf32, #tpu.memory_space<hbm>>
    tpu.wait_dma2 semaphore(%arg33 : memref<!tpu.dma_semaphore, #tpu.memory_space<semaphore_mem>>) src(%arg19 : memref<8x512xf32, #tpu.memory_space<vmem>>) dst(%dma_wait3A_140 : memref<8x512xf32, #tpu.memory_space<hbm>>)
    %dma_wait3A_141 = arith.constant 2 : i32
    %dma_wait3A_142 = arith.constant 0 : i32
    %dma_wait3A_143 = tpu.memref_slice %arg5[%select_n3A, %dma_wait3A_141, %add3A_105, %dma_wait3A_142] : memref<8x3x512x512xf32, #tpu.memory_space<hbm>> -> memref<1x1x8x512xf32, #tpu.memory_space<hbm>>
    %dma_wait3A_144 = tpu.memref_squeeze %dma_wait3A_143 : memref<1x1x8x512xf32, #tpu.memory_space<hbm>> -> memref<8x512xf32, #tpu.memory_space<hbm>>
    %dma_wait3A_145 = arith.constant 0 : i32
    %dma_wait3A_146 = tpu.memref_slice %arg5[%select_n3A, %dma_wait3A_141, %add3A_105, %dma_wait3A_145] : memref<8x3x512x512xf32, #tpu.memory_space<hbm>> -> memref<1x1x8x512xf32, #tpu.memory_space<hbm>>
    %dma_wait3A_147 = tpu.memref_squeeze %dma_wait3A_146 : memref<1x1x8x512xf32, #tpu.memory_space<hbm>> -> memref<8x512xf32, #tpu.memory_space<hbm>>
    tpu.wait_dma2 semaphore(%arg33 : memref<!tpu.dma_semaphore, #tpu.memory_space<semaphore_mem>>) src(%arg25 : memref<8x512xf32, #tpu.memory_space<vmem>>) dst(%dma_wait3A_147 : memref<8x512xf32, #tpu.memory_space<hbm>>)
    return
  }
}

</mosaic_0001>

<sc_bundles>
// kernel: _dp_merge.3.cloned.1.call-start
scs
__scs_entry_jumppad:
0x0: {  	(pc) =	sbr.rel $0x88, $3  }
0x1: {  	(tag) =	ssettag $0x0;
	lr =	simm.s32 $0x1  }
0x2: {  	[smem:$0x3F9F] =	sst lr;
	_ =	strace $0xD0000000  }
0x3: {  	_ = 	snop  }
0x4: {  	_ = 	snop  }
0x5: {  	_ = 	snop  }
0x6: {  	_ = 	snop  }
0x7: {  	_ = 	snop  }
__scs_overlays_trampoline_lowered:
0x8: {  	[smem:$0x3FAE] =	sst s0  }
0x9: {  	[smem:$0x3FAF] =	sst s1  }
0xa: {  	[smem:$0x3FB0] =	sst s2  }
0xb: {  	[smem:$0x3FB1] =	sst s3  }
0xc: {  	[smem:$0x3FB2] =	sst s4  }
0xd: {  	[smem:$0x3FB3] =	sst s5  }
0xe: {  	[smem:$0x3FB4] =	sst s6  }
0xf: {  	[smem:$0x3FB5] =	sst s7  }
0x10: {  	[smem:$0x3FB6] =	sst s8  }
0x11: {  	[smem:$0x3FB7] =	sst s9;
	s0 =	simm.s32 @!p0 $0x0  }
0x12: {  	s1 =	sld [smem:$0x3F9D];
	s0 =	simm.s32 @p0 $0x1  }
0x13: {  	[smem:$0x3FB8] =	sst s0;
	s0 =	simm.s32 @!p1 $0x0  }
0x14: {  	s2 =	sld [smem:$0x3F9C];
	s0 =	simm.s32 @p1 $0x1  }
0x15: {  	[smem:$0x3FB9] =	sst s0;
	s0 =	simm.s32 @!p2 $0x0  }
0x16: {  	s3 =	sld [smem:$0x3FDB];
	s0 =	simm.s32 @p2 $0x1  }
0x17: {  	s4 =	simm.s32 $0x1BF5;
	[smem:$0x3FBB] =	sst s0  }
0x18: {  	s0 =	sld [smem:$0x3F9E];
	_ =	swait.ge [sflag:s4], $0x0  }
0x19: {  	s7 =	sld [smem:$0x3F9F]  }
0x1a: {  	s8 =	sadd.s32 $0xFFFFE003, lr  }
0x1b: {  	s9 =	sadd.s32 $0xFFFFFEF7, lr;
	s5 =	simm.s32 $0xFFFFFFFF;
	p2 =	slt.u32 s8, $0xFFFFF086  }
0x1c: {  	p1 =	slt.u32 s9, $0xF7A;
	s5 =	simm.s32 @!p2 $0x0  }
0x1d: {  	s5 =	simm.s32 @p1 $0x1;
	p0 =	seq.s32 s7, s2  }
0x1e: {  	s7 =	smul.u32 @!p0 $0xF7A, s2;
	p2 =	seq.s32 @!p0 s5, $0x0  }
0x1f: {  	s9 =	smul.u32 $0xF7A, s1;
	s8 =	simm.s32 @!p0 $0x1BF5;
	p2 =	por !p2, p0  }
0x20: {  	[sflag:s8] =	ssyncset.s32 @!p0 $0xFFFFF086;
	s6 =	sadd.s32 @!p0 s3, s7;
	s7 =	simm.s32 @!p0 $0x108  }
0x21: {  	s3 =	sadd.s32 s3, s9;
	s6 =	sadd.s32 @!p0 $0x88, s6;
	s7 =	simm.s32 @p2 $0x1082  }
0x22: {  	[simem:s7], [sflag:s8] =	dma.local @!p0 [hbm:s6], $0xF7A  }
0x23: {  	s9 =	sor.u32 $0xD0000000, s2;
	s6 =	simm.s32 $0x108;
	_ =	swait.ge @!p0 [sflag:s8], $0x0  }
0x24: {  	s3 =	sadd.s32 $0x88, s3;
	s6 =	simm.s32 @!p1 $0x1082;
	[sflag:s4] =	ssyncset.s32 $0xFFFFF086  }
0x25: {  	[simem:s6], [sflag:s4] =	dma.local [hbm:s3], $0xF7A  }
0x26: {  	[smem:$0x3F9F] =	sst s1;
	(tag) =	ssettag s2;
	_ =	strace s9  }
0x27: {  	s1 =	sld [smem:$0x3FAF]  }
0x28: {  	s2 =	sld [smem:$0x3FB0]  }
0x29: {  	s4 =	sld [smem:$0x3FB2]  }
0x2a: {  	p0 =	seq.s32 s5, $0x0;
	s5 =	sld [smem:$0x3FB3]  }
0x2b: {  	s6 =	sld [smem:$0x3FB4]  }
0x2c: {  	s7 =	sld [smem:$0x3FB5]  }
0x2d: {  	s3 =	simm.s32 $0x108;
	s8 =	sld [smem:$0x3FB6]  }
0x2e: {  	s3 =	simm.s32 @!p0 $0x1082;
	s9 =	sld [smem:$0x3FB7]  }
0x2f: {  	lr =	sadd.s32 s0, s3;
	s0 =	sld [smem:$0x3FAE]  }
0x30: {  	s3 =	sld [smem:$0x3FB1]  }
0x31: {  	[smem:$0x3FBA] =	sst s10  }
0x32: {  	s10 =	sld [smem:$0x3FB8];
	_ =	sdelay $0x3  }
0x33: {  	p0 =	seq.s32 s10, $0x1;
	s10 =	sld [smem:$0x3FBA];
	_ =	sdelay $0x3  }
0x34: {  	[smem:$0x3FBA] =	sst s10  }
0x35: {  	s10 =	sld [smem:$0x3FB9];
	_ =	sdelay $0x3  }
0x36: {  	p1 =	seq.s32 s10, $0x1;
	s10 =	sld [smem:$0x3FBA];
	_ =	sdelay $0x3  }
0x37: {  	[smem:$0x3FBA] =	sst s10  }
0x38: {  	s10 =	sld [smem:$0x3FBB]  }
0x39: {  	_ = 	snop;
	(pc) =	sbr.ind lr, $3  }
0x3a: {  	_ = 	snop  }
0x3b: {  	_ = 	snop  }
0x3c: {  	p2 =	seq.s32 s10, $0x1;
	s10 =	sld [smem:$0x3FBA]  }
0x3d: {  	_ =	shalt  }
0x3e: {  	_ =	shalt  }
0x3f: {  	_ =	shalt  }
0x40: {  	_ =	shalt  }
0x41: {  	_ =	shalt  }
0x42: {  	_ =	shalt  }
0x43: {  	_ =	shalt  }
0x44: {  	_ =	shalt  }
0x45: {  	_ =	shalt  }
0x46: {  	_ =	shalt  }
0x47: {  	_ =	shalt  }
0x48: {  	_ =	shalt  }
0x49: {  	_ =	shalt  }
0x4a: {  	_ =	shalt  }
0x4b: {  	_ =	shalt  }
0x4c: {  	_ =	shalt  }
0x4d: {  	_ =	shalt  }
0x4e: {  	_ =	shalt  }
0x4f: {  	_ =	shalt  }
0x50: {  	_ =	shalt  }
0x51: {  	_ =	shalt  }
0x52: {  	_ =	shalt  }
0x53: {  	_ =	shalt  }
0x54: {  	_ =	shalt  }
0x55: {  	_ =	shalt  }
0x56: {  	_ =	shalt  }
0x57: {  	_ =	shalt  }
0x58: {  	_ =	shalt  }
0x59: {  	_ =	shalt  }
0x5a: {  	_ =	shalt  }
0x5b: {  	_ =	shalt  }
0x5c: {  	_ =	shalt  }
0x5d: {  	_ =	shalt  }
0x5e: {  	_ =	shalt  }
0x5f: {  	_ =	shalt  }
0x60: {  	_ =	shalt  }
0x61: {  	_ =	shalt  }
0x62: {  	_ =	shalt  }
0x63: {  	_ =	shalt  }
0x64: {  	_ =	shalt  }
0x65: {  	_ =	shalt  }
0x66: {  	_ =	shalt  }
0x67: {  	_ =	shalt  }
0x68: {  	_ =	shalt  }
0x69: {  	_ =	shalt  }
0x6a: {  	_ =	shalt  }
0x6b: {  	_ =	shalt  }
0x6c: {  	_ =	shalt  }
0x6d: {  	_ =	shalt  }
0x6e: {  	_ =	shalt  }
0x6f: {  	_ =	shalt  }
0x70: {  	_ =	shalt  }
0x71: {  	_ =	shalt  }
0x72: {  	_ =	shalt  }
0x73: {  	_ =	shalt  }
0x74: {  	_ =	shalt  }
0x75: {  	_ =	shalt  }
0x76: {  	_ =	shalt  }
0x77: {  	_ =	shalt  }
0x78: {  	_ =	shalt  }
0x79: {  	_ =	shalt  }
0x7a: {  	_ =	shalt  }
0x7b: {  	_ =	shalt  }
0x7c: {  	_ =	shalt  }
0x7d: {  	_ =	shalt  }
0x7e: {  	_ =	shalt  }
0x7f: {  	_ =	shalt  }
0x80: {  	_ =	shalt  }
0x81: {  	_ =	shalt  }
0x82: {  	_ =	shalt  }
0x83: {  	_ =	shalt  }
0x84: {  	_ =	shalt  }
0x85: {  	_ =	shalt  }
0x86: {  	_ =	shalt  }
0x87: {  	_ =	shalt  }
.Lfunc_end0:
.L_simem_size_0:
called_computation_lowered:
.L_overlay_start_0:
0x88: {  	s2 =	sld [smem:$0x3FD9]  }
0x89: {  	s3 =	sld [smem:$0x3FFE];
	_ =	sdelay $0x1  }
0x8a: {  	s1 =	srdreg.scid  }
0x8b: {  	s0 =	sand.u32 $0x1, s1  }
0x8c: {  	s15 =	sshll.u32 s0, $0xA;
	s2 =	sadd.s32 s3, s2  }
0x8d: {  	s2 =	sadd.s32 s2, s15  }
0x8e: {  	[smem:$0x3FC6] =	sst s2  }
0x8f: {  	_ = 	snop  }
0x90: {  	s2 =	sld [smem:$0x3FD0];
	_ =	sdelay $0x1  }
0x91: {  	s16 =	sld [smem:$0x3FC9]  }
0x92: {  	s5 =	simm.s32 $0xA;
	s6 =	simm.s32 $0x10;
	s4 =	sld [smem:$0x3FC8]  }
0x93: {  	[smem:s6], [sflag:s5] =	dma.local [hbm:s2], $0x1  }
0x94: {  	_ =	swait.eq [sflag:s5], $0x1  }
0x95: {  	[sflag:s5] =	ssyncset.done $0x0  }
0x96: {  	s17 =	sld [smem:$0x10];
	[sflag:s5] =	ssyncadd.s32 $0xFFFFFFFF  }
0x97: {  	s18 =	sld [smem:$0x11];
	(tm) =	ssettm $0x1  }
0x98: {  	s19 =	sld [smem:$0x3FFB];
	_ =	sdelay $0x3  }
0x99: {  	_ =	strace s19  }
0x9a: {  	s6 =	sld [smem:$0x3FFC];
	_ =	sdelay $0x3  }
0x9b: {  	_ =	strace s6  }
0x9c: {  	s6 =	sld [smem:$0x3FFD];
	_ =	sdelay $0x3  }
0x9d: {  	_ =	strace s6  }
0x9e: {  	_ =	strace $0x8FFFFFFF  }
0x9f: {  	s20 =	sld [smem:$0x3FDB];
	_ =	sdelay $0x1  }
0xa0: {  	s7 =	simm.s32 $_scs_section_size  }
0xa1: {  	s8 =	simm.s32 $_size__tile_overlayer_lowered;
	s9 =	simm.s32 $_tile_overlayer_lowered  }
0xa2: {  	s23 =	simm.s32 $0x1BFF;
	s22 =	sshll.u32 s9, $0x1;
	s6 =	sadd.s32 s7, s20  }
0xa3: {  	s10 =	simm.s32 $0x0;
	s21 =	sshll.u32 s8, $0x1;
	s8 =	sadd.s32 s22, s6  }
0xa4: {  	[timem:s10], [sflag:s23] =	dma.local [hbm:s8], s21  }
0xa5: {  	_ =	swait.ge [sflag:s23], s21  }
0xa6: {  	s7 =	ssub.s32 $0x0, s21;
	[sflag:s23] =	ssyncset.done $0x0  }
0xa7: {  	[sflag:s23] =	ssyncadd.s32 s7;
	_ =	sdelay $0x1  }
0xa8: {  	s24 =	simm.s32 $0x1B8B  }
0xa9: {  	_ =	swait.ge [sflag:s24], $0x1  }
0xaa: {  	[sflag:s24] =	ssyncset.done $0x0  }
0xab: {  	s25 =	simm.s32 $0x1B8E;
	[sflag:s24] =	ssyncadd.s32 $0xFFFFFFFF  }
0xac: {  	s26 =	simm.s32 $execute0_lowered;
	[smem:$0x3FD2] =	sst s25  }
0xad: {  	s7 =	sshll.u32 s26, $0x1;
	_ =	strace $0x80000046;
	[dreg:$0x1] =	wrdreg $0xFFFFFFFF  }
0xae: {  	s28 =	simm.s32 $_size_execute0_lowered;
	s6 =	sadd.s32 s6, s7;
	[dreg:$0x0] =	wrdreg $0x0  }
0xaf: {  	s7 =	sshll.u32 s28, $0x1;
	[dreg:$0x2] =	wrdreg s6  }
0xb0: {  	[dreg:$0x3] =	wrdreg s7  }
0xb1: {  	[dreg:$0x4] =	wrdreg $0xC0  }
0xb2: {  	_ =	task [dreg:s10], $0x5FFFF  }
0xb3: {  	[dreg:$0x1] =	wrdreg $0xFFFFFFFF  }
0xb4: {  	[dreg:$0x0] =	wrdreg $0x60  }
0xb5: {  	[dreg:$0x2] =	wrdreg s16  }
0xb6: {  	[dreg:$0x3] =	wrdreg s4  }
0xb7: {  	[dreg:$0x4] =	wrdreg s17  }
0xb8: {  	[dreg:$0x5] =	wrdreg s18  }
0xb9: {  	[dreg:$0x6] =	wrdreg $0x9  }
0xba: {  	_ =	task.clear_ibuf [dreg:s10], $0x7FFFF;
	_ =	strace $0x90000046  }
0xbb: {  	s29 =	simm.s32 $0x9;
	_ =	strace $0x80000048  }
0xbc: {  	_ =	swait.ge [sflag:s29], $0x1  }
0xbd: {  	[sflag:s29] =	ssyncadd.s32 $0xFFFFFFFF  }
0xbe: {  	_ =	strace $0x90000048  }
0xbf: {  	_ =	sfence  }
0xc0: {  	s30 =	sld [smem:$0x0];
	_ =	sdelay $0x2  }
0xc1: {  	s31 =	sshll.u32 s1, $0xD;
	s1 =	sshrl.u32 s1, $0x2  }
0xc2: {  	s3 =	sand.u32 $0x4000, s31;
	s1 =	sadd.s32 s1, s30  }
0xc3: {  	s0 =	sor.u32 s3, s0;
	s1 =	sshll.u32 s1, $0x11  }
0xc4: {  	s0 =	sor.u32 s1, s0  }
0xc5: {  	s0 =	sadd.s32 $0x8F2B, s0  }
0xc6: {  	[sflag:s0] =	ssyncadd.remote.s32 $0x1  }
0xc7: {  	_ =	sfence.sel $0xFFFF  }
0xc8: {  	[dreg:$0x0] =	wrdreg $0xFFFFFFFF;
	(pc) =	sbr.abs _section_cstart, $3  }
0xc9: {  	[dreg:$0x1] =	wrdreg $0xFFFFFFFF  }
0xca: {  	_ =	task.clear_ibuf [dreg:s10], $0x2FFFF;
	_ =	strace $0x9FFFFFFF  }
0xcb: {  	(tm) =	ssettm $0x7FFFFFFF  }
tec
execute0_lowered:
.L_overlay_start_1:
0x0: {  	(tag) =	ssettag $0x1  }
0x1: {  	s4 =	rddreg [dreg:$0x0]  }
0x2: {  	s8 =	rddreg [dreg:$0x1]  }
0x3: {  	s5 =	rddreg [dreg:$0x3]  }
0x4: {  	s0 =	srdreg.scid;
	s3 =	stileid.u32;
	s6 =	simm.s32 $0x0  }
0x5: {  	s24 =	simm.s32 $0x1;
	s28 =	simm.s32 $0x14C00;
	s0 =	sand.u32 $0x1, s0  }
0x6: {  	s1 =	sshll.u32 s3, $0x8;
	s3 =	sshrl.u32 s3, $0x1;
	[smem:$0x7FF] =	sst s6  }
0x7: {  	s2 =	sshll.u32 s0, $0x7;
	s1 =	sand.u32 $0x100, s1;
	s7 =	smul.u32 $0xC0000, s3  }
0x8: {  	_ =	strace $0x80000047;
	s3 =	sshll.u32 s3, $0x12;
	s0 =	ssub.s32 $0x2, s0  }
0x9: {  	s1 =	sor.u32 s2, s1;
	[dreg:$0x6] =	wrdreg s3;
	s25 =	sshrl.u32 s0, $0x1  }
0xa: {  	s2 =	sshll.u32 s1, $0x9;
	[dreg:$0x5] =	wrdreg s7;
	s1 =	sshrl.u32 s1, $0x3  }
0xb: {  	s0 =	ssub.s32 s0, s25;
	s7 =	sor.u32 s7, s2;
	[dreg:$0xc] =	wrdreg s1  }
0xc: {  	s3 =	sor.u32 s3, s2;
	s1 =	sor.u32 $0x2, s1;
	[dreg:$0x7] =	wrdreg s7  }
0xd: {  	s0 =	smax.u32 s0, $0x1;
	s3 =	sshrl.u32 s3, $0x3;
	[dreg:$0xd] =	wrdreg s1  }
0xe: {  	s7 =	sshrl.u32 s7, $0x3;
	[dreg:$0xe] =	wrdreg s0;
	s26 =	sadd.s32 s8, s3  }
0xf: {  	s29 =	simm.s32 $0x14E00;
	s30 =	sadd.s32 s4, s7;
	[dreg:$0x8] =	wrdreg s26  }
0x10: {  	s19 =	simm.s32 $0x2;
	s31 =	sadd.s32 $0x8000, s30;
	[dreg:$0x9] =	wrdreg s30  }
0x11: {  	s25 =	simm.s32 $0x14000;
	s2 =	sadd.s32 $0x10000, s30;
	[dreg:$0xa] =	wrdreg s31  }
0x12: {  	v0 =	vimm.f32 $0.0e+00;
	v1 =	vlaneseq.u32;
	v2 =	vimm.f32 $1.000000000e+00;
	s26 =	simm.s32 $0x14600;
	[dreg:$0xb] =	wrdreg s2;
	s2 =	simm.s32 $0x0  }
.LBB2_1:
0x13: {  	[dreg:$0xf] =	wrdreg s2;
	s1 =	simm.s32 $0x14400  }
0x14: {  	s0 =	simm.s32 $0x14800;
	[tilespmem:s1+$0xFFFFFC00] =	vst v0  }
0x15: {  	[tilespmem:s0+$0xFFFFFE00] =	vst v0  }
0x16: {  	[tilespmem:s1+$0xFFFFFE00] =	vst v0  }
0x17: {  	[tilespmem:s0+$0x0] =	vst v0  }
0x18: {  	[tilespmem:s1+$0x0] =	vst v0  }
0x19: {  	[tilespmem:s0+$0x200] =	vst v0  }
0x1a: {  	s2 =	simm.s32 $0x14410;
	[tilespmem:s28+$0x0] =	vst v0  }
0x1b: {  	s3 =	simm.s32 $0x14C00;
	s7 =	simm.s32 $0x14E00;
	s1 =	simm.s32 $0x0;
	[tilespmem:s29+$0x0] =	vst v0  }
.LBB2_2:
0x1c: {  	[tilespmem:s2+$0xFFFFFC00] =	vst v0;
	s0 =	sadd.s32 $0x10, s0  }
0x1d: {  	s1 =	sadd.s32 $0x10, s1;
	[tilespmem:s0+$0xFFFFFE00] =	vst v0  }
0x1e: {  	p0 =	slt.u32 s1, $0x1F0;
	[tilespmem:s2+$0xFFFFFE00] =	vst v0  }
.Ltmp0:
0x1f: {  	[tilespmem:s0+$0x0] =	vst v0;
	(pc) =	sbr.rel @p0 .LBB2_2-.Ltmp0, $4  }
0x20: {  	[tilespmem:s2+$0x0] =	vst v0  }
0x21: {  	s3 =	sadd.s32 $0x10, s3;
	[tilespmem:s0+$0x200] =	vst v0  }
0x22: {  	s7 =	sadd.s32 $0x10, s7;
	[tilespmem:s3+$0x0] =	vst v0  }
0x23: {  	s2 =	sadd.s32 $0x10, s2;
	[tilespmem:s7+$0x0] =	vst v0  }
0x24: {  	s21 =	simm.s32 $0x0;
	s0 =	rddreg [dreg:$0x8]  }
0x25: {  	[tilespmem:s21], [sflag:$0x1] =	stream.linear.gather [hbm4b:s0+s21], $0x1000, $0x38;
	[tilespmem:$0x15000] =	vst v63  }
0x26: {  	s20 =	rddreg [dreg:$0x9];
	s1 =	simm.s32 $0x2000  }
0x27: {  	[tilespmem:s1], [sflag:$0x1] =	stream.linear.gather [hbm4b:s20+s21], $0x1000, $0x38;
	[tilespmem:$0x15000] =	vst v63  }
0x28: {  	s22 =	rddreg [dreg:$0xa];
	s23 =	simm.s32 $0x3000  }
0x29: {  	[tilespmem:s23], [sflag:$0x1] =	stream.linear.gather [hbm4b:s22+s21], $0x1000, $0x38;
	[tilespmem:$0x15000] =	vst v63  }
0x2a: {  	s30 =	rddreg [dreg:$0xb];
	s31 =	simm.s32 $0x4000  }
0x2b: {  	[tilespmem:s31], [sflag:$0x1] =	stream.linear.gather [hbm4b:s30+s21], $0x1000, $0x38;
	[tilespmem:$0x15000] =	vst v63  }
.LBB2_4:
0x2c: {  	s31 =	sshll.u32 s21, $0x1;
	s0 =	rddreg [dreg:$0xc]  }
0x2d: {  	s0 =	sor.u32 s31, s0  }
0x2e: {  	s1 =	rddreg [dreg:$0x6];
	s0 =	sshll.u32 s0, $0xC  }
0x2f: {  	s2 =	rddreg [dreg:$0x1];
	s0 =	sor.u32 $0x1000, s0  }
0x30: {  	s13 =	rddreg [dreg:$0x5];
	s1 =	sor.u32 s1, s0  }
0x31: {  	s12 =	simm.s32 $0x1000;
	s0 =	sor.u32 s13, s0;
	s1 =	sshrl.u32 s1, $0x3  }
0x32: {  	s14 =	rddreg [dreg:$0x0];
	s30 =	sshrl.u32 s0, $0x3;
	s1 =	sadd.s32 s2, s1  }
0x33: {  	[tilespmem:s12], [sflag:$0x2] =	stream.linear.gather [hbm4b:s1+s6], $0x1000, $0x38;
	[tilespmem:$0x15000] =	vst v63  }
0x34: {  	s15 =	simm.s32 $0x5000;
	s0 =	sadd.s32 s14, s30;
	s23 =	sadd.s32 $0x8000, s30  }
0x35: {  	[tilespmem:s15], [sflag:$0x2] =	stream.linear.gather [hbm4b:s0+s6], $0x1000, $0x38;
	[tilespmem:$0x15000] =	vst v63  }
0x36: {  	s17 =	simm.s32 $0x6000;
	s22 =	sadd.s32 $0x10000, s30;
	s16 =	sadd.s32 s14, s23  }
0x37: {  	[tilespmem:s17], [sflag:$0x2] =	stream.linear.gather [hbm4b:s16+s6], $0x1000, $0x38;
	[tilespmem:$0x15000] =	vst v63  }
0x38: {  	s20 =	simm.s32 $0x7000;
	s18 =	sadd.s32 s14, s22  }
0x39: {  	[tilespmem:s20], [sflag:$0x2] =	stream.linear.gather [hbm4b:s18+s6], $0x1000, $0x38;
	[tilespmem:$0x15000] =	vst v63  }
0x3a: {  	_ =	swait.ge [sflag:s24], $0x1000  }
0x3b: {  	[sflag:s24] =	ssyncset.done $0x0  }
0x3c: {  	[sflag:s24] =	ssyncadd.s32 $0xFFFFF000  }
0x3d: {  	_ =	swait.ge [sflag:s24], $0x1000  }
0x3e: {  	[sflag:s24] =	ssyncset.done $0x0  }
0x3f: {  	[sflag:s24] =	ssyncadd.s32 $0xFFFFF000  }
0x40: {  	_ =	swait.ge [sflag:s24], $0x1000  }
0x41: {  	[sflag:s24] =	ssyncset.done $0x0  }
0x42: {  	[sflag:s24] =	ssyncadd.s32 $0xFFFFF000  }
0x43: {  	_ =	swait.ge [sflag:s24], $0x1000  }
0x44: {  	p0 =	seq.s32 s21, $0x0;
	[sflag:s24] =	ssyncset.done $0x0  }
0x45: {  	s0 =	simm.s32 @!p0 $0x3;
	[sflag:s24] =	ssyncadd.s32 $0xFFFFF000  }
0x46: {  	_ =	swait.ge @!p0 [sflag:s0], $0x1000  }
0x47: {  	[sflag:s0] =	ssyncset.done @!p0 $0x0  }
0x48: {  	[sflag:s0] =	ssyncadd.s32 @!p0 $0xFFFFF000  }
0x49: {  	_ =	swait.ge @!p0 [sflag:s0], $0x1000  }
0x4a: {  	[sflag:s0] =	ssyncset.done @!p0 $0x0  }
0x4b: {  	[sflag:s0] =	ssyncadd.s32 @!p0 $0xFFFFF000  }
0x4c: {  	_ =	swait.ge @!p0 [sflag:s0], $0x1000  }
0x4d: {  	[sflag:s0] =	ssyncset.done @!p0 $0x0  }
0x4e: {  	[sflag:s0] =	ssyncadd.s32 @!p0 $0xFFFFF000  }
0x4f: {  	_ =	swait.ge @!p0 [sflag:s0], $0x1000  }
0x50: {  	[sflag:s0] =	ssyncset.done @!p0 $0x0  }
0x51: {  	[sflag:s0] =	ssyncadd.s32 @!p0 $0xFFFFF000  }
0x52: {  	_ =	swait.ge @!p0 [sflag:s0], $0x1000  }
0x53: {  	[sflag:s0] =	ssyncset.done @!p0 $0x0  }
0x54: {  	[sflag:s0] =	ssyncadd.s32 @!p0 $0xFFFFF000  }
0x55: {  	s3 =	simm.s32 $0x3040;
	s8 =	simm.s32 $0x0;
	_ =	swait.ge @!p0 [sflag:s0], $0x1000  }
0x56: {  	s12 =	simm.s32 $0x0;
	s17 =	simm.s32 $0x2040;
	[sflag:s0] =	ssyncset.done @!p0 $0x0  }
0x57: {  	s18 =	simm.s32 $0x40;
	[sflag:s0] =	ssyncadd.s32 @!p0 $0xFFFFF000;
	s0 =	simm.s32 $0x4040  }
.LBB2_5:
0x58: {  	v3 =	vld [tilespmem:s18+$0x30]  }
0x59: {  	v4 =	vld [tilespmem:s18+$0xFFFFFFD0]  }
0x5a: {  	v5 =	vld [tilespmem:s18+$0xFFFFFFE0]  }
0x5b: {  	v6 =	vld [tilespmem:s18+$0xFFFFFFF0]  }
0x5c: {  	v7 =	vld [tilespmem:s18+$0x0]  }
0x5d: {  	v8 =	vld [tilespmem:s18+$0x10]  }
0x5e: {  	v11 =	vld [tilespmem:s18+$0x20]  }
0x5f: {  	s1 =	simm.s32 $0x0;
	s2 =	simm.s32 $0x10;
	v12 =	vld [tilespmem:s18+$0xFFFFFFC0];
	s10 =	simm.s32 $0x70  }
0x60: {  	s11 =	simm.s32 $0x20;
	s13 =	simm.s32 $0x30;
	s14 =	simm.s32 $0x40;
	v9 =	vor.u32 s1, v1;
	v10 =	vor.u32 s2, v1;
	v13 =	vor.u32 s10, v1  }
0x61: {  	v15 =	vor.u32 s11, v1;
	v16 =	vor.u32 s13, v1;
	v17 =	vor.u32 s14, v1  }
0x62: {  	v3 =	vmax.f32 v3, $-1.024000000e+03;
	v4 =	vmax.f32 v4, $-1.024000000e+03;
	v5 =	vmax.f32 v5, $-1.024000000e+03  }
0x63: {  	v6 =	vmax.f32 v6, $-1.024000000e+03;
	v7 =	vmax.f32 v7, $-1.024000000e+03;
	v8 =	vmax.f32 v8, $-1.024000000e+03  }
0x64: {  	v11 =	vmax.f32 v11, $-1.024000000e+03;
	v12 =	vmax.f32 v12, $-1.024000000e+03;
	v3 =	vmin.f32 v3, $1.024000000e+03  }
0x65: {  	v4 =	vmin.f32 v4, $1.024000000e+03;
	v5 =	vmin.f32 v5, $1.024000000e+03;
	v6 =	vmin.f32 v6, $1.024000000e+03  }
0x66: {  	v7 =	vmin.f32 v7, $1.024000000e+03;
	v3 =	vadd.f32 $1.258291200e+07, v3;
	v4 =	vadd.f32 $1.258291200e+07, v4  }
0x67: {  	v12 =	vmin.f32 v12, $1.024000000e+03;
	v5 =	vadd.f32 $1.258291200e+07, v5;
	v6 =	vadd.f32 $1.258291200e+07, v6  }
0x68: {  	v8 =	vmin.f32 v8, $1.024000000e+03;
	v12 =	vadd.f32 $1.258291200e+07, v12;
	v7 =	vadd.f32 $1.258291200e+07, v7  }
0x69: {  	s15 =	simm.s32 $0x50;
	v11 =	vmin.f32 v11, $1.024000000e+03;
	v8 =	vadd.f32 $1.258291200e+07, v8;
	v3 =	vadd.f32 $-1.258291200e+07, v3  }
0x6a: {  	v21 =	vor.u32 s15, v1;
	v11 =	vadd.f32 $1.258291200e+07, v11;
	v12 =	vadd.f32 $-1.258291200e+07, v12  }
0x6b: {  	v4 =	vadd.f32 $-1.258291200e+07, v4;
	v5 =	vadd.f32 $-1.258291200e+07, v5;
	v3 =	vtrunc.f32 v3  }
0x6c: {  	v6 =	vadd.f32 $-1.258291200e+07, v6;
	v7 =	vadd.f32 $-1.258291200e+07, v7;
	v3 =	vcvt.f32.s32 v3  }
0x6d: {  	v8 =	vadd.f32 $-1.258291200e+07, v8;
	v11 =	vadd.f32 $-1.258291200e+07, v11;
	v12 =	vtrunc.f32 v12  }
0x6e: {  	v20 =	vld [tilespmem:s17+$0xFFFFFFC0];
	v4 =	vtrunc.f32 v4;
	v5 =	vtrunc.f32 v5;
	v14 =	vadd.s32 v3, v13  }
0x6f: {  	v22 =	vld [tilespmem:s17+$0xFFFFFFD0];
	v6 =	vtrunc.f32 v6;
	v3 =	vsub.s32 v13, v3;
	vm0 =	vgt.s32 v14, $0x0  }
0x70: {  	v24 =	vld [tilespmem:s17+$0xFFFFFFE0];
	v7 =	vtrunc.f32 v7;
	vm15 =	vgt.s32 v3, $0x0;
	v13 =	vnsel vm0, $0x0, v14  }
0x71: {  	v8 =	vtrunc.f32 v8;
	v3 =	vnsel vm15, $0x0, v3;
	v14 =	vld [tilespmem:s17+$0x30];
	v13 =	vmin.u32 v13, $0x1FF  }
0x72: {  	s16 =	simm.s32 $0x60;
	v27 =	vld [tilespmem:s17+$0x0];
	v11 =	vtrunc.f32 v11;
	v12 =	vcvt.f32.s32 v12;
	v3 =	vmin.u32 v3, $0x1FF  }
0x73: {  	v29 =	vld [tilespmem:s17+$0x10];
	s7 =	sadd.s32 $0x400, s18;
	v23 =	vor.u32 s16, v1;
	v4 =	vcvt.f32.s32 v4;
	v5 =	vcvt.f32.s32 v5  }
0x74: {  	v35 =	vld [tilespmem:s7+$0x30];
	v6 =	vcvt.f32.s32 v6;
	v8 =	vcvt.f32.s32 v8;
	v25 =	vadd.s32 v12, v9  }
0x75: {  	v34 =	vld [tilespmem:s7+$0xFFFFFFD0];
	v7 =	vcvt.f32.s32 v7;
	v11 =	vcvt.f32.s32 v11;
	vm4 =	vgt.s32 v25, $0x0  }
0x76: {  	v28 =	vadd.s32 v8, v21;
	v21 =	vsub.s32 v21, v8;
	v8 =	vnsel vm4, $0x0, v25;
	[tilespmem:v13+s25+$0x0] =	vst.idx.add.f32.msk $0xffff, v14  }
0x77: {  	v30 =	vadd.s32 v11, v23;
	v11 =	vsub.s32 v23, v11;
	v23 =	vmin.u32 v8, $0x1FF;
	[tilespmem:v3+s26+$0x0] =	vst.idx.add.f32.msk $0xffff, v14  }
0x78: {  	v9 =	vsub.s32 v9, v12;
	v12 =	vadd.s32 v4, v10;
	v18 =	vor.u32 $0x200, v13;
	v14 =	vld [tilespmem:s3+$0x30]  }
0x79: {  	v33 =	vld [tilespmem:s7+$0x0];
	v4 =	vsub.s32 v10, v4;
	vm1 =	vgt.s32 v9, $0x0;
	v19 =	vor.u32 $0x200, v3  }
0x7a: {  	v32 =	vld [tilespmem:s7+$0x10];
	v10 =	vadd.s32 v5, v15;
	vm2 =	vgt.s32 v12, $0x0;
	v9 =	vnsel vm1, $0x0, v9  }
0x7b: {  	vm5 =	vgt.s32 v4, $0x0;
	v25 =	vld [tilespmem:s17+$0x20];
	v8 =	vnsel vm2, $0x0, v12;
	v9 =	vmin.u32 v9, $0x1FF  }
0x7c: {  	vm6 =	vgt.s32 v10, $0x0;
	v4 =	vnsel vm5, $0x0, v4;
	v12 =	vmin.u32 v8, $0x1FF;
	[tilespmem:v23+s25+$0x0] =	vst.idx.add.f32.msk $0xffff, v20  }
0x7d: {  	v5 =	vsub.s32 v15, v5;
	v8 =	vnsel vm6, $0x0, v10;
	v10 =	vmin.u32 v4, $0x1FF;
	[tilespmem:v18+s25+$0x0] =	vst.idx.add.f32.msk $0xffff, v14  }
0x7e: {  	v26 =	vadd.s32 v7, v17;
	v7 =	vsub.s32 v17, v7;
	v17 =	vmin.u32 v8, $0x1FF;
	[tilespmem:v19+s26+$0x0] =	vst.idx.add.f32.msk $0xffff, v14  }
0x7f: {  	v15 =	vadd.s32 v6, v16;
	v6 =	vsub.s32 v16, v6;
	v16 =	vor.u32 $0x400, v13;
	v14 =	vld [tilespmem:s0+$0x30]  }
0x80: {  	[tilespmem:v9+s26+$0x0] =	vst.idx.add.f32.msk $0xffff, v20;
	v18 =	vor.u32 $0x400, v3  }
0x81: {  	[tilespmem:v12+s25+$0x0] =	vst.idx.add.f32.msk $0xffff, v22  }
0x82: {  	[tilespmem:v10+s26+$0x0] =	vst.idx.add.f32.msk $0xffff, v22  }
0x83: {  	vm7 =	vgt.s32 v5, $0x0;
	[tilespmem:v17+s25+$0x0] =	vst.idx.add.f32.msk $0xffff, v24  }
0x84: {  	vm8 =	vgt.s32 v15, $0x0;
	vm9 =	vgt.s32 v6, $0x0;
	v4 =	vnsel vm7, $0x0, v5;
	[tilespmem:v16+s25+$0x0] =	vst.idx.add.f32.msk $0xffff, v14  }
0x85: {  	vm10 =	vgt.s32 v26, $0x0;
	vm11 =	vgt.s32 v7, $0x0;
	[tilespmem:v18+s26+$0x0] =	vst.idx.add.f32.msk $0xffff, v14;
	v18 =	vmin.u32 v4, $0x1FF  }
0x86: {  	vm12 =	vgt.s32 v28, $0x0;
	vm13 =	vgt.s32 v21, $0x0;
	vm15 =	vgt.s32 v11, $0x0;
	[tilespmem:v13+s28+$0x0] =	vst.idx.add.f32.msk $0xffff, v2  }
0x87: {  	vm14 =	vgt.s32 v30, $0x0;
	v11 =	vnsel vm15, $0x0, v11;
	v4 =	vnsel vm9, $0x0, v6;
	v13 =	vld [tilespmem:s3+$0xFFFFFFD0]  }
0x88: {  	v22 =	vor.u32 $0x200, v12;
	[tilespmem:v3+s29+$0x0] =	vst.idx.add.f32.msk $0xffff, v2;
	v3 =	vnsel vm8, $0x0, v15;
	v15 =	vmin.u32 v4, $0x1FF  }
0x89: {  	v19 =	vld [tilespmem:s17+$0xFFFFFFF0];
	v4 =	vnsel vm11, $0x0, v7;
	v16 =	vmin.u32 v3, $0x1FF;
	v3 =	vnsel vm10, $0x0, v26  }
0x8a: {  	v7 =	vmin.u32 v4, $0x1FF;
	v8 =	vmin.u32 v3, $0x1FF;
	v3 =	vnsel vm12, $0x0, v28;
	[tilespmem:v18+s26+$0x0] =	vst.idx.add.f32.msk $0xffff, v24  }
0x8b: {  	v4 =	vnsel vm13, $0x0, v21;
	v6 =	vmin.u32 v3, $0x1FF;
	v3 =	vnsel vm14, $0x0, v30;
	v30 =	vld [tilespmem:s7+$0xFFFFFFE0]  }
0x8c: {  	v5 =	vmin.u32 v4, $0x1FF;
	v4 =	vmin.u32 v3, $0x1FF;
	v3 =	vmin.u32 v11, $0x1FF;
	v11 =	vld [tilespmem:s3+$0xFFFFFFC0]  }
0x8d: {  	[tilespmem:v22+s25+$0x0] =	vst.idx.add.f32.msk $0xffff, v13  }
0x8e: {  	[tilespmem:v16+s25+$0x0] =	vst.idx.add.f32.msk $0xffff, v19  }
0x8f: {  	[tilespmem:v15+s26+$0x0] =	vst.idx.add.f32.msk $0xffff, v19  }
0x90: {  	[tilespmem:v8+s25+$0x0] =	vst.idx.add.f32.msk $0xffff, v27  }
0x91: {  	v19 =	vld [tilespmem:s3+$0xFFFFFFE0]  }
0x92: {  	[tilespmem:v7+s26+$0x0] =	vst.idx.add.f32.msk $0xffff, v27  }
0x93: {  	v14 =	vor.u32 $0x200, v23;
	[tilespmem:v6+s25+$0x0] =	vst.idx.add.f32.msk $0xffff, v29  }
0x94: {  	v21 =	vld [tilespmem:s3+$0xFFFFFFF0]  }
0x95: {  	[tilespmem:v5+s26+$0x0] =	vst.idx.add.f32.msk $0xffff, v29  }
0x96: {  	v20 =	vor.u32 $0x200, v9;
	[tilespmem:v4+s25+$0x0] =	vst.idx.add.f32.msk $0xffff, v25  }
0x97: {  	v24 =	vld [tilespmem:s3+$0x0]  }
0x98: {  	v27 =	vor.u32 $0x200, v17;
	[tilespmem:v14+s25+$0x0] =	vst.idx.add.f32.msk $0xffff, v11  }
0x99: {  	v29 =	vor.u32 $0x200, v18;
	[tilespmem:v3+s26+$0x0] =	vst.idx.add.f32.msk $0xffff, v25  }
0x9a: {  	v14 =	vor.u32 $0x200, v16;
	v26 =	vld [tilespmem:s3+$0x10]  }
0x9b: {  	[tilespmem:v20+s26+$0x0] =	vst.idx.add.f32.msk $0xffff, v11  }
0x9c: {  	v25 =	vor.u32 $0x200, v10;
	v28 =	vld [tilespmem:s3+$0x20]  }
0x9d: {  	v11 =	vor.u32 $0x200, v15;
	[tilespmem:v27+s25+$0x0] =	vst.idx.add.f32.msk $0xffff, v19  }
0x9e: {  	v20 =	vor.u32 $0x200, v8;
	[tilespmem:v29+s26+$0x0] =	vst.idx.add.f32.msk $0xffff, v19  }
0x9f: {  	v22 =	vor.u32 $0x200, v6;
	[tilespmem:v14+s25+$0x0] =	vst.idx.add.f32.msk $0xffff, v21  }
0xa0: {  	v29 =	vld [tilespmem:s7+$0xFFFFFFF0]  }
0xa1: {  	v19 =	vor.u32 $0x200, v5;
	[tilespmem:v25+s26+$0x0] =	vst.idx.add.f32.msk $0xffff, v13  }
0xa2: {  	v14 =	vor.u32 $0x200, v4;
	[tilespmem:v11+s26+$0x0] =	vst.idx.add.f32.msk $0xffff, v21  }
0xa3: {  	[tilespmem:v20+s25+$0x0] =	vst.idx.add.f32.msk $0xffff, v24  }
0xa4: {  	v13 =	vor.u32 $0x200, v7;
	[tilespmem:v22+s25+$0x0] =	vst.idx.add.f32.msk $0xffff, v26  }
0xa5: {  	v11 =	vor.u32 $0x200, v3;
	v31 =	vld [tilespmem:s0+$0xFFFFFFE0]  }
0xa6: {  	[tilespmem:v19+s26+$0x0] =	vst.idx.add.f32.msk $0xffff, v26  }
0xa7: {  	[tilespmem:v14+s25+$0x0] =	vst.idx.add.f32.msk $0xffff, v28  }
0xa8: {  	v19 =	vld [tilespmem:s0+$0xFFFFFFD0]  }
0xa9: {  	[tilespmem:v13+s26+$0x0] =	vst.idx.add.f32.msk $0xffff, v24  }
0xaa: {  	[tilespmem:v11+s26+$0x0] =	vst.idx.add.f32.msk $0xffff, v28  }
0xab: {  	v22 =	vor.u32 $0x400, v12;
	v13 =	vld [tilespmem:s0+$0xFFFFFFC0]  }
0xac: {  	v20 =	vor.u32 $0x400, v23;
	v28 =	vld [tilespmem:s0+$0xFFFFFFF0]  }
0xad: {  	v14 =	vld [tilespmem:s0+$0x10];
	v24 =	vor.u32 $0x400, v10  }
0xae: {  	v21 =	vor.u32 $0x400, v9;
	v26 =	vld [tilespmem:s0+$0x0]  }
0xaf: {  	v11 =	vld [tilespmem:s0+$0x20]  }
0xb0: {  	[tilespmem:v22+s25+$0x0] =	vst.idx.add.f32.msk $0xffff, v19  }
0xb1: {  	[tilespmem:v20+s25+$0x0] =	vst.idx.add.f32.msk $0xffff, v13  }
0xb2: {  	[tilespmem:v24+s26+$0x0] =	vst.idx.add.f32.msk $0xffff, v19  }
0xb3: {  	[tilespmem:v21+s26+$0x0] =	vst.idx.add.f32.msk $0xffff, v13;
	v13 =	vor.u32 $0x400, v17  }
0xb4: {  	v35 =	vmax.f32 v35, $-1.024000000e+03;
	[tilespmem:v12+s28+$0x0] =	vst.idx.add.f32.msk $0xffff, v2  }
0xb5: {  	s9 =	simm.s32 $0xA0;
	s2 =	simm.s32 $0x80;
	v27 =	vor.u32 $0x400, v18;
	v25 =	vor.u32 $0x400, v16;
	v22 =	vor.u32 $0x400, v7;
	[tilespmem:v23+s28+$0x0] =	vst.idx.add.f32.msk $0xffff, v2  }
0xb6: {  	s20 =	simm.s32 $0x90;
	v24 =	vor.u32 $0x400, v15;
	v20 =	vor.u32 s2, v1;
	v19 =	vor.u32 s9, v1;
	[tilespmem:v10+s29+$0x0] =	vst.idx.add.f32.msk $0xffff, v2  }
0xb7: {  	s13 =	simm.s32 $0xB0;
	s10 =	simm.s32 $0x100;
	v12 =	vor.u32 $0x400, v5;
	v21 =	vor.u32 s20, v1;
	v23 =	vor.u32 $0x400, v8;
	[tilespmem:v9+s29+$0x0] =	vst.idx.add.f32.msk $0xffff, v2  }
0xb8: {  	s1 =	smov.u32 s3;
	s11 =	smov.u32 s0;
	s9 =	smov.u32 s17;
	v10 =	vor.u32 $0x400, v4;
	v9 =	vor.u32 $0x400, v3;
	[tilespmem:v13+s25+$0x0] =	vst.idx.add.f32.msk $0xffff, v31;
	v13 =	vor.u32 $0x400, v6  }
.LBB2_6:
0xb9: {  	p1 =	slt.u32 s10, $0x180;
	v34 =	vmax.f32 v34, $-1.024000000e+03;
	v36 =	vor.u32 s13, v1;
	v37 =	vld [tilespmem:s7+$0x20];
	v35 =	vmin.f32 v35, $1.024000000e+03  }
0xba: {  	v38 =	vld [tilespmem:s7+$0xFFFFFFC0];
	v34 =	vmin.f32 v34, $1.024000000e+03;
	v30 =	vmax.f32 v30, $-1.024000000e+03;
	v35 =	vadd.f32 $1.258291200e+07, v35  }
0xbb: {  	v34 =	vadd.f32 $1.258291200e+07, v34;
	v30 =	vmin.f32 v30, $1.024000000e+03;
	v29 =	vmax.f32 v29, $-1.024000000e+03;
	[tilespmem:v27+s26+$0x0] =	vst.idx.add.f32.msk $0xffff, v31  }
0xbc: {  	v27 =	vmin.f32 v29, $1.024000000e+03;
	v29 =	vmax.f32 v33, $-1.024000000e+03;
	v31 =	vadd.f32 $-1.258291200e+07, v35;
	[tilespmem:v17+s28+$0x0] =	vst.idx.add.f32.msk $0xffff, v2  }
0xbd: {  	v17 =	vadd.f32 $1.258291200e+07, v30;
	v29 =	vmin.f32 v29, $1.024000000e+03;
	v30 =	vmax.f32 v32, $-1.024000000e+03;
	[tilespmem:v18+s29+$0x0] =	vst.idx.add.f32.msk $0xffff, v2  }
0xbe: {  	v18 =	vmin.f32 v30, $1.024000000e+03;
	v30 =	vmax.f32 v37, $-1.024000000e+03;
	v31 =	vtrunc.f32 v31;
	[tilespmem:v25+s25+$0x0] =	vst.idx.add.f32.msk $0xffff, v28  }
0xbf: {  	s13 =	sadd.s32 $0x70, s2;
	v25 =	vmax.f32 v38, $-1.024000000e+03;
	v30 =	vmin.f32 v30, $1.024000000e+03;
	v31 =	vcvt.f32.s32 v31;
	[tilespmem:v24+s26+$0x0] =	vst.idx.add.f32.msk $0xffff, v28  }
0xc0: {  	v27 =	vadd.f32 $1.258291200e+07, v27;
	v24 =	vmin.f32 v25, $1.024000000e+03;
	v25 =	vor.u32 s13, v1;
	[tilespmem:v16+s28+$0x0] =	vst.idx.add.f32.msk $0xffff, v2  }
0xc1: {  	v28 =	vadd.f32 $1.258291200e+07, v29;
	v16 =	vadd.f32 $1.258291200e+07, v24;
	v24 =	vadd.s32 v31, v25;
	[tilespmem:v15+s29+$0x0] =	vst.idx.add.f32.msk $0xffff, v2  }
0xc2: {  	v15 =	vadd.f32 $1.258291200e+07, v18;
	v18 =	vsub.s32 v25, v31;
	vm0 =	vgt.s32 v24, $0x0;
	[tilespmem:v23+s25+$0x0] =	vst.idx.add.f32.msk $0xffff, v26  }
0xc3: {  	s9 =	sadd.s32 $0x400, s9;
	v23 =	vadd.f32 $1.258291200e+07, v30;
	v24 =	vnsel vm0, $0x0, v24;
	vm0 =	vgt.s32 v18, $0x0;
	[tilespmem:v22+s26+$0x0] =	vst.idx.add.f32.msk $0xffff, v26  }
0xc4: {  	v16 =	vadd.f32 $-1.258291200e+07, v16;
	v29 =	vmin.u32 v24, $0x1FF;
	v18 =	vnsel vm0, $0x0, v18;
	v26 =	vld [tilespmem:s9+$0x30]  }
0xc5: {  	v17 =	vadd.f32 $-1.258291200e+07, v17;
	v22 =	vadd.f32 $-1.258291200e+07, v34;
	v25 =	vld [tilespmem:s9+$0xFFFFFFC0];
	v18 =	vmin.u32 v18, $0x1FF  }
0xc6: {  	v27 =	vadd.f32 $-1.258291200e+07, v27;
	v28 =	vadd.f32 $-1.258291200e+07, v28;
	v16 =	vtrunc.f32 v16;
	v24 =	vld [tilespmem:s9+$0xFFFFFFD0]  }
0xc7: {  	s13 =	sadd.s32 $0x40, s2;
	v15 =	vadd.f32 $-1.258291200e+07, v15;
	v31 =	vadd.f32 $-1.258291200e+07, v23;
	v30 =	vtrunc.f32 v22;
	v22 =	vld [tilespmem:s9+$0xFFFFFFE0]  }
0xc8: {  	v17 =	vtrunc.f32 v17;
	v27 =	vtrunc.f32 v27;
	v32 =	vor.u32 s13, v1;
	s13 =	sadd.s32 $0x50, s2;
	v23 =	vld [tilespmem:s9+$0xFFFFFFF0]  }
0xc9: {  	v33 =	vor.u32 s13, v1;
	s13 =	sadd.s32 $0x60, s2;
	s2 =	smov.u32 s10;
	v28 =	vtrunc.f32 v28;
	v15 =	vtrunc.f32 v15;
	[tilespmem:v29+s25+$0x0] =	vst.idx.add.f32.msk $0xffff, v26  }
0xca: {  	s1 =	sadd.s32 $0x400, s1;
	v34 =	vor.u32 s13, v1;
	v16 =	vcvt.f32.s32 v16;
	v31 =	vtrunc.f32 v31;
	[tilespmem:v18+s26+$0x0] =	vst.idx.add.f32.msk $0xffff, v26  }
0xcb: {  	v17 =	vcvt.f32.s32 v17;
	v37 =	vor.u32 $0x200, v29;
	v30 =	vcvt.f32.s32 v30;
	v35 =	vld [tilespmem:s1+$0x30]  }
0xcc: {  	v27 =	vcvt.f32.s32 v27;
	v38 =	vcvt.f32.s32 v28;
	v39 =	vor.u32 $0x200, v18;
	v26 =	vld [tilespmem:s9+$0x0]  }
0xcd: {  	v15 =	vcvt.f32.s32 v15;
	v31 =	vcvt.f32.s32 v31;
	v40 =	vadd.s32 v16, v20;
	v28 =	vld [tilespmem:s9+$0x10]  }
0xce: {  	v16 =	vsub.s32 v20, v16;
	v41 =	vadd.s32 v30, v21;
	v21 =	vsub.s32 v21, v30;
	v20 =	vld [tilespmem:s9+$0x20]  }
0xcf: {  	v30 =	vadd.s32 v17, v19;
	v17 =	vsub.s32 v19, v17;
	v19 =	vadd.s32 v27, v36  }
0xd0: {  	v27 =	vsub.s32 v36, v27;
	v36 =	vadd.s32 v38, v32;
	vm0 =	vgt.s32 v40, $0x0;
	[tilespmem:v37+s25+$0x0] =	vst.idx.add.f32.msk $0xffff, v35  }
0xd1: {  	s11 =	sadd.s32 $0x400, s11;
	v32 =	vsub.s32 v32, v38;
	vm1 =	vgt.s32 v16, $0x0;
	v37 =	vadd.s32 v15, v33;
	[tilespmem:v39+s26+$0x0] =	vst.idx.add.f32.msk $0xffff, v35  }
0xd2: {  	v38 =	vor.u32 $0x400, v29;
	v15 =	vsub.s32 v33, v15;
	v33 =	vadd.s32 v31, v34;
	v35 =	vld [tilespmem:s11+$0x30]  }
0xd3: {  	vm2 =	vgt.s32 v41, $0x0;
	v31 =	vsub.s32 v34, v31;
	v34 =	vor.u32 $0x400, v18;
	[tilespmem:v8+s28+$0x0] =	vst.idx.add.f32.msk $0xffff, v2  }
0xd4: {  	vm3 =	vgt.s32 v21, $0x0;
	vm4 =	vgt.s32 v30, $0x0;
	vm5 =	vgt.s32 v17, $0x0;
	[tilespmem:v7+s29+$0x0] =	vst.idx.add.f32.msk $0xffff, v2  }
0xd5: {  	vm6 =	vgt.s32 v19, $0x0;
	vm7 =	vgt.s32 v27, $0x0;
	vm8 =	vgt.s32 v36, $0x0;
	[tilespmem:v13+s25+$0x0] =	vst.idx.add.f32.msk $0xffff, v14  }
0xd6: {  	vm9 =	vgt.s32 v32, $0x0;
	vm10 =	vgt.s32 v37, $0x0;
	vm11 =	vgt.s32 v15, $0x0;
	[tilespmem:v12+s26+$0x0] =	vst.idx.add.f32.msk $0xffff, v14  }
0xd7: {  	vm12 =	vgt.s32 v31, $0x0;
	v7 =	vnsel vm0, $0x0, v40;
	vm0 =	vgt.s32 v33, $0x0;
	[tilespmem:v38+s25+$0x0] =	vst.idx.add.f32.msk $0xffff, v35  }
0xd8: {  	v8 =	vnsel vm1, $0x0, v16;
	v13 =	vnsel vm3, $0x0, v21;
	v12 =	vnsel vm2, $0x0, v41;
	[tilespmem:v34+s26+$0x0] =	vst.idx.add.f32.msk $0xffff, v35  }
0xd9: {  	v16 =	vnsel vm5, $0x0, v17;
	v14 =	vnsel vm4, $0x0, v30;
	v34 =	vnsel vm6, $0x0, v19;
	[tilespmem:v29+s28+$0x0] =	vst.idx.add.f32.msk $0xffff, v2  }
0xda: {  	v27 =	vnsel vm7, $0x0, v27;
	v32 =	vnsel vm9, $0x0, v32;
	v35 =	vnsel vm8, $0x0, v36;
	[tilespmem:v18+s29+$0x0] =	vst.idx.add.f32.msk $0xffff, v2  }
0xdb: {  	v33 =	vnsel vm0, $0x0, v33;
	v36 =	vnsel vm10, $0x0, v37;
	v37 =	vnsel vm11, $0x0, v15;
	[tilespmem:v6+s28+$0x0] =	vst.idx.add.f32.msk $0xffff, v2  }
0xdc: {  	v31 =	vnsel vm12, $0x0, v31;
	v30 =	vmin.u32 v7, $0x1FF;
	v29 =	vmin.u32 v8, $0x1FF;
	[tilespmem:v5+s29+$0x0] =	vst.idx.add.f32.msk $0xffff, v2  }
0xdd: {  	v21 =	vmin.u32 v12, $0x1FF;
	v17 =	vmin.u32 v14, $0x1FF;
	v19 =	vmin.u32 v13, $0x1FF;
	[tilespmem:v10+s25+$0x0] =	vst.idx.add.f32.msk $0xffff, v11  }
0xde: {  	v15 =	vmin.u32 v27, $0x1FF;
	v18 =	vmin.u32 v16, $0x1FF;
	v16 =	vmin.u32 v34, $0x1FF;
	[tilespmem:v9+s26+$0x0] =	vst.idx.add.f32.msk $0xffff, v11  }
0xdf: {  	v7 =	vmin.u32 v32, $0x1FF;
	v8 =	vmin.u32 v35, $0x1FF;
	v6 =	vmin.u32 v36, $0x1FF;
	[tilespmem:v4+s28+$0x0] =	vst.idx.add.f32.msk $0xffff, v2  }
0xe0: {  	v5 =	vmin.u32 v37, $0x1FF;
	v4 =	vmin.u32 v33, $0x1FF;
	[tilespmem:v3+s29+$0x0] =	vst.idx.add.f32.msk $0xffff, v2;
	v3 =	vmin.u32 v31, $0x1FF  }
0xe1: {  	v14 =	vor.u32 $0x200, v29;
	v11 =	vor.u32 $0x200, v30;
	v31 =	vor.u32 $0x200, v21;
	[tilespmem:v30+s25+$0x0] =	vst.idx.add.f32.msk $0xffff, v25  }
0xe2: {  	v32 =	vor.u32 $0x200, v19;
	v34 =	vor.u32 $0x200, v18;
	v33 =	vor.u32 $0x200, v17;
	[tilespmem:v29+s26+$0x0] =	vst.idx.add.f32.msk $0xffff, v25  }
0xe3: {  	v35 =	vor.u32 $0x200, v16;
	v36 =	vor.u32 $0x200, v15;
	v37 =	vor.u32 $0x200, v8;
	[tilespmem:v21+s25+$0x0] =	vst.idx.add.f32.msk $0xffff, v24  }
0xe4: {  	v38 =	vor.u32 $0x200, v7;
	v39 =	vor.u32 $0x200, v6;
	v40 =	vor.u32 $0x200, v5;
	[tilespmem:v19+s26+$0x0] =	vst.idx.add.f32.msk $0xffff, v24  }
0xe5: {  	v41 =	vor.u32 $0x400, v30;
	v42 =	vor.u32 $0x200, v4;
	v43 =	vor.u32 $0x200, v3;
	[tilespmem:v17+s25+$0x0] =	vst.idx.add.f32.msk $0xffff, v22  }
0xe6: {  	v45 =	vor.u32 $0x400, v21;
	v46 =	vor.u32 $0x400, v19;
	v44 =	vor.u32 $0x400, v29;
	[tilespmem:v18+s26+$0x0] =	vst.idx.add.f32.msk $0xffff, v22  }
0xe7: {  	v47 =	vor.u32 $0x400, v17;
	v27 =	vor.u32 $0x400, v18;
	v25 =	vor.u32 $0x400, v16;
	[tilespmem:v16+s25+$0x0] =	vst.idx.add.f32.msk $0xffff, v23  }
0xe8: {  	v24 =	vor.u32 $0x400, v15;
	v22 =	vor.u32 $0x400, v7;
	[tilespmem:v15+s26+$0x0] =	vst.idx.add.f32.msk $0xffff, v23;
	v23 =	vor.u32 $0x400, v8  }
0xe9: {  	v13 =	vor.u32 $0x400, v6;
	v12 =	vor.u32 $0x400, v5;
	v10 =	vor.u32 $0x400, v4;
	[tilespmem:v8+s25+$0x0] =	vst.idx.add.f32.msk $0xffff, v26  }
0xea: {  	v9 =	vor.u32 $0x400, v3;
	[tilespmem:v7+s26+$0x0] =	vst.idx.add.f32.msk $0xffff, v26  }
0xeb: {  	[tilespmem:v6+s25+$0x0] =	vst.idx.add.f32.msk $0xffff, v28  }
0xec: {  	[tilespmem:v5+s26+$0x0] =	vst.idx.add.f32.msk $0xffff, v28  }
0xed: {  	[tilespmem:v4+s25+$0x0] =	vst.idx.add.f32.msk $0xffff, v20  }
0xee: {  	[tilespmem:v3+s26+$0x0] =	vst.idx.add.f32.msk $0xffff, v20  }
0xef: {  	v20 =	vld [tilespmem:s1+$0xFFFFFFC0]  }
0xf0: {  	v26 =	vld [tilespmem:s1+$0xFFFFFFD0]  }
0xf1: {  	v28 =	vld [tilespmem:s1+$0xFFFFFFE0]  }
0xf2: {  	v48 =	vld [tilespmem:s1+$0xFFFFFFF0]  }
0xf3: {  	v49 =	vld [tilespmem:s1+$0x0]  }
0xf4: {  	v50 =	vld [tilespmem:s1+$0x10]  }
0xf5: {  	v51 =	vld [tilespmem:s1+$0x20]  }
0xf6: {  	[tilespmem:v11+s25+$0x0] =	vst.idx.add.f32.msk $0xffff, v20  }
0xf7: {  	[tilespmem:v14+s26+$0x0] =	vst.idx.add.f32.msk $0xffff, v20  }
0xf8: {  	[tilespmem:v31+s25+$0x0] =	vst.idx.add.f32.msk $0xffff, v26  }
0xf9: {  	[tilespmem:v32+s26+$0x0] =	vst.idx.add.f32.msk $0xffff, v26  }
0xfa: {  	[tilespmem:v33+s25+$0x0] =	vst.idx.add.f32.msk $0xffff, v28  }
0xfb: {  	[tilespmem:v34+s26+$0x0] =	vst.idx.add.f32.msk $0xffff, v28  }
0xfc: {  	[tilespmem:v35+s25+$0x0] =	vst.idx.add.f32.msk $0xffff, v48  }
0xfd: {  	[tilespmem:v36+s26+$0x0] =	vst.idx.add.f32.msk $0xffff, v48  }
0xfe: {  	[tilespmem:v37+s25+$0x0] =	vst.idx.add.f32.msk $0xffff, v49  }
0xff: {  	[tilespmem:v38+s26+$0x0] =	vst.idx.add.f32.msk $0xffff, v49  }
0x100: {  	[tilespmem:v39+s25+$0x0] =	vst.idx.add.f32.msk $0xffff, v50  }
0x101: {  	[tilespmem:v40+s26+$0x0] =	vst.idx.add.f32.msk $0xffff, v50  }
0x102: {  	[tilespmem:v42+s25+$0x0] =	vst.idx.add.f32.msk $0xffff, v51  }
0x103: {  	[tilespmem:v43+s26+$0x0] =	vst.idx.add.f32.msk $0xffff, v51  }
0x104: {  	v20 =	vld [tilespmem:s11+$0xFFFFFFC0]  }
0x105: {  	v32 =	vld [tilespmem:s11+$0xFFFFFFD0]  }
0x106: {  	v31 =	vld [tilespmem:s11+$0xFFFFFFE0]  }
0x107: {  	v28 =	vld [tilespmem:s11+$0xFFFFFFF0]  }
0x108: {  	v26 =	vld [tilespmem:s11+$0x0]  }
0x109: {  	v14 =	vld [tilespmem:s11+$0x10]  }
0x10a: {  	v11 =	vld [tilespmem:s11+$0x20]  }
0x10b: {  	[tilespmem:v41+s25+$0x0] =	vst.idx.add.f32.msk $0xffff, v20  }
0x10c: {  	[tilespmem:v44+s26+$0x0] =	vst.idx.add.f32.msk $0xffff, v20  }
0x10d: {  	[tilespmem:v30+s28+$0x0] =	vst.idx.add.f32.msk $0xffff, v2  }
0x10e: {  	[tilespmem:v29+s29+$0x0] =	vst.idx.add.f32.msk $0xffff, v2  }
0x10f: {  	[tilespmem:v45+s25+$0x0] =	vst.idx.add.f32.msk $0xffff, v32  }
0x110: {  	[tilespmem:v46+s26+$0x0] =	vst.idx.add.f32.msk $0xffff, v32  }
0x111: {  	[tilespmem:v21+s28+$0x0] =	vst.idx.add.f32.msk $0xffff, v2  }
0x112: {  	[tilespmem:v19+s29+$0x0] =	vst.idx.add.f32.msk $0xffff, v2  }
0x113: {  	s7 =	sadd.s32 $0x400, s7;
	[tilespmem:v47+s25+$0x0] =	vst.idx.add.f32.msk $0xffff, v31  }
0x114: {  	v35 =	vld [tilespmem:s7+$0x30]  }
.Ltmp1:
0x115: {  	v34 =	vld [tilespmem:s7+$0xFFFFFFD0];
	(pc) =	sbr.rel @p1 .LBB2_6-.Ltmp1, $4  }
0x116: {  	v30 =	vld [tilespmem:s7+$0xFFFFFFE0]  }
0x117: {  	v29 =	vld [tilespmem:s7+$0xFFFFFFF0]  }
0x118: {  	s14 =	sadd.s32 $0x20, s10;
	s13 =	sadd.s32 $0x10, s10;
	v20 =	vor.u32 s10, v1;
	v33 =	vld [tilespmem:s7+$0x0]  }
0x119: {  	s10 =	sadd.s32 $0x80, s10;
	v21 =	vor.u32 s13, v1;
	s13 =	sadd.s32 $0x30, s2;
	v19 =	vor.u32 s14, v1;
	v32 =	vld [tilespmem:s7+$0x10];
	v35 =	vmax.f32 v35, $-1.024000000e+03  }
0x11a: {  	_ =	sdelay $0x1  }
0x11b: {  	v36 =	vld [tilespmem:s7+$0x20]  }
0x11c: {  	v37 =	vld [tilespmem:s7+$0xFFFFFFC0]  }
0x11d: {  	[tilespmem:v27+s26+$0x0] =	vst.idx.add.f32.msk $0xffff, v31  }
0x11e: {  	[tilespmem:v25+s25+$0x0] =	vst.idx.add.f32.msk $0xffff, v28  }
0x11f: {  	[tilespmem:v23+s25+$0x0] =	vst.idx.add.f32.msk $0xffff, v26  }
0x120: {  	[tilespmem:v13+s25+$0x0] =	vst.idx.add.f32.msk $0xffff, v14  }
0x121: {  	v35 =	vmin.f32 v35, $1.024000000e+03;
	s10 =	sadd.s32 $0x70, s2;
	v42 =	vmax.f32 v34, $-1.024000000e+03;
	[tilespmem:v17+s28+$0x0] =	vst.idx.add.f32.msk $0xffff, v2  }
0x122: {  	v43 =	vor.u32 s13, v1;
	s14 =	sadd.s32 $0x40, s2;
	v35 =	vadd.f32 $1.258291200e+07, v35;
	v38 =	vor.u32 s10, v1;
	[tilespmem:v22+s26+$0x0] =	vst.idx.add.f32.msk $0xffff, v26  }
0x123: {  	s20 =	sadd.s32 $0x60, s2;
	v44 =	vmax.f32 v30, $-1.024000000e+03;
	v58 =	vor.u32 s14, v1;
	[tilespmem:v18+s29+$0x0] =	vst.idx.add.f32.msk $0xffff, v2;
	v18 =	vmin.f32 v42, $1.024000000e+03  }
0x124: {  	v23 =	vmin.f32 v44, $1.024000000e+03;
	v45 =	vmax.f32 v29, $-1.024000000e+03;
	[tilespmem:v8+s28+$0x0] =	vst.idx.add.f32.msk $0xffff, v2;
	v8 =	vor.u32 s20, v1  }
0x125: {  	[tilespmem:v10+s25+$0x0] =	vst.idx.add.f32.msk $0xffff, v11;
	v31 =	vadd.f32 $-1.258291200e+07, v35;
	v18 =	vadd.f32 $1.258291200e+07, v18;
	v25 =	vmin.f32 v45, $1.024000000e+03  }
0x126: {  	s9 =	sadd.s32 $0x400, s9;
	[tilespmem:v24+s26+$0x0] =	vst.idx.add.f32.msk $0xffff, v28;
	v46 =	vmax.f32 v33, $-1.024000000e+03;
	v23 =	vadd.f32 $1.258291200e+07, v23;
	v49 =	vmax.f32 v32, $-1.024000000e+03  }
0x127: {  	v41 =	vld [tilespmem:s9+$0x30];
	v27 =	vmin.f32 v46, $1.024000000e+03;
	v25 =	vadd.f32 $1.258291200e+07, v25;
	v35 =	vtrunc.f32 v31  }
0x128: {  	v24 =	vld [tilespmem:s9+$0xFFFFFFC0];
	v47 =	vmax.f32 v37, $-1.024000000e+03;
	v30 =	vmin.f32 v49, $1.024000000e+03;
	v27 =	vadd.f32 $1.258291200e+07, v27  }
0x129: {  	v26 =	vld [tilespmem:s9+$0xFFFFFFD0];
	v18 =	vadd.f32 $-1.258291200e+07, v18;
	v23 =	vadd.f32 $-1.258291200e+07, v23;
	v17 =	vcvt.f32.s32 v35  }
0x12a: {  	v48 =	vld [tilespmem:s9+$0xFFFFFFE0];
	v28 =	vmin.f32 v47, $1.024000000e+03;
	v30 =	vadd.f32 $1.258291200e+07, v30;
	v25 =	vadd.f32 $-1.258291200e+07, v25  }
0x12b: {  	v53 =	vld [tilespmem:s9+$0xFFFFFFF0];
	v50 =	vmax.f32 v36, $-1.024000000e+03;
	v28 =	vadd.f32 $1.258291200e+07, v28;
	v27 =	vadd.f32 $-1.258291200e+07, v27  }
0x12c: {  	v55 =	vld [tilespmem:s9+$0x0];
	v18 =	vtrunc.f32 v18;
	v23 =	vtrunc.f32 v23;
	v39 =	vadd.s32 v17, v38  }
0x12d: {  	v56 =	vld [tilespmem:s9+$0x10];
	v40 =	vsub.s32 v38, v17;
	v17 =	vmin.f32 v50, $1.024000000e+03;
	v30 =	vadd.f32 $-1.258291200e+07, v30  }
0x12e: {  	v57 =	vld [tilespmem:s9+$0x20];
	v18 =	vcvt.f32.s32 v18;
	v23 =	vcvt.f32.s32 v23;
	vm0 =	vgt.s32 v39, $0x0  }
0x12f: {  	[tilespmem:v16+s28+$0x0] =	vst.idx.add.f32.msk $0xffff, v2;
	vm15 =	vgt.s32 v40, $0x0;
	v28 =	vadd.f32 $-1.258291200e+07, v28;
	v17 =	vadd.f32 $1.258291200e+07, v17  }
0x130: {  	[tilespmem:v15+s29+$0x0] =	vst.idx.add.f32.msk $0xffff, v2;
	v27 =	vtrunc.f32 v27;
	v16 =	vnsel vm0, $0x0, v39;
	v15 =	vnsel vm15, $0x0, v40  }
0x131: {  	[tilespmem:v12+s26+$0x0] =	vst.idx.add.f32.msk $0xffff, v14;
	v30 =	vtrunc.f32 v30;
	v62 =	vcvt.f32.s32 v27;
	v63 =	vadd.s32 v18, v21  }
0x132: {  	[tilespmem:v9+s26+$0x0] =	vst.idx.add.f32.msk $0xffff, v11;
	v18 =	vsub.s32 v21, v18;
	v16 =	vmin.u32 v16, $0x1FF;
	v15 =	vmin.u32 v15, $0x1FF  }
0x133: {  	[tilespmem:v6+s28+$0x0] =	vst.idx.add.f32.msk $0xffff, v2;
	v28 =	vtrunc.f32 v28;
	v17 =	vadd.f32 $-1.258291200e+07, v17;
	vm2 =	vgt.s32 v63, $0x0  }
0x134: {  	[tilespmem:v4+s28+$0x0] =	vst.idx.add.f32.msk $0xffff, v2;
	vm5 =	vgt.s32 v18, $0x0;
	v28 =	vcvt.f32.s32 v28;
	v42 =	vadd.s32 v62, v58  }
0x135: {  	[tilespmem:v5+s29+$0x0] =	vst.idx.add.f32.msk $0xffff, v2;
	v13 =	vsub.s32 v58, v62;
	v5 =	vnsel vm2, $0x0, v63;
	v10 =	vnsel vm5, $0x0, v18  }
0x136: {  	[tilespmem:v7+s29+$0x0] =	vst.idx.add.f32.msk $0xffff, v2;
	v5 =	vmin.u32 v5, $0x1FF;
	v10 =	vmin.u32 v10, $0x1FF;
	vm10 =	vgt.s32 v42, $0x0  }
0x137: {  	[tilespmem:v3+s29+$0x0] =	vst.idx.add.f32.msk $0xffff, v2;
	vm11 =	vgt.s32 v13, $0x0;
	v60 =	vadd.s32 v28, v20;
	v11 =	vnsel vm10, $0x0, v42  }
0x138: {  	v61 =	vsub.s32 v20, v28;
	v28 =	vcvt.f32.s32 v30;
	v11 =	vmin.u32 v11, $0x1FF;
	[tilespmem:v16+s25+$0x0] =	vst.idx.add.f32.msk $0xffff, v41  }
0x139: {  	s13 =	sadd.s32 $0x400, s1;
	v30 =	vadd.s32 v23, v19;
	v13 =	vnsel vm11, $0x0, v13;
	vm4 =	vgt.s32 v60, $0x0;
	[tilespmem:v15+s26+$0x0] =	vst.idx.add.f32.msk $0xffff, v41  }
0x13a: {  	vm6 =	vgt.s32 v30, $0x0;
	v13 =	vmin.u32 v13, $0x1FF;
	v45 =	vnsel vm4, $0x0, v60;
	v51 =	vld [tilespmem:s13+$0x30]  }
0x13b: {  	v17 =	vtrunc.f32 v17;
	v9 =	vnsel vm6, $0x0, v30;
	v46 =	vmin.u32 v45, $0x1FF;
	[tilespmem:v5+s25+$0x0] =	vst.idx.add.f32.msk $0xffff, v26  }
0x13c: {  	v40 =	vsub.s32 v19, v23;
	v17 =	vcvt.f32.s32 v17;
	v9 =	vmin.u32 v9, $0x1FF;
	[tilespmem:v10+s26+$0x0] =	vst.idx.add.f32.msk $0xffff, v26  }
0x13d: {  	vm7 =	vgt.s32 v40, $0x0;
	v52 =	vor.u32 $0x200, v16;
	vm1 =	vgt.s32 v61, $0x0;
	[tilespmem:v11+s25+$0x0] =	vst.idx.add.f32.msk $0xffff, v55  }
0x13e: {  	v44 =	vadd.s32 v17, v8;
	v6 =	vsub.s32 v8, v17;
	v8 =	vnsel vm1, $0x0, v61;
	v49 =	vld [tilespmem:s13+$0xFFFFFFD0]  }
0x13f: {  	v25 =	vtrunc.f32 v25;
	v4 =	vnsel vm7, $0x0, v40;
	v8 =	vmin.u32 v8, $0x1FF;
	[tilespmem:v13+s26+$0x0] =	vst.idx.add.f32.msk $0xffff, v55  }
0x140: {  	v7 =	vcvt.f32.s32 v25;
	v4 =	vmin.u32 v4, $0x1FF;
	[tilespmem:v46+s25+$0x0] =	vst.idx.add.f32.msk $0xffff, v24  }
0x141: {  	s15 =	sadd.s32 $0x50, s2;
	v54 =	vor.u32 $0x200, v15;
	[tilespmem:v9+s25+$0x0] =	vst.idx.add.f32.msk $0xffff, v48  }
0x142: {  	v59 =	vor.u32 s15, v1;
	v41 =	vadd.s32 v7, v43;
	v55 =	vld [tilespmem:s13+$0x0]  }
0x143: {  	v7 =	vsub.s32 v43, v7;
	v43 =	vadd.s32 v28, v59;
	vm8 =	vgt.s32 v41, $0x0;
	[tilespmem:v52+s25+$0x0] =	vst.idx.add.f32.msk $0xffff, v51  }
0x144: {  	v12 =	vsub.s32 v59, v28;
	vm12 =	vgt.s32 v43, $0x0;
	v3 =	vnsel vm8, $0x0, v41;
	[tilespmem:v8+s26+$0x0] =	vst.idx.add.f32.msk $0xffff, v24  }
0x145: {  	vm9 =	vgt.s32 v7, $0x0;
	v47 =	vnsel vm12, $0x0, v43;
	v3 =	vmin.u32 v3, $0x1FF;
	[tilespmem:v4+s26+$0x0] =	vst.idx.add.f32.msk $0xffff, v48  }
0x146: {  	vm13 =	vgt.s32 v12, $0x0;
	v7 =	vnsel vm9, $0x0, v7;
	v14 =	vmin.u32 v47, $0x1FF;
	[tilespmem:v54+s26+$0x0] =	vst.idx.add.f32.msk $0xffff, v51  }
0x147: {  	v12 =	vnsel vm13, $0x0, v12;
	v7 =	vmin.u32 v7, $0x1FF;
	v48 =	vld [tilespmem:s13+$0xFFFFFFC0]  }
0x148: {  	s16 =	sadd.s32 $0x400, s11;
	v12 =	vmin.u32 v12, $0x1FF;
	v51 =	vld [tilespmem:s13+$0xFFFFFFE0]  }
0x149: {  	v34 =	vld [tilespmem:s16+$0x30]  }
0x14a: {  	v63 =	vor.u32 $0x200, v11;
	[tilespmem:v3+s25+$0x0] =	vst.idx.add.f32.msk $0xffff, v53  }
0x14b: {  	v30 =	vor.u32 $0x200, v13;
	[tilespmem:v14+s25+$0x0] =	vst.idx.add.f32.msk $0xffff, v56  }
0x14c: {  	v50 =	vor.u32 $0x200, v46;
	[tilespmem:v7+s26+$0x0] =	vst.idx.add.f32.msk $0xffff, v53  }
0x14d: {  	v54 =	vor.u32 $0x200, v5;
	[tilespmem:v12+s26+$0x0] =	vst.idx.add.f32.msk $0xffff, v56  }
0x14e: {  	v58 =	vor.u32 $0x200, v9;
	v53 =	vld [tilespmem:s13+$0xFFFFFFF0]  }
0x14f: {  	[tilespmem:v63+s25+$0x0] =	vst.idx.add.f32.msk $0xffff, v55  }
0x150: {  	v38 =	vor.u32 $0x400, v16;
	[tilespmem:v30+s26+$0x0] =	vst.idx.add.f32.msk $0xffff, v55  }
0x151: {  	v52 =	vor.u32 $0x200, v8;
	[tilespmem:v50+s25+$0x0] =	vst.idx.add.f32.msk $0xffff, v48  }
0x152: {  	v60 =	vor.u32 $0x200, v4;
	[tilespmem:v54+s25+$0x0] =	vst.idx.add.f32.msk $0xffff, v49  }
0x153: {  	v39 =	vor.u32 $0x400, v15;
	[tilespmem:v58+s25+$0x0] =	vst.idx.add.f32.msk $0xffff, v51  }
0x154: {  	v56 =	vor.u32 $0x200, v10;
	v40 =	vld [tilespmem:s16+$0x0]  }
0x155: {  	[tilespmem:v38+s25+$0x0] =	vst.idx.add.f32.msk $0xffff, v34  }
0x156: {  	[tilespmem:v52+s26+$0x0] =	vst.idx.add.f32.msk $0xffff, v48  }
0x157: {  	[tilespmem:v60+s26+$0x0] =	vst.idx.add.f32.msk $0xffff, v51  }
0x158: {  	v61 =	vor.u32 $0x200, v3;
	[tilespmem:v39+s26+$0x0] =	vst.idx.add.f32.msk $0xffff, v34  }
0x159: {  	[tilespmem:v56+s26+$0x0] =	vst.idx.add.f32.msk $0xffff, v49  }
0x15a: {  	v35 =	vld [tilespmem:s16+$0xFFFFFFC0]  }
0x15b: {  	v62 =	vor.u32 $0x200, v7;
	v38 =	vld [tilespmem:s16+$0xFFFFFFE0]  }
0x15c: {  	[tilespmem:v16+s28+$0x0] =	vst.idx.add.f32.msk $0xffff, v2  }
0x15d: {  	v37 =	vor.u32 $0x400, v46;
	[tilespmem:v61+s25+$0x0] =	vst.idx.add.f32.msk $0xffff, v53  }
0x15e: {  	v45 =	vor.u32 $0x400, v9;
	v36 =	vld [tilespmem:s16+$0xFFFFFFD0]  }
0x15f: {  	v39 =	vor.u32 $0x400, v8;
	[tilespmem:v15+s29+$0x0] =	vst.idx.add.f32.msk $0xffff, v2  }
0x160: {  	v42 =	vor.u32 $0x400, v5;
	[tilespmem:v62+s26+$0x0] =	vst.idx.add.f32.msk $0xffff, v53  }
0x161: {  	vm14 =	vgt.s32 v44, $0x0;
	v22 =	vld [tilespmem:s16+$0xFFFFFFF0]  }
0x162: {  	v15 =	vnsel vm14, $0x0, v44;
	v44 =	vor.u32 $0x400, v10;
	[tilespmem:v37+s25+$0x0] =	vst.idx.add.f32.msk $0xffff, v35  }
0x163: {  	v15 =	vmin.u32 v15, $0x1FF;
	[tilespmem:v45+s25+$0x0] =	vst.idx.add.f32.msk $0xffff, v38  }
0x164: {  	vm15 =	vgt.s32 v6, $0x0;
	[tilespmem:v39+s26+$0x0] =	vst.idx.add.f32.msk $0xffff, v35  }
0x165: {  	v6 =	vnsel vm15, $0x0, v6;
	[tilespmem:v42+s25+$0x0] =	vst.idx.add.f32.msk $0xffff, v36  }
0x166: {  	v6 =	vmin.u32 v6, $0x1FF;
	[tilespmem:v46+s28+$0x0] =	vst.idx.add.f32.msk $0xffff, v2  }
0x167: {  	[tilespmem:v44+s26+$0x0] =	vst.idx.add.f32.msk $0xffff, v36  }
0x168: {  	[tilespmem:v15+s25+$0x0] =	vst.idx.add.f32.msk $0xffff, v57  }
0x169: {  	[tilespmem:v8+s29+$0x0] =	vst.idx.add.f32.msk $0xffff, v2  }
0x16a: {  	v8 =	vor.u32 $0x400, v4;
	[tilespmem:v5+s28+$0x0] =	vst.idx.add.f32.msk $0xffff, v2  }
0x16b: {  	v5 =	vor.u32 $0x400, v3;
	[tilespmem:v6+s26+$0x0] =	vst.idx.add.f32.msk $0xffff, v57  }
0x16c: {  	v31 =	vor.u32 $0x200, v14;
	v57 =	vld [tilespmem:s13+$0x10]  }
0x16d: {  	[tilespmem:v10+s29+$0x0] =	vst.idx.add.f32.msk $0xffff, v2  }
0x16e: {  	v10 =	vor.u32 $0x400, v7;
	v59 =	vld [tilespmem:s13+$0x20]  }
0x16f: {  	v32 =	vor.u32 $0x200, v12;
	[tilespmem:v8+s26+$0x0] =	vst.idx.add.f32.msk $0xffff, v38  }
0x170: {  	v33 =	vor.u32 $0x200, v15;
	[tilespmem:v5+s25+$0x0] =	vst.idx.add.f32.msk $0xffff, v22  }
0x171: {  	[tilespmem:v31+s25+$0x0] =	vst.idx.add.f32.msk $0xffff, v57  }
0x172: {  	[tilespmem:v9+s28+$0x0] =	vst.idx.add.f32.msk $0xffff, v2  }
0x173: {  	v34 =	vor.u32 $0x200, v6;
	[tilespmem:v10+s26+$0x0] =	vst.idx.add.f32.msk $0xffff, v22  }
0x174: {  	[tilespmem:v32+s26+$0x0] =	vst.idx.add.f32.msk $0xffff, v57  }
0x175: {  	[tilespmem:v33+s25+$0x0] =	vst.idx.add.f32.msk $0xffff, v59  }
0x176: {  	[tilespmem:v4+s29+$0x0] =	vst.idx.add.f32.msk $0xffff, v2  }
0x177: {  	v8 =	vor.u32 $0x400, v11;
	[tilespmem:v3+s28+$0x0] =	vst.idx.add.f32.msk $0xffff, v2  }
0x178: {  	v4 =	vor.u32 $0x400, v13;
	[tilespmem:v34+s26+$0x0] =	vst.idx.add.f32.msk $0xffff, v59  }
0x179: {  	v41 =	vld [tilespmem:s16+$0x10]  }
0x17a: {  	v3 =	vor.u32 $0x400, v14;
	[tilespmem:v7+s29+$0x0] =	vst.idx.add.f32.msk $0xffff, v2  }
0x17b: {  	v43 =	vld [tilespmem:s16+$0x20]  }
0x17c: {  	v5 =	vor.u32 $0x400, v12;
	[tilespmem:v8+s25+$0x0] =	vst.idx.add.f32.msk $0xffff, v40  }
0x17d: {  	[tilespmem:v4+s26+$0x0] =	vst.idx.add.f32.msk $0xffff, v40  }
0x17e: {  	[tilespmem:v11+s28+$0x0] =	vst.idx.add.f32.msk $0xffff, v2  }
0x17f: {  	v4 =	vor.u32 $0x400, v15;
	[tilespmem:v3+s25+$0x0] =	vst.idx.add.f32.msk $0xffff, v41  }
0x180: {  	v7 =	vor.u32 $0x400, v6;
	[tilespmem:v13+s29+$0x0] =	vst.idx.add.f32.msk $0xffff, v2  }
0x181: {  	[tilespmem:v5+s26+$0x0] =	vst.idx.add.f32.msk $0xffff, v41  }
0x182: {  	[tilespmem:v14+s28+$0x0] =	vst.idx.add.f32.msk $0xffff, v2  }
0x183: {  	[tilespmem:v12+s29+$0x0] =	vst.idx.add.f32.msk $0xffff, v2  }
0x184: {  	[tilespmem:v4+s25+$0x0] =	vst.idx.add.f32.msk $0xffff, v43  }
0x185: {  	[tilespmem:v7+s26+$0x0] =	vst.idx.add.f32.msk $0xffff, v43  }
0x186: {  	[tilespmem:v15+s28+$0x0] =	vst.idx.add.f32.msk $0xffff, v2  }
0x187: {  	s13 =	simm.s32 $0x14C40;
	[tilespmem:v6+s29+$0x0] =	vst.idx.add.f32.msk $0xffff, v2  }
0x188: {  	v3 =	vld [tilespmem:s13+$0x30]  }
0x189: {  	v4 =	vld [tilespmem:s13+$0xFFFFFFD0]  }
0x18a: {  	v5 =	vld [tilespmem:s13+$0xFFFFFFE0]  }
0x18b: {  	v6 =	vld [tilespmem:s13+$0xFFFFFFF0]  }
0x18c: {  	v7 =	vld [tilespmem:s13+$0x0]  }
0x18d: {  	v8 =	vld [tilespmem:s13+$0x10];
	v3 =	vmax.f32 v3, $1.000000000e+00  }
0x18e: {  	v9 =	vld [tilespmem:s13+$0x20];
	v4 =	vmax.f32 v4, $1.000000000e+00;
	(erf) = vrcp.f32 v3  }
0x18f: {  	s16 =	simm.s32 $0x14E40;
	v5 =	vmax.f32 v5, $1.000000000e+00;
	v3 =	vld [tilespmem:s13+$0xFFFFFFC0];
	(erf) = vrcp.f32 v4  }
0x190: {  	v4 =	vmax.f32 v6, $1.000000000e+00;
	v6 =	vld [tilespmem:s16+$0x30];
	(erf) = vrcp.f32 v5  }
0x191: {  	v5 =	vmax.f32 v7, $1.000000000e+00;
	(erf) = vrcp.f32 v4  }
0x192: {  	v4 =	vmax.f32 v8, $1.000000000e+00;
	(erf) = vrcp.f32 v5  }
0x193: {  	s11 =	simm.s32 $0x14240;
	v5 =	vmax.f32 v9, $1.000000000e+00;
	(erf) = vrcp.f32 v4  }
0x194: {  	v7 =	vld [tilespmem:s11+$0xFFFFFE30];
	v3 =	vmax.f32 v3, $1.000000000e+00;
	(erf) = vrcp.f32 v5  }
0x195: {  	v4 =	vmax.f32 v6, $1.000000000e+00;
	(erf) = vrcp.f32 v3;
	_ =	sdelay $0x1  }
0x196: {  	v9 =	vld [tilespmem:s16+$0xFFFFFFC0];
	(erf) = vrcp.f32 v4;
	v46 =	vpop (erf)  }
0x197: {  	v10 =	vld [tilespmem:s16+$0xFFFFFFD0];
	v4 =	vpop (erf)  }
0x198: {  	v17 =	vld [tilespmem:s11+$0xFFFFFDD0];
	v5 =	vmul.f32 v46, v7;
	v3 =	vpop (erf)  }
0x199: {  	s20 =	sshra.s32 s8, $0x2;
	v11 =	vld [tilespmem:s11+$0xFFFFFDC0];
	v6 =	vpop (erf)  }
0x19a: {  	s2 =	simm.s32 $0x14840;
	v48 =	vld [tilespmem:s11+$0xFFFFFDE0];
	[tilespmem:s20+$0x8070] =	vst v5;
	v7 =	vpop (erf)  }
0x19b: {  	v47 =	vmax.f32 v9, $1.000000000e+00;
	v12 =	vld [tilespmem:s2+$0xFFFFFE30];
	v8 =	vpop (erf)  }
0x19c: {  	v13 =	vld [tilespmem:s16+$0xFFFFFFE0];
	v10 =	vmax.f32 v10, $1.000000000e+00;
	(erf) = vrcp.f32 v47;
	v5 =	vpop (erf)  }
0x19d: {  	v15 =	vld [tilespmem:s16+$0xFFFFFFF0];
	(erf) = vrcp.f32 v10;
	v10 =	vmul.f32 v4, v17;
	v9 =	vpop (erf)  }
0x19e: {  	v19 =	vld [tilespmem:s11+$0xFFFFFDF0];
	v11 =	vmul.f32 v9, v11  }
0x19f: {  	v20 =	vld [tilespmem:s11+$0xFFFFFE00];
	v16 =	vmul.f32 v3, v48;
	[tilespmem:s20+$0x8010] =	vst v10;
	v49 =	vpop (erf)  }
0x1a0: {  	v12 =	vmul.f32 v12, v49;
	[tilespmem:s20+$0x8000] =	vst v11;
	v11 =	vld [tilespmem:s11+$0xFFFFFE10]  }
0x1a1: {  	v50 =	vld [tilespmem:s11+$0xFFFFFE20];
	[tilespmem:s20+$0x8020] =	vst v16  }
0x1a2: {  	v13 =	vmax.f32 v13, $1.000000000e+00;
	[tilespmem:s20+$0xE070] =	vst v12;
	v51 =	vld [tilespmem:s2+$0xFFFFFDC0]  }
0x1a3: {  	v22 =	vld [tilespmem:s16+$0x0];
	(erf) = vrcp.f32 v13;
	v19 =	vmul.f32 v6, v19;
	[tilespmem:s11+$0xFFFFFE30] =	vst v0  }
0x1a4: {  	v53 =	vld [tilespmem:s16+$0x10];
	v52 =	vmul.f32 v7, v20;
	[tilespmem:s2+$0xFFFFFE30] =	vst v0  }
0x1a5: {  	[tilespmem:s20+$0x8030] =	vst v19;
	v21 =	vld [tilespmem:s11+$0x30];
	v11 =	vmul.f32 v8, v11  }
0x1a6: {  	v54 =	vld [tilespmem:s2+$0xFFFFFDD0];
	[tilespmem:s20+$0x8040] =	vst v52;
	v10 =	vpop (erf);
	v12 =	vmul.f32 v5, v50  }
0x1a7: {  	v55 =	vld [tilespmem:s16+$0x20];
	v17 =	vmul.f32 v51, v10;
	[tilespmem:s20+$0x8050] =	vst v11;
	v11 =	vmax.f32 v15, $1.000000000e+00  }
0x1a8: {  	v57 =	vld [tilespmem:s2+$0xFFFFFDE0];
	[tilespmem:s20+$0x8060] =	vst v12  }
0x1a9: {  	[tilespmem:s20+$0xE000] =	vst v17  }
0x1aa: {  	(erf) = vrcp.f32 v11;
	v56 =	vmul.f32 v21, v46;
	[tilespmem:s11+$0xFFFFFDC0] =	vst v0;
	v11 =	vpop (erf)  }
0x1ab: {  	[tilespmem:s2+$0xFFFFFDC0] =	vst v0;
	v58 =	vmul.f32 v54, v11  }
0x1ac: {  	[tilespmem:s20+$0x9070] =	vst v56;
	v12 =	vpop (erf);
	v33 =	vld [tilespmem:s11+$0xFFFFFFC0]  }
0x1ad: {  	v60 =	vmax.f32 v22, $1.000000000e+00;
	v59 =	vld [tilespmem:s2+$0x30];
	v15 =	vmul.f32 v57, v12;
	[tilespmem:s20+$0xE010] =	vst v58  }
0x1ae: {  	(erf) = vrcp.f32 v60;
	[tilespmem:s11+$0xFFFFFDD0] =	vst v0  }
0x1af: {  	v16 =	vmax.f32 v53, $1.000000000e+00;
	v61 =	vld [tilespmem:s2+$0xFFFFFDF0];
	[tilespmem:s20+$0xE020] =	vst v15  }
0x1b0: {  	(erf) = vrcp.f32 v16;
	[tilespmem:s2+$0xFFFFFDD0] =	vst v0  }
0x1b1: {  	[tilespmem:s11+$0xFFFFFDE0] =	vst v0;
	v20 =	vmul.f32 v33, v9  }
0x1b2: {  	[tilespmem:s2+$0xFFFFFDE0] =	vst v0;
	v62 =	vmul.f32 v59, v49  }
0x1b3: {  	v63 =	vld [tilespmem:s2+$0xFFFFFE00];
	v24 =	vpop (erf);
	[tilespmem:s20+$0x9000] =	vst v20  }
0x1b4: {  	v25 =	vmul.f32 v61, v24;
	[tilespmem:s20+$0xF070] =	vst v62  }
0x1b5: {  	v28 =	vld [tilespmem:s2+$0xFFFFFE10];
	[tilespmem:s11+$0x30] =	vst v0  }
0x1b6: {  	[tilespmem:s20+$0xE030] =	vst v25  }
0x1b7: {  	v27 =	vpop (erf);
	[tilespmem:s2+$0x30] =	vst v0  }
0x1b8: {  	v23 =	vmax.f32 v55, $1.000000000e+00;
	v37 =	vld [tilespmem:s11+$0xFFFFFFE0];
	v29 =	vmul.f32 v63, v27;
	[tilespmem:s11+$0xFFFFFDF0] =	vst v0  }
0x1b9: {  	(erf) = vrcp.f32 v23;
	v31 =	vpop (erf);
	[tilespmem:s2+$0xFFFFFDF0] =	vst v0  }
0x1ba: {  	v23 =	vld [tilespmem:s2+$0xFFFFFFC0];
	v32 =	vmul.f32 v28, v31;
	[tilespmem:s20+$0xE040] =	vst v29  }
0x1bb: {  	[tilespmem:s11+$0xFFFFFE00] =	vst v0  }
0x1bc: {  	[tilespmem:s20+$0xE050] =	vst v32  }
0x1bd: {  	v26 =	vld [tilespmem:s11+$0x230];
	v21 =	vmul.f32 v37, v3;
	[tilespmem:s2+$0xFFFFFE00] =	vst v0  }
0x1be: {  	v30 =	vld [tilespmem:s2+$0xFFFFFE20];
	[tilespmem:s11+$0xFFFFFE10] =	vst v0  }
0x1bf: {  	[tilespmem:s20+$0x9020] =	vst v21;
	v45 =	vmul.f32 v23, v10  }
0x1c0: {  	v38 =	vld [tilespmem:s11+$0xFFFFFFF0];
	[tilespmem:s2+$0xFFFFFE10] =	vst v0  }
0x1c1: {  	[tilespmem:s20+$0xF000] =	vst v45  }
0x1c2: {  	v36 =	vld [tilespmem:s11+$0xFFFFFFD0];
	v34 =	vpop (erf);
	v14 =	vmul.f32 v26, v46;
	[tilespmem:s11+$0xFFFFFFC0] =	vst v0  }
0x1c3: {  	v39 =	vld [tilespmem:s11+$0x0];
	v16 =	vmul.f32 v30, v34;
	[tilespmem:s2+$0xFFFFFFC0] =	vst v0  }
0x1c4: {  	[tilespmem:s20+$0xA070] =	vst v14;
	v56 =	vld [tilespmem:s11+$0x1C0]  }
0x1c5: {  	v18 =	vmul.f32 v38, v6;
	[tilespmem:s20+$0xE060] =	vst v16;
	v35 =	vld [tilespmem:s2+$0x230]  }
0x1c6: {  	v46 =	vld [tilespmem:s2+$0xFFFFFFE0];
	[tilespmem:s11+$0xFFFFFE20] =	vst v0  }
0x1c7: {  	v16 =	vmul.f32 v36, v4;
	[tilespmem:s20+$0x9030] =	vst v18  }
0x1c8: {  	v42 =	vmul.f32 v39, v7;
	[tilespmem:s2+$0xFFFFFE20] =	vst v0  }
0x1c9: {  	[tilespmem:s20+$0x9010] =	vst v16;
	v48 =	vld [tilespmem:s2+$0xFFFFFFF0];
	v9 =	vmul.f32 v56, v9  }
0x1ca: {  	[tilespmem:s20+$0x9040] =	vst v42;
	v17 =	vmul.f32 v35, v49  }
0x1cb: {  	v40 =	vld [tilespmem:s11+$0x10];
	v49 =	vmul.f32 v46, v12;
	[tilespmem:s20+$0xA000] =	vst v9  }
0x1cc: {  	v41 =	vld [tilespmem:s11+$0x20];
	[tilespmem:s20+$0x10070] =	vst v17  }
0x1cd: {  	v43 =	vld [tilespmem:s2+$0xFFFFFFD0];
	[tilespmem:s20+$0xF020] =	vst v49  }
0x1ce: {  	v51 =	vmul.f32 v48, v24;
	[tilespmem:s11+$0x230] =	vst v0  }
0x1cf: {  	[tilespmem:s11+$0xFFFFFFE0] =	vst v0  }
0x1d0: {  	v17 =	vmul.f32 v40, v8;
	[tilespmem:s20+$0xF030] =	vst v51  }
0x1d1: {  	v44 =	vmul.f32 v41, v5;
	[tilespmem:s2+$0x230] =	vst v0  }
0x1d2: {  	v50 =	vld [tilespmem:s2+$0x0];
	v47 =	vmul.f32 v43, v11;
	[tilespmem:s20+$0x9050] =	vst v17  }
0x1d3: {  	[tilespmem:s20+$0x9060] =	vst v44  }
0x1d4: {  	[tilespmem:s20+$0xF010] =	vst v47  }
0x1d5: {  	[tilespmem:s2+$0xFFFFFFE0] =	vst v0  }
0x1d6: {  	[tilespmem:s11+$0xFFFFFFF0] =	vst v0;
	v52 =	vld [tilespmem:s2+$0x10]  }
0x1d7: {  	v53 =	vmul.f32 v50, v27;
	[tilespmem:s11+$0xFFFFFFD0] =	vst v0;
	v54 =	vld [tilespmem:s2+$0x20]  }
0x1d8: {  	[tilespmem:s2+$0xFFFFFFF0] =	vst v0  }
0x1d9: {  	[tilespmem:s20+$0xF040] =	vst v53  }
0x1da: {  	[tilespmem:s2+$0xFFFFFFD0] =	vst v0  }
0x1db: {  	[tilespmem:s11+$0x0] =	vst v0;
	v55 =	vmul.f32 v52, v31  }
0x1dc: {  	[tilespmem:s2+$0x0] =	vst v0;
	v57 =	vmul.f32 v54, v34  }
0x1dd: {  	[tilespmem:s20+$0xF050] =	vst v55  }
0x1de: {  	v59 =	vld [tilespmem:s11+$0x1E0];
	[tilespmem:s20+$0xF060] =	vst v57  }
0x1df: {  	v58 =	vld [tilespmem:s11+$0x1D0];
	[tilespmem:s11+$0x10] =	vst v0  }
0x1e0: {  	v60 =	vld [tilespmem:s11+$0x1F0];
	[tilespmem:s11+$0x20] =	vst v0  }
0x1e1: {  	v61 =	vld [tilespmem:s11+$0x200];
	[tilespmem:s2+$0x10] =	vst v0  }
0x1e2: {  	[tilespmem:s2+$0x20] =	vst v0;
	v62 =	vld [tilespmem:s11+$0x210]  }
0x1e3: {  	[tilespmem:s13+$0x30] =	vst v0;
	v3 =	vmul.f32 v59, v3;
	v9 =	vld [tilespmem:s11+$0x220]  }
0x1e4: {  	v63 =	vld [tilespmem:s2+$0x1C0];
	[tilespmem:s16+$0x30] =	vst v0;
	v4 =	vmul.f32 v58, v4  }
0x1e5: {  	v6 =	vmul.f32 v60, v6;
	[tilespmem:s20+$0xA020] =	vst v3  }
0x1e6: {  	[tilespmem:s20+$0xA010] =	vst v4;
	v4 =	vmul.f32 v61, v7  }
0x1e7: {  	[tilespmem:s20+$0xA030] =	vst v6;
	v3 =	vmul.f32 v62, v8  }
0x1e8: {  	[tilespmem:s20+$0xA040] =	vst v4;
	v4 =	vmul.f32 v9, v5;
	v5 =	vld [tilespmem:s2+$0x1D0]  }
0x1e9: {  	[tilespmem:s20+$0xA050] =	vst v3;
	v3 =	vmul.f32 v63, v10  }
0x1ea: {  	[tilespmem:s20+$0xA060] =	vst v4  }
0x1eb: {  	v7 =	vld [tilespmem:s2+$0x200];
	[tilespmem:s20+$0x10000] =	vst v3  }
0x1ec: {  	v4 =	vld [tilespmem:s2+$0x1E0];
	[tilespmem:s11+$0x1C0] =	vst v0  }
0x1ed: {  	v8 =	vld [tilespmem:s2+$0x210];
	v5 =	vmul.f32 v5, v11;
	[tilespmem:s2+$0x1C0] =	vst v0  }
0x1ee: {  	v9 =	vld [tilespmem:s2+$0x220];
	[tilespmem:s13+$0xFFFFFFC0] =	vst v0  }
0x1ef: {  	p1 =	por $0x1, $0x1;
	v3 =	vld [tilespmem:s2+$0x1F0];
	[tilespmem:s20+$0x10010] =	vst v5  }
.Ltmp2:
0x1f0: {  	[tilespmem:s16+$0xFFFFFFC0] =	vst v0;
	(pc) =	sbr.rel @!p1 .LBB2_9-.Ltmp2, $4  }
0x1f1: {  	[tilespmem:s11+$0x1D0] =	vst v0  }
0x1f2: {  	v6 =	vmul.f32 v4, v12;
	[tilespmem:s2+$0x1D0] =	vst v0  }
0x1f3: {  	s1 =	simm.s32 $0x0;
	s7 =	simm.s32 $0x14CC0;
	s9 =	simm.s32 $0x14E40;
	v4 =	vmul.f32 v7, v27;
	v9 =	vmul.f32 v9, v34;
	[tilespmem:s13+$0xFFFFFFD0] =	vst v0  }
0x1f4: {  	s15 =	simm.s32 $0x14240;
	s10 =	smov.u32 s8;
	s14 =	simm.s32 $0x14840;
	v5 =	vmul.f32 v3, v24;
	v3 =	vmul.f32 v8, v31;
	[tilespmem:s16+$0xFFFFFFD0] =	vst v0  }
.LBB2_8:
0x1f5: {  	v7 =	vld [tilespmem:s7+$0x30];
	[tilespmem:s20+$0x10020] =	vst v6  }
0x1f6: {  	v6 =	vld [tilespmem:s7+$0xFFFFFFD0];
	[tilespmem:s11+$0x1E0] =	vst v0  }
0x1f7: {  	v8 =	vld [tilespmem:s7+$0xFFFFFFE0];
	[tilespmem:s2+$0x1E0] =	vst v0  }
0x1f8: {  	v10 =	vld [tilespmem:s7+$0xFFFFFFF0];
	[tilespmem:s13+$0xFFFFFFE0] =	vst v0  }
0x1f9: {  	v11 =	vld [tilespmem:s7+$0x0];
	[tilespmem:s16+$0xFFFFFFE0] =	vst v0  }
0x1fa: {  	v12 =	vld [tilespmem:s7+$0x10];
	v7 =	vmax.f32 v7, $1.000000000e+00;
	[tilespmem:s20+$0x10030] =	vst v5  }
0x1fb: {  	v5 =	vmax.f32 v6, $1.000000000e+00;
	v6 =	vld [tilespmem:s7+$0x20];
	(erf) = vrcp.f32 v7;
	[tilespmem:s11+$0x1F0] =	vst v0  }
0x1fc: {  	s16 =	sadd.s32 $0x80, s16;
	v7 =	vld [tilespmem:s7+$0xFFFFFFC0];
	v8 =	vmax.f32 v8, $1.000000000e+00;
	(erf) = vrcp.f32 v5;
	[tilespmem:s2+$0x1F0] =	vst v0  }
0x1fd: {  	s1 =	sadd.s32 $0x80, s1;
	v5 =	vmax.f32 v10, $1.000000000e+00;
	v10 =	vld [tilespmem:s16+$0x30];
	(erf) = vrcp.f32 v8;
	[tilespmem:s13+$0xFFFFFFF0] =	vst v0  }
0x1fe: {  	p1 =	slt.u32 s1, $0x180;
	v8 =	vld [tilespmem:s16+$0xFFFFFFC0];
	v11 =	vmax.f32 v11, $1.000000000e+00;
	(erf) = vrcp.f32 v5;
	[tilespmem:s9+$0xFFFFFFF0] =	vst v0  }
0x1ff: {  	s11 =	sadd.s32 $0x80, s11;
	v5 =	vld [tilespmem:s16+$0xFFFFFFD0];
	v12 =	vmax.f32 v12, $1.000000000e+00;
	(erf) = vrcp.f32 v11;
	[tilespmem:s20+$0x10040] =	vst v4  }
0x200: {  	v4 =	vmax.f32 v6, $1.000000000e+00;
	v6 =	vld [tilespmem:s11+$0xFFFFFE30];
	(erf) = vrcp.f32 v12;
	[tilespmem:s15+$0x200] =	vst v0  }
0x201: {  	v7 =	vmax.f32 v7, $1.000000000e+00;
	v11 =	vld [tilespmem:s16+$0xFFFFFFE0];
	(erf) = vrcp.f32 v4;
	[tilespmem:s2+$0x200] =	vst v0  }
0x202: {  	v4 =	vld [tilespmem:s16+$0xFFFFFFF0];
	v10 =	vmax.f32 v10, $1.000000000e+00;
	(erf) = vrcp.f32 v7;
	[tilespmem:s13+$0x0] =	vst v0  }
0x203: {  	v8 =	vmax.f32 v8, $1.000000000e+00;
	v12 =	vld [tilespmem:s16+$0x0];
	(erf) = vrcp.f32 v10;
	[tilespmem:s9+$0x0] =	vst v0  }
0x204: {  	v5 =	vmax.f32 v5, $1.000000000e+00;
	v10 =	vld [tilespmem:s16+$0x10];
	(erf) = vrcp.f32 v8;
	v17 =	vpop (erf);
	[tilespmem:s20+$0x10050] =	vst v3  }
0x205: {  	s10 =	sadd.s32 $0x1000, s10;
	v3 =	vld [tilespmem:s16+$0x20];
	v14 =	vmul.f32 v17, v6;
	v7 =	vpop (erf);
	(erf) = vrcp.f32 v5;
	[tilespmem:s15+$0x210] =	vst v0  }
0x206: {  	s4 =	sshra.s32 s10, $0x2;
	v13 =	vld [tilespmem:s11+$0xFFFFFDC0];
	v15 =	vmax.f32 v11, $1.000000000e+00;
	v8 =	vpop (erf);
	[tilespmem:s2+$0x210] =	vst v0  }
0x207: {  	s2 =	sadd.s32 $0x80, s2;
	v11 =	vld [tilespmem:s11+$0xFFFFFDD0];
	v16 =	vmax.f32 v4, $1.000000000e+00;
	[tilespmem:s4+$0x8070] =	vst v14;
	(erf) = vrcp.f32 v15;
	v6 =	vpop (erf)  }
0x208: {  	v12 =	vmax.f32 v12, $1.000000000e+00;
	v14 =	vld [tilespmem:s2+$0xFFFFFE30];
	(erf) = vrcp.f32 v16;
	v5 =	vpop (erf);
	[tilespmem:s13+$0x10] =	vst v0  }
0x209: {  	v15 =	vld [tilespmem:s11+$0xFFFFFDE0];
	v10 =	vmax.f32 v10, $1.000000000e+00;
	(erf) = vrcp.f32 v12;
	v4 =	vpop (erf);
	[tilespmem:s9+$0x10] =	vst v0  }
0x20a: {  	v12 =	vld [tilespmem:s11+$0xFFFFFDF0];
	v18 =	vmax.f32 v3, $1.000000000e+00;
	(erf) = vrcp.f32 v10;
	v3 =	vpop (erf);
	[tilespmem:s20+$0x10060] =	vst v9;
	s20 =	smov.u32 s4  }
0x20b: {  	v19 =	vld [tilespmem:s11+$0xFFFFFE00];
	v16 =	vpop (erf);
	(erf) = vrcp.f32 v18;
	[tilespmem:s15+$0x220] =	vst v0;
	s15 =	smov.u32 s11  }
0x20c: {  	v22 =	vmul.f32 v16, v13;
	v13 =	vmul.f32 v7, v11;
	v18 =	vld [tilespmem:s11+$0xFFFFFE10];
	v20 =	vpop (erf);
	[tilespmem:s14+$0x220] =	vst v0;
	s14 =	smov.u32 s2  }
0x20d: {  	v21 =	vld [tilespmem:s11+$0xFFFFFE20];
	v23 =	vmul.f32 v14, v20;
	v9 =	vpop (erf);
	[tilespmem:s13+$0x20] =	vst v0;
	s13 =	smov.u32 s7  }
0x20e: {  	[tilespmem:s20+$0x8000] =	vst v22;
	v14 =	vmul.f32 v8, v15;
	v10 =	vpop (erf)  }
0x20f: {  	v15 =	vld [tilespmem:s2+$0xFFFFFDC0];
	v22 =	vmul.f32 v6, v12;
	[tilespmem:s20+$0xE070] =	vst v23  }
0x210: {  	v19 =	vmul.f32 v5, v19;
	[tilespmem:s11+$0xFFFFFE30] =	vst v0;
	v11 =	vpop (erf)  }
0x211: {  	v18 =	vmul.f32 v4, v18;
	[tilespmem:s2+$0xFFFFFE30] =	vst v0;
	v12 =	vpop (erf)  }
0x212: {  	[tilespmem:s20+$0x8010] =	vst v13;
	v21 =	vmul.f32 v3, v21;
	v23 =	vld [tilespmem:s11+$0x30];
	v13 =	vpop (erf)  }
0x213: {  	v24 =	vld [tilespmem:s2+$0xFFFFFDD0];
	[tilespmem:s20+$0x8020] =	vst v14;
	v14 =	vpop (erf)  }
0x214: {  	v25 =	vmul.f32 v15, v9;
	v26 =	vld [tilespmem:s2+$0xFFFFFDE0];
	[tilespmem:s20+$0x8030] =	vst v22;
	v15 =	vpop (erf)  }
0x215: {  	v22 =	vld [tilespmem:s2+$0xFFFFFDF0];
	[tilespmem:s20+$0x8040] =	vst v19  }
0x216: {  	v19 =	vld [tilespmem:s2+$0xFFFFFE00];
	[tilespmem:s20+$0x8050] =	vst v18  }
0x217: {  	v18 =	vld [tilespmem:s2+$0xFFFFFE10];
	[tilespmem:s20+$0x8060] =	vst v21;
	v21 =	vmul.f32 v23, v17  }
0x218: {  	[tilespmem:s20+$0xE000] =	vst v25;
	v23 =	vmul.f32 v24, v10;
	v24 =	vld [tilespmem:s2+$0xFFFFFE20]  }
0x219: {  	v25 =	vmul.f32 v26, v11;
	[tilespmem:s20+$0x9070] =	vst v21  }
0x21a: {  	[tilespmem:s11+$0xFFFFFDC0] =	vst v0;
	v21 =	vmul.f32 v22, v12;
	v22 =	vld [tilespmem:s2+$0x30]  }
0x21b: {  	[tilespmem:s2+$0xFFFFFDC0] =	vst v0;
	v19 =	vmul.f32 v19, v13  }
0x21c: {  	v26 =	vld [tilespmem:s11+$0xFFFFFFC0];
	[tilespmem:s20+$0xE010] =	vst v23;
	v18 =	vmul.f32 v18, v14  }
0x21d: {  	[tilespmem:s11+$0xFFFFFDD0] =	vst v0;
	v23 =	vmul.f32 v24, v15  }
0x21e: {  	[tilespmem:s2+$0xFFFFFDD0] =	vst v0  }
0x21f: {  	v24 =	vld [tilespmem:s11+$0xFFFFFFD0];
	[tilespmem:s20+$0xE020] =	vst v25;
	v22 =	vmul.f32 v22, v20  }
0x220: {  	[tilespmem:s11+$0xFFFFFDE0] =	vst v0  }
0x221: {  	v25 =	vmul.f32 v26, v16;
	[tilespmem:s20+$0xF070] =	vst v22  }
0x222: {  	[tilespmem:s11+$0x30] =	vst v0  }
0x223: {  	[tilespmem:s2+$0x30] =	vst v0  }
0x224: {  	v22 =	vmul.f32 v24, v7;
	[tilespmem:s2+$0xFFFFFDE0] =	vst v0;
	v24 =	vld [tilespmem:s11+$0x230]  }
0x225: {  	v26 =	vld [tilespmem:s11+$0xFFFFFFE0];
	[tilespmem:s20+$0xE030] =	vst v21  }
0x226: {  	[tilespmem:s11+$0xFFFFFDF0] =	vst v0  }
0x227: {  	[tilespmem:s2+$0xFFFFFDF0] =	vst v0  }
0x228: {  	v21 =	vld [tilespmem:s11+$0xFFFFFFF0];
	[tilespmem:s20+$0xE040] =	vst v19  }
0x229: {  	[tilespmem:s11+$0xFFFFFE00] =	vst v0;
	v17 =	vmul.f32 v24, v17  }
0x22a: {  	v19 =	vmul.f32 v26, v8;
	[tilespmem:s2+$0xFFFFFE00] =	vst v0  }
0x22b: {  	v24 =	vld [tilespmem:s11+$0x0];
	[tilespmem:s20+$0xA070] =	vst v17  }
0x22c: {  	[tilespmem:s20+$0xE050] =	vst v18;
	v17 =	vld [tilespmem:s2+$0x230]  }
0x22d: {  	v18 =	vmul.f32 v21, v6;
	[tilespmem:s11+$0xFFFFFE10] =	vst v0  }
0x22e: {  	[tilespmem:s2+$0xFFFFFE10] =	vst v0  }
0x22f: {  	v21 =	vld [tilespmem:s11+$0x10];
	[tilespmem:s20+$0xE060] =	vst v23  }
0x230: {  	v23 =	vmul.f32 v24, v5;
	[tilespmem:s11+$0xFFFFFE20] =	vst v0  }
0x231: {  	[tilespmem:s2+$0xFFFFFE20] =	vst v0;
	v17 =	vmul.f32 v17, v20  }
0x232: {  	[tilespmem:s20+$0x9000] =	vst v25;
	v20 =	vld [tilespmem:s11+$0x20]  }
0x233: {  	v24 =	vld [tilespmem:s2+$0xFFFFFFC0];
	[tilespmem:s20+$0x10070] =	vst v17  }
0x234: {  	v17 =	vmul.f32 v21, v4;
	[tilespmem:s11+$0x230] =	vst v0  }
0x235: {  	[tilespmem:s2+$0x230] =	vst v0  }
0x236: {  	[tilespmem:s7+$0x30] =	vst v0  }
0x237: {  	v20 =	vmul.f32 v20, v3;
	[tilespmem:s16+$0x30] =	vst v0  }
0x238: {  	v21 =	vmul.f32 v24, v9;
	[tilespmem:s20+$0x9010] =	vst v22  }
0x239: {  	v22 =	vld [tilespmem:s2+$0xFFFFFFD0];
	[tilespmem:s20+$0x9020] =	vst v19  }
0x23a: {  	v19 =	vld [tilespmem:s2+$0xFFFFFFE0];
	[tilespmem:s20+$0x9030] =	vst v18  }
0x23b: {  	v18 =	vld [tilespmem:s2+$0xFFFFFFF0];
	[tilespmem:s20+$0x9040] =	vst v23  }
0x23c: {  	v23 =	vld [tilespmem:s2+$0x0];
	[tilespmem:s20+$0x9050] =	vst v17  }
0x23d: {  	v17 =	vld [tilespmem:s2+$0x10];
	[tilespmem:s20+$0x9060] =	vst v20  }
0x23e: {  	[tilespmem:s20+$0xF000] =	vst v21;
	v20 =	vmul.f32 v22, v10;
	v21 =	vld [tilespmem:s2+$0x20]  }
0x23f: {  	[tilespmem:s11+$0xFFFFFFC0] =	vst v0;
	v19 =	vmul.f32 v19, v11  }
0x240: {  	[tilespmem:s2+$0xFFFFFFC0] =	vst v0;
	v18 =	vmul.f32 v18, v12  }
0x241: {  	v22 =	vld [tilespmem:s11+$0x1C0];
	[tilespmem:s20+$0xF010] =	vst v20;
	v20 =	vmul.f32 v23, v13  }
0x242: {  	[tilespmem:s11+$0xFFFFFFD0] =	vst v0;
	v17 =	vmul.f32 v17, v14  }
0x243: {  	[tilespmem:s2+$0xFFFFFFD0] =	vst v0;
	v21 =	vmul.f32 v21, v15  }
0x244: {  	v23 =	vld [tilespmem:s11+$0x1D0];
	[tilespmem:s20+$0xF020] =	vst v19  }
0x245: {  	[tilespmem:s11+$0xFFFFFFE0] =	vst v0  }
0x246: {  	v16 =	vmul.f32 v22, v16;
	[tilespmem:s2+$0xFFFFFFE0] =	vst v0  }
0x247: {  	v19 =	vld [tilespmem:s11+$0x1E0];
	[tilespmem:s20+$0xF030] =	vst v18  }
0x248: {  	[tilespmem:s11+$0xFFFFFFF0] =	vst v0  }
0x249: {  	v7 =	vmul.f32 v23, v7;
	[tilespmem:s2+$0xFFFFFFF0] =	vst v0  }
0x24a: {  	v18 =	vld [tilespmem:s11+$0x1F0];
	[tilespmem:s20+$0xF040] =	vst v20  }
0x24b: {  	[tilespmem:s11+$0x0] =	vst v0  }
0x24c: {  	v8 =	vmul.f32 v19, v8;
	[tilespmem:s2+$0x0] =	vst v0  }
0x24d: {  	v19 =	vld [tilespmem:s11+$0x200];
	[tilespmem:s20+$0xF050] =	vst v17  }
0x24e: {  	[tilespmem:s11+$0x10] =	vst v0  }
0x24f: {  	v6 =	vmul.f32 v18, v6;
	[tilespmem:s2+$0x10] =	vst v0  }
0x250: {  	v17 =	vld [tilespmem:s11+$0x210];
	[tilespmem:s20+$0xF060] =	vst v21  }
0x251: {  	[tilespmem:s11+$0x20] =	vst v0  }
0x252: {  	v5 =	vmul.f32 v19, v5;
	[tilespmem:s2+$0x20] =	vst v0  }
0x253: {  	[tilespmem:s20+$0xA000] =	vst v16;
	v16 =	vld [tilespmem:s11+$0x220]  }
0x254: {  	v18 =	vld [tilespmem:s2+$0x1C0];
	[tilespmem:s20+$0xA010] =	vst v7  }
0x255: {  	v7 =	vld [tilespmem:s2+$0x1D0];
	[tilespmem:s20+$0xA020] =	vst v8;
	v4 =	vmul.f32 v17, v4  }
0x256: {  	v8 =	vld [tilespmem:s2+$0x1E0];
	[tilespmem:s20+$0xA030] =	vst v6  }
0x257: {  	v17 =	vld [tilespmem:s2+$0x1F0];
	[tilespmem:s20+$0xA040] =	vst v5  }
0x258: {  	v19 =	vld [tilespmem:s2+$0x200];
	[tilespmem:s20+$0xA050] =	vst v4;
	v3 =	vmul.f32 v16, v3  }
0x259: {  	v4 =	vmul.f32 v18, v9;
	v9 =	vld [tilespmem:s2+$0x210];
	[tilespmem:s9+$0x20] =	vst v0;
	s9 =	smov.u32 s16  }
0x25a: {  	v7 =	vmul.f32 v7, v10;
	[tilespmem:s20+$0xA060] =	vst v3  }
0x25b: {  	[tilespmem:s20+$0x10000] =	vst v4;
	v6 =	vmul.f32 v8, v11;
	v8 =	vld [tilespmem:s2+$0x220]  }
0x25c: {  	[tilespmem:s11+$0x1C0] =	vst v0;
	v5 =	vmul.f32 v17, v12  }
0x25d: {  	[tilespmem:s2+$0x1C0] =	vst v0;
	v4 =	vmul.f32 v19, v13  }
0x25e: {  	[tilespmem:s7+$0xFFFFFFC0] =	vst v0;
	v3 =	vmul.f32 v9, v14  }
0x25f: {  	[tilespmem:s16+$0xFFFFFFC0] =	vst v0  }
.Ltmp3:
0x260: {  	[tilespmem:s20+$0x10010] =	vst v7;
	v9 =	vmul.f32 v8, v15;
	(pc) =	sbr.rel @p1 .LBB2_8-.Ltmp3, $4  }
0x261: {  	[tilespmem:s11+$0x1D0] =	vst v0  }
0x262: {  	[tilespmem:s2+$0x1D0] =	vst v0  }
0x263: {  	[tilespmem:s7+$0xFFFFFFD0] =	vst v0  }
0x264: {  	s7 =	sadd.s32 $0x80, s7;
	[tilespmem:s16+$0xFFFFFFD0] =	vst v0  }
.LBB2_9:
0x265: {  	[tilespmem:s20+$0x10020] =	vst v6  }
0x266: {  	[tilespmem:s20+$0x10040] =	vst v4  }
0x267: {  	[tilespmem:s20+$0x10060] =	vst v9  }
0x268: {  	[tilespmem:s11+$0x1E0] =	vst v0  }
0x269: {  	[tilespmem:s20+$0x10030] =	vst v5  }
0x26a: {  	[tilespmem:s15+$0x200] =	vst v0  }
0x26b: {  	[tilespmem:s20+$0x10050] =	vst v3  }
0x26c: {  	[tilespmem:s15+$0x220] =	vst v0  }
0x26d: {  	[tilespmem:s2+$0x1E0] =	vst v0  }
0x26e: {  	[tilespmem:s11+$0x1F0] =	vst v0  }
0x26f: {  	[tilespmem:s2+$0x200] =	vst v0  }
0x270: {  	[tilespmem:s15+$0x210] =	vst v0  }
0x271: {  	[tilespmem:s14+$0x220] =	vst v0  }
0x272: {  	[tilespmem:s13+$0xFFFFFFE0] =	vst v0  }
0x273: {  	[tilespmem:s2+$0x1F0] =	vst v0  }
0x274: {  	[tilespmem:s13+$0x0] =	vst v0  }
0x275: {  	[tilespmem:s2+$0x210] =	vst v0  }
0x276: {  	[tilespmem:s13+$0x20] =	vst v0  }
0x277: {  	s12 =	sadd.s32 $0x1, s12;
	[tilespmem:s16+$0xFFFFFFE0] =	vst v0  }
0x278: {  	p1 =	sne.s32 s12, $0x8;
	[tilespmem:s13+$0xFFFFFFF0] =	vst v0  }
.Ltmp4:
0x279: {  	[tilespmem:s9+$0x0] =	vst v0;
	(pc) =	sbr.rel @p1 .LBB2_5-.Ltmp4, $4  }
0x27a: {  	[tilespmem:s13+$0x10] =	vst v0  }
0x27b: {  	[tilespmem:s9+$0x20] =	vst v0  }
0x27c: {  	s0 =	sadd.s32 $0x80, s0;
	s3 =	sadd.s32 $0x80, s3;
	[tilespmem:s9+$0xFFFFFFF0] =	vst v0  }
0x27d: {  	s17 =	sadd.s32 $0x80, s17;
	s18 =	sadd.s32 $0x80, s18;
	s8 =	sadd.s32 $0x200, s8;
	[tilespmem:s9+$0x10] =	vst v0  }
0x27e: {  	s0 =	sshll.u32 s21, $0xD;
	s1 =	rddreg [dreg:$0x7]  }
0x27f: {  	s0 =	sadd.s32 s1, s0  }
0x280: {  	s3 =	rddreg [dreg:$0x2];
	s0 =	sshrl.u32 s0, $0x3  }
0x281: {  	s2 =	simm.s32 $0x8000;
	s11 =	sadd.s32 s3, s0  }
0x282: {  	[hbm4b:s11+s6] =	stream.linear.scatter [tilespmem:s2], [sflag:$0x3], $0x1000, $0x38;
	[tilespmem:$0x15000] =	vst v63  }
0x283: {  	s13 =	simm.s32 $0xE000;
	s12 =	sadd.s32 s5, s0;
	s14 =	sadd.s32 $0x8000, s0  }
0x284: {  	[hbm4b:s12+s6] =	stream.linear.scatter [tilespmem:s13], [sflag:$0x3], $0x1000, $0x38;
	[tilespmem:$0x15000] =	vst v63  }
0x285: {  	s4 =	simm.s32 $0x9000;
	s15 =	sadd.s32 s3, s14  }
0x286: {  	[hbm4b:s15+s6] =	stream.linear.scatter [tilespmem:s4], [sflag:$0x3], $0x1000, $0x38;
	[tilespmem:$0x15000] =	vst v63  }
0x287: {  	s16 =	simm.s32 $0xF000;
	s0 =	sadd.s32 $0x10000, s0;
	s1 =	sadd.s32 s5, s14  }
0x288: {  	[hbm4b:s1+s6] =	stream.linear.scatter [tilespmem:s16], [sflag:$0x3], $0x1000, $0x38;
	[tilespmem:$0x15000] =	vst v63  }
0x289: {  	s18 =	simm.s32 $0xA000;
	s17 =	sadd.s32 s3, s0  }
0x28a: {  	[hbm4b:s17+s6] =	stream.linear.scatter [tilespmem:s18], [sflag:$0x3], $0x1000, $0x38;
	[tilespmem:$0x15000] =	vst v63  }
0x28b: {  	s20 =	simm.s32 $0x10000;
	s0 =	sadd.s32 s5, s0  }
0x28c: {  	[hbm4b:s0+s6] =	stream.linear.scatter [tilespmem:s20], [sflag:$0x3], $0x1000, $0x38;
	[tilespmem:$0x15000] =	vst v63  }
0x28d: {  	p1 =	seq.s32 s21, $0x7;
	s0 =	rddreg [dreg:$0xd]  }
0x28e: {  	s0 =	sadd.s32 @!p1 s31, s0  }
0x28f: {  	s1 =	rddreg [dreg:$0x6];
	s0 =	sshll.u32 @!p1 s0, $0xC  }
0x290: {  	s1 =	sadd.s32 @!p1 s1, s0  }
0x291: {  	s2 =	rddreg [dreg:$0x1];
	s1 =	sshrl.u32 @!p1 s1, $0x3  }
0x292: {  	s1 =	sadd.s32 @!p1 s2, s1;
	s2 =	simm.s32 @!p1 $0x0  }
0x293: {  	[tilespmem:s2], [sflag:$0x1] =	stream.linear.gather @!p1 [hbm4b:s1+s2], $0x1000, $0x38;
	[tilespmem:$0x15000] =	vst v63  }
0x294: {  	s1 =	rddreg [dreg:$0x5]  }
0x295: {  	s0 =	sadd.s32 @!p1 s1, s0  }
0x296: {  	s1 =	rddreg [dreg:$0x0];
	s0 =	sshrl.u32 @!p1 s0, $0x3  }
0x297: {  	s0 =	sadd.s32 @!p1 s1, s0;
	s1 =	simm.s32 @!p1 $0x2000  }
0x298: {  	[tilespmem:s1], [sflag:$0x1] =	stream.linear.gather @!p1 [hbm4b:s0+s2], $0x1000, $0x38;
	[tilespmem:$0x15000] =	vst v63  }
0x299: {  	s3 =	simm.s32 @!p1 $0x3000;
	s1 =	sadd.s32 @!p1 $0x8000, s0  }
0x29a: {  	[tilespmem:s3], [sflag:$0x1] =	stream.linear.gather @!p1 [hbm4b:s1+s2], $0x1000, $0x38;
	[tilespmem:$0x15000] =	vst v63  }
0x29b: {  	s0 =	sadd.s32 @!p1 $0x10000, s0;
	s1 =	simm.s32 @!p1 $0x4000  }
0x29c: {  	[tilespmem:s1], [sflag:$0x1] =	stream.linear.gather @!p1 [hbm4b:s0+s2], $0x1000, $0x38;
	[tilespmem:$0x15000] =	vst v63  }
0x29d: {  	_ =	swait.ge [sflag:s19], $0x1000  }
0x29e: {  	[sflag:s19] =	ssyncset.done $0x0  }
0x29f: {  	[sflag:s19] =	ssyncadd.s32 $0xFFFFF000  }
0x2a0: {  	_ =	swait.ge [sflag:s19], $0x1000  }
0x2a1: {  	[sflag:s19] =	ssyncset.done $0x0  }
0x2a2: {  	[sflag:s19] =	ssyncadd.s32 $0xFFFFF000  }
0x2a3: {  	_ =	swait.ge [sflag:s19], $0x1000  }
0x2a4: {  	[sflag:s19] =	ssyncset.done $0x0  }
0x2a5: {  	[sflag:s19] =	ssyncadd.s32 $0xFFFFF000  }
0x2a6: {  	_ =	swait.ge [sflag:s19], $0x1000  }
0x2a7: {  	[sflag:s19] =	ssyncset.done $0x0  }
0x2a8: {  	s0 =	simm.s32 @!p0 $0x4;
	[sflag:s19] =	ssyncadd.s32 $0xFFFFF000  }
0x2a9: {  	_ =	swait.ge @!p0 [sflag:s0], $0x1000  }
0x2aa: {  	[sflag:s0] =	ssyncset.done @!p0 $0x0  }
0x2ab: {  	[sflag:s0] =	ssyncadd.s32 @!p0 $0xFFFFF000  }
0x2ac: {  	_ =	swait.ge @!p0 [sflag:s0], $0x1000  }
0x2ad: {  	[sflag:s0] =	ssyncset.done @!p0 $0x0  }
0x2ae: {  	[sflag:s0] =	ssyncadd.s32 @!p0 $0xFFFFF000  }
0x2af: {  	_ =	swait.ge @!p0 [sflag:s0], $0x1000  }
0x2b0: {  	[sflag:s0] =	ssyncset.done @!p0 $0x0  }
0x2b1: {  	[sflag:s0] =	ssyncadd.s32 @!p0 $0xFFFFF000  }
0x2b2: {  	_ =	swait.ge @!p0 [sflag:s0], $0x1000  }
0x2b3: {  	[sflag:s0] =	ssyncset.done @!p0 $0x0  }
0x2b4: {  	[sflag:s0] =	ssyncadd.s32 @!p0 $0xFFFFF000  }
0x2b5: {  	_ =	swait.ge @!p0 [sflag:s0], $0x1000  }
0x2b6: {  	[sflag:s0] =	ssyncset.done @!p0 $0x0  }
0x2b7: {  	s10 =	simm.s32 $0x0;
	[sflag:s0] =	ssyncadd.s32 @!p0 $0xFFFFF000  }
0x2b8: {  	s12 =	simm.s32 $0x0;
	s17 =	simm.s32 $0x5040;
	_ =	swait.ge @!p0 [sflag:s0], $0x1000  }
0x2b9: {  	s18 =	simm.s32 $0x1040;
	s31 =	simm.s32 $0x0;
	[sflag:s0] =	ssyncset.done @!p0 $0x0  }
0x2ba: {  	s3 =	simm.s32 $0x6040;
	[sflag:s0] =	ssyncadd.s32 @!p0 $0xFFFFF000;
	s0 =	simm.s32 $0x7040  }
.LBB2_11:
0x2bb: {  	v3 =	vld [tilespmem:s18+$0x30]  }
0x2bc: {  	v4 =	vld [tilespmem:s18+$0xFFFFFFD0]  }
0x2bd: {  	v5 =	vld [tilespmem:s18+$0xFFFFFFE0]  }
0x2be: {  	v6 =	vld [tilespmem:s18+$0xFFFFFFF0]  }
0x2bf: {  	v7 =	vld [tilespmem:s18+$0x0]  }
0x2c0: {  	v8 =	vld [tilespmem:s18+$0x10]  }
0x2c1: {  	v11 =	vld [tilespmem:s18+$0x20]  }
0x2c2: {  	s1 =	simm.s32 $0x10;
	v12 =	vld [tilespmem:s18+$0xFFFFFFC0];
	s9 =	simm.s32 $0x70  }
0x2c3: {  	v9 =	vor.u32 s31, v1;
	s11 =	simm.s32 $0x20;
	s13 =	simm.s32 $0x30;
	s14 =	simm.s32 $0x40;
	v10 =	vor.u32 s1, v1;
	v13 =	vor.u32 s9, v1  }
0x2c4: {  	v15 =	vor.u32 s11, v1;
	v16 =	vor.u32 s13, v1;
	v17 =	vor.u32 s14, v1  }
0x2c5: {  	v3 =	vmax.f32 v3, $-1.024000000e+03;
	v4 =	vmax.f32 v4, $-1.024000000e+03;
	v5 =	vmax.f32 v5, $-1.024000000e+03  }
0x2c6: {  	v6 =	vmax.f32 v6, $-1.024000000e+03;
	v7 =	vmax.f32 v7, $-1.024000000e+03;
	v8 =	vmax.f32 v8, $-1.024000000e+03  }
0x2c7: {  	v11 =	vmax.f32 v11, $-1.024000000e+03;
	v12 =	vmax.f32 v12, $-1.024000000e+03;
	v3 =	vmin.f32 v3, $1.024000000e+03  }
0x2c8: {  	v4 =	vmin.f32 v4, $1.024000000e+03;
	v5 =	vmin.f32 v5, $1.024000000e+03;
	v6 =	vmin.f32 v6, $1.024000000e+03  }
0x2c9: {  	v7 =	vmin.f32 v7, $1.024000000e+03;
	v3 =	vadd.f32 $1.258291200e+07, v3;
	v4 =	vadd.f32 $1.258291200e+07, v4  }
0x2ca: {  	v12 =	vmin.f32 v12, $1.024000000e+03;
	v5 =	vadd.f32 $1.258291200e+07, v5;
	v6 =	vadd.f32 $1.258291200e+07, v6  }
0x2cb: {  	v8 =	vmin.f32 v8, $1.024000000e+03;
	v12 =	vadd.f32 $1.258291200e+07, v12;
	v7 =	vadd.f32 $1.258291200e+07, v7  }
0x2cc: {  	s15 =	simm.s32 $0x50;
	v11 =	vmin.f32 v11, $1.024000000e+03;
	v8 =	vadd.f32 $1.258291200e+07, v8;
	v3 =	vadd.f32 $-1.258291200e+07, v3  }
0x2cd: {  	v21 =	vor.u32 s15, v1;
	v11 =	vadd.f32 $1.258291200e+07, v11;
	v12 =	vadd.f32 $-1.258291200e+07, v12  }
0x2ce: {  	v4 =	vadd.f32 $-1.258291200e+07, v4;
	v5 =	vadd.f32 $-1.258291200e+07, v5;
	v3 =	vtrunc.f32 v3  }
0x2cf: {  	v6 =	vadd.f32 $-1.258291200e+07, v6;
	v7 =	vadd.f32 $-1.258291200e+07, v7;
	v3 =	vcvt.f32.s32 v3  }
0x2d0: {  	v8 =	vadd.f32 $-1.258291200e+07, v8;
	v11 =	vadd.f32 $-1.258291200e+07, v11;
	v12 =	vtrunc.f32 v12  }
0x2d1: {  	v20 =	vld [tilespmem:s17+$0xFFFFFFC0];
	v4 =	vtrunc.f32 v4;
	v5 =	vtrunc.f32 v5;
	v14 =	vadd.s32 v3, v13  }
0x2d2: {  	v22 =	vld [tilespmem:s17+$0xFFFFFFD0];
	v6 =	vtrunc.f32 v6;
	v3 =	vsub.s32 v13, v3;
	vm0 =	vgt.s32 v14, $0x0  }
0x2d3: {  	v24 =	vld [tilespmem:s17+$0xFFFFFFE0];
	v7 =	vtrunc.f32 v7;
	vm15 =	vgt.s32 v3, $0x0;
	v13 =	vnsel vm0, $0x0, v14  }
0x2d4: {  	v8 =	vtrunc.f32 v8;
	v3 =	vnsel vm15, $0x0, v3;
	v14 =	vld [tilespmem:s17+$0x30];
	v13 =	vmin.u32 v13, $0x1FF  }
0x2d5: {  	s16 =	simm.s32 $0x60;
	v27 =	vld [tilespmem:s17+$0x0];
	v11 =	vtrunc.f32 v11;
	v12 =	vcvt.f32.s32 v12;
	v3 =	vmin.u32 v3, $0x1FF  }
0x2d6: {  	v29 =	vld [tilespmem:s17+$0x10];
	s7 =	sadd.s32 $0x400, s18;
	v23 =	vor.u32 s16, v1;
	v4 =	vcvt.f32.s32 v4;
	v5 =	vcvt.f32.s32 v5  }
0x2d7: {  	v35 =	vld [tilespmem:s7+$0x30];
	v6 =	vcvt.f32.s32 v6;
	v8 =	vcvt.f32.s32 v8;
	v25 =	vadd.s32 v12, v9  }
0x2d8: {  	v34 =	vld [tilespmem:s7+$0xFFFFFFD0];
	v7 =	vcvt.f32.s32 v7;
	v11 =	vcvt.f32.s32 v11;
	vm4 =	vgt.s32 v25, $0x0  }
0x2d9: {  	v28 =	vadd.s32 v8, v21;
	v21 =	vsub.s32 v21, v8;
	v8 =	vnsel vm4, $0x0, v25;
	[tilespmem:v13+s25+$0x0] =	vst.idx.add.f32.msk $0xffff, v14  }
0x2da: {  	v30 =	vadd.s32 v11, v23;
	v11 =	vsub.s32 v23, v11;
	v23 =	vmin.u32 v8, $0x1FF;
	[tilespmem:v3+s26+$0x0] =	vst.idx.add.f32.msk $0xffff, v14  }
0x2db: {  	v9 =	vsub.s32 v9, v12;
	v12 =	vadd.s32 v4, v10;
	v18 =	vor.u32 $0x200, v13;
	v14 =	vld [tilespmem:s3+$0x30]  }
0x2dc: {  	v33 =	vld [tilespmem:s7+$0x0];
	v4 =	vsub.s32 v10, v4;
	vm1 =	vgt.s32 v9, $0x0;
	v19 =	vor.u32 $0x200, v3  }
0x2dd: {  	v32 =	vld [tilespmem:s7+$0x10];
	v10 =	vadd.s32 v5, v15;
	vm2 =	vgt.s32 v12, $0x0;
	v9 =	vnsel vm1, $0x0, v9  }
0x2de: {  	vm5 =	vgt.s32 v4, $0x0;
	v25 =	vld [tilespmem:s17+$0x20];
	v8 =	vnsel vm2, $0x0, v12;
	v9 =	vmin.u32 v9, $0x1FF  }
0x2df: {  	vm6 =	vgt.s32 v10, $0x0;
	v4 =	vnsel vm5, $0x0, v4;
	v12 =	vmin.u32 v8, $0x1FF;
	[tilespmem:v23+s25+$0x0] =	vst.idx.add.f32.msk $0xffff, v20  }
0x2e0: {  	v5 =	vsub.s32 v15, v5;
	v8 =	vnsel vm6, $0x0, v10;
	v10 =	vmin.u32 v4, $0x1FF;
	[tilespmem:v18+s25+$0x0] =	vst.idx.add.f32.msk $0xffff, v14  }
0x2e1: {  	v26 =	vadd.s32 v7, v17;
	v7 =	vsub.s32 v17, v7;
	v17 =	vmin.u32 v8, $0x1FF;
	[tilespmem:v19+s26+$0x0] =	vst.idx.add.f32.msk $0xffff, v14  }
0x2e2: {  	v15 =	vadd.s32 v6, v16;
	v6 =	vsub.s32 v16, v6;
	v16 =	vor.u32 $0x400, v13;
	v14 =	vld [tilespmem:s0+$0x30]  }
0x2e3: {  	[tilespmem:v9+s26+$0x0] =	vst.idx.add.f32.msk $0xffff, v20;
	v18 =	vor.u32 $0x400, v3  }
0x2e4: {  	[tilespmem:v12+s25+$0x0] =	vst.idx.add.f32.msk $0xffff, v22  }
0x2e5: {  	[tilespmem:v10+s26+$0x0] =	vst.idx.add.f32.msk $0xffff, v22  }
0x2e6: {  	vm7 =	vgt.s32 v5, $0x0;
	[tilespmem:v17+s25+$0x0] =	vst.idx.add.f32.msk $0xffff, v24  }
0x2e7: {  	vm8 =	vgt.s32 v15, $0x0;
	vm9 =	vgt.s32 v6, $0x0;
	v4 =	vnsel vm7, $0x0, v5;
	[tilespmem:v16+s25+$0x0] =	vst.idx.add.f32.msk $0xffff, v14  }
0x2e8: {  	vm10 =	vgt.s32 v26, $0x0;
	vm11 =	vgt.s32 v7, $0x0;
	[tilespmem:v18+s26+$0x0] =	vst.idx.add.f32.msk $0xffff, v14;
	v18 =	vmin.u32 v4, $0x1FF  }
0x2e9: {  	vm12 =	vgt.s32 v28, $0x0;
	vm13 =	vgt.s32 v21, $0x0;
	vm15 =	vgt.s32 v11, $0x0;
	[tilespmem:v13+s28+$0x0] =	vst.idx.add.f32.msk $0xffff, v2  }
0x2ea: {  	vm14 =	vgt.s32 v30, $0x0;
	v11 =	vnsel vm15, $0x0, v11;
	v4 =	vnsel vm9, $0x0, v6;
	v13 =	vld [tilespmem:s3+$0xFFFFFFD0]  }
0x2eb: {  	v22 =	vor.u32 $0x200, v12;
	[tilespmem:v3+s29+$0x0] =	vst.idx.add.f32.msk $0xffff, v2;
	v3 =	vnsel vm8, $0x0, v15;
	v15 =	vmin.u32 v4, $0x1FF  }
0x2ec: {  	v19 =	vld [tilespmem:s17+$0xFFFFFFF0];
	v4 =	vnsel vm11, $0x0, v7;
	v16 =	vmin.u32 v3, $0x1FF;
	v3 =	vnsel vm10, $0x0, v26  }
0x2ed: {  	v7 =	vmin.u32 v4, $0x1FF;
	v8 =	vmin.u32 v3, $0x1FF;
	v3 =	vnsel vm12, $0x0, v28;
	[tilespmem:v18+s26+$0x0] =	vst.idx.add.f32.msk $0xffff, v24  }
0x2ee: {  	v4 =	vnsel vm13, $0x0, v21;
	v6 =	vmin.u32 v3, $0x1FF;
	v3 =	vnsel vm14, $0x0, v30;
	v30 =	vld [tilespmem:s7+$0xFFFFFFE0]  }
0x2ef: {  	v5 =	vmin.u32 v4, $0x1FF;
	v4 =	vmin.u32 v3, $0x1FF;
	v3 =	vmin.u32 v11, $0x1FF;
	v11 =	vld [tilespmem:s3+$0xFFFFFFC0]  }
0x2f0: {  	[tilespmem:v22+s25+$0x0] =	vst.idx.add.f32.msk $0xffff, v13  }
0x2f1: {  	[tilespmem:v16+s25+$0x0] =	vst.idx.add.f32.msk $0xffff, v19  }
0x2f2: {  	[tilespmem:v15+s26+$0x0] =	vst.idx.add.f32.msk $0xffff, v19  }
0x2f3: {  	[tilespmem:v8+s25+$0x0] =	vst.idx.add.f32.msk $0xffff, v27  }
0x2f4: {  	v19 =	vld [tilespmem:s3+$0xFFFFFFE0]  }
0x2f5: {  	[tilespmem:v7+s26+$0x0] =	vst.idx.add.f32.msk $0xffff, v27  }
0x2f6: {  	v14 =	vor.u32 $0x200, v23;
	[tilespmem:v6+s25+$0x0] =	vst.idx.add.f32.msk $0xffff, v29  }
0x2f7: {  	v21 =	vld [tilespmem:s3+$0xFFFFFFF0]  }
0x2f8: {  	[tilespmem:v5+s26+$0x0] =	vst.idx.add.f32.msk $0xffff, v29  }
0x2f9: {  	v20 =	vor.u32 $0x200, v9;
	[tilespmem:v4+s25+$0x0] =	vst.idx.add.f32.msk $0xffff, v25  }
0x2fa: {  	v24 =	vld [tilespmem:s3+$0x0]  }
0x2fb: {  	v27 =	vor.u32 $0x200, v17;
	[tilespmem:v14+s25+$0x0] =	vst.idx.add.f32.msk $0xffff, v11  }
0x2fc: {  	v29 =	vor.u32 $0x200, v18;
	[tilespmem:v3+s26+$0x0] =	vst.idx.add.f32.msk $0xffff, v25  }
0x2fd: {  	v14 =	vor.u32 $0x200, v16;
	v26 =	vld [tilespmem:s3+$0x10]  }
0x2fe: {  	[tilespmem:v20+s26+$0x0] =	vst.idx.add.f32.msk $0xffff, v11  }
0x2ff: {  	v25 =	vor.u32 $0x200, v10;
	v28 =	vld [tilespmem:s3+$0x20]  }
0x300: {  	v11 =	vor.u32 $0x200, v15;
	[tilespmem:v27+s25+$0x0] =	vst.idx.add.f32.msk $0xffff, v19  }
0x301: {  	v20 =	vor.u32 $0x200, v8;
	[tilespmem:v29+s26+$0x0] =	vst.idx.add.f32.msk $0xffff, v19  }
0x302: {  	v22 =	vor.u32 $0x200, v6;
	[tilespmem:v14+s25+$0x0] =	vst.idx.add.f32.msk $0xffff, v21  }
0x303: {  	v29 =	vld [tilespmem:s7+$0xFFFFFFF0]  }
0x304: {  	v19 =	vor.u32 $0x200, v5;
	[tilespmem:v25+s26+$0x0] =	vst.idx.add.f32.msk $0xffff, v13  }
0x305: {  	v14 =	vor.u32 $0x200, v4;
	[tilespmem:v11+s26+$0x0] =	vst.idx.add.f32.msk $0xffff, v21  }
0x306: {  	[tilespmem:v20+s25+$0x0] =	vst.idx.add.f32.msk $0xffff, v24  }
0x307: {  	v13 =	vor.u32 $0x200, v7;
	[tilespmem:v22+s25+$0x0] =	vst.idx.add.f32.msk $0xffff, v26  }
0x308: {  	v11 =	vor.u32 $0x200, v3;
	v31 =	vld [tilespmem:s0+$0xFFFFFFE0]  }
0x309: {  	[tilespmem:v19+s26+$0x0] =	vst.idx.add.f32.msk $0xffff, v26  }
0x30a: {  	[tilespmem:v14+s25+$0x0] =	vst.idx.add.f32.msk $0xffff, v28  }
0x30b: {  	v19 =	vld [tilespmem:s0+$0xFFFFFFD0]  }
0x30c: {  	[tilespmem:v13+s26+$0x0] =	vst.idx.add.f32.msk $0xffff, v24  }
0x30d: {  	[tilespmem:v11+s26+$0x0] =	vst.idx.add.f32.msk $0xffff, v28  }
0x30e: {  	v22 =	vor.u32 $0x400, v12;
	v13 =	vld [tilespmem:s0+$0xFFFFFFC0]  }
0x30f: {  	v20 =	vor.u32 $0x400, v23;
	v28 =	vld [tilespmem:s0+$0xFFFFFFF0]  }
0x310: {  	v14 =	vld [tilespmem:s0+$0x10];
	v24 =	vor.u32 $0x400, v10  }
0x311: {  	v21 =	vor.u32 $0x400, v9;
	v26 =	vld [tilespmem:s0+$0x0]  }
0x312: {  	v11 =	vld [tilespmem:s0+$0x20]  }
0x313: {  	[tilespmem:v22+s25+$0x0] =	vst.idx.add.f32.msk $0xffff, v19  }
0x314: {  	[tilespmem:v20+s25+$0x0] =	vst.idx.add.f32.msk $0xffff, v13  }
0x315: {  	[tilespmem:v24+s26+$0x0] =	vst.idx.add.f32.msk $0xffff, v19  }
0x316: {  	[tilespmem:v21+s26+$0x0] =	vst.idx.add.f32.msk $0xffff, v13;
	v13 =	vor.u32 $0x400, v17  }
0x317: {  	v35 =	vmax.f32 v35, $-1.024000000e+03;
	[tilespmem:v12+s28+$0x0] =	vst.idx.add.f32.msk $0xffff, v2  }
0x318: {  	s2 =	simm.s32 $0x80;
	s4 =	simm.s32 $0xA0;
	v27 =	vor.u32 $0x400, v18;
	v25 =	vor.u32 $0x400, v16;
	v22 =	vor.u32 $0x400, v7;
	[tilespmem:v23+s28+$0x0] =	vst.idx.add.f32.msk $0xffff, v2  }
0x319: {  	s20 =	simm.s32 $0x90;
	v24 =	vor.u32 $0x400, v15;
	v20 =	vor.u32 s2, v1;
	v19 =	vor.u32 s4, v1;
	[tilespmem:v10+s29+$0x0] =	vst.idx.add.f32.msk $0xffff, v2  }
0x31a: {  	s8 =	smov.u32 s17;
	s13 =	simm.s32 $0xB0;
	v12 =	vor.u32 $0x400, v5;
	v21 =	vor.u32 s20, v1;
	v23 =	vor.u32 $0x400, v8;
	[tilespmem:v9+s29+$0x0] =	vst.idx.add.f32.msk $0xffff, v2  }
0x31b: {  	s9 =	simm.s32 $0x100;
	s1 =	smov.u32 s3;
	s11 =	smov.u32 s0;
	v10 =	vor.u32 $0x400, v4;
	v9 =	vor.u32 $0x400, v3;
	[tilespmem:v13+s25+$0x0] =	vst.idx.add.f32.msk $0xffff, v31;
	v13 =	vor.u32 $0x400, v6  }
.LBB2_12:
0x31c: {  	p0 =	slt.u32 s9, $0x180;
	v34 =	vmax.f32 v34, $-1.024000000e+03;
	v36 =	vor.u32 s13, v1;
	v37 =	vld [tilespmem:s7+$0x20];
	v35 =	vmin.f32 v35, $1.024000000e+03  }
0x31d: {  	v38 =	vld [tilespmem:s7+$0xFFFFFFC0];
	v34 =	vmin.f32 v34, $1.024000000e+03;
	v30 =	vmax.f32 v30, $-1.024000000e+03;
	v35 =	vadd.f32 $1.258291200e+07, v35  }
0x31e: {  	v34 =	vadd.f32 $1.258291200e+07, v34;
	v30 =	vmin.f32 v30, $1.024000000e+03;
	v29 =	vmax.f32 v29, $-1.024000000e+03;
	[tilespmem:v27+s26+$0x0] =	vst.idx.add.f32.msk $0xffff, v31  }
0x31f: {  	v27 =	vmin.f32 v29, $1.024000000e+03;
	v29 =	vmax.f32 v33, $-1.024000000e+03;
	v31 =	vadd.f32 $-1.258291200e+07, v35;
	[tilespmem:v17+s28+$0x0] =	vst.idx.add.f32.msk $0xffff, v2  }
0x320: {  	v17 =	vadd.f32 $1.258291200e+07, v30;
	v29 =	vmin.f32 v29, $1.024000000e+03;
	v30 =	vmax.f32 v32, $-1.024000000e+03;
	[tilespmem:v18+s29+$0x0] =	vst.idx.add.f32.msk $0xffff, v2  }
0x321: {  	v18 =	vmin.f32 v30, $1.024000000e+03;
	v30 =	vmax.f32 v37, $-1.024000000e+03;
	v31 =	vtrunc.f32 v31;
	[tilespmem:v25+s25+$0x0] =	vst.idx.add.f32.msk $0xffff, v28  }
0x322: {  	s4 =	sadd.s32 $0x70, s2;
	v25 =	vmax.f32 v38, $-1.024000000e+03;
	v30 =	vmin.f32 v30, $1.024000000e+03;
	v31 =	vcvt.f32.s32 v31;
	[tilespmem:v24+s26+$0x0] =	vst.idx.add.f32.msk $0xffff, v28  }
0x323: {  	v27 =	vadd.f32 $1.258291200e+07, v27;
	v24 =	vmin.f32 v25, $1.024000000e+03;
	v25 =	vor.u32 s4, v1;
	[tilespmem:v16+s28+$0x0] =	vst.idx.add.f32.msk $0xffff, v2  }
0x324: {  	v28 =	vadd.f32 $1.258291200e+07, v29;
	v16 =	vadd.f32 $1.258291200e+07, v24;
	v24 =	vadd.s32 v31, v25;
	[tilespmem:v15+s29+$0x0] =	vst.idx.add.f32.msk $0xffff, v2  }
0x325: {  	v15 =	vadd.f32 $1.258291200e+07, v18;
	v18 =	vsub.s32 v25, v31;
	vm0 =	vgt.s32 v24, $0x0;
	[tilespmem:v23+s25+$0x0] =	vst.idx.add.f32.msk $0xffff, v26  }
0x326: {  	s8 =	sadd.s32 $0x400, s8;
	v23 =	vadd.f32 $1.258291200e+07, v30;
	v24 =	vnsel vm0, $0x0, v24;
	vm0 =	vgt.s32 v18, $0x0;
	[tilespmem:v22+s26+$0x0] =	vst.idx.add.f32.msk $0xffff, v26  }
0x327: {  	v16 =	vadd.f32 $-1.258291200e+07, v16;
	v29 =	vmin.u32 v24, $0x1FF;
	v18 =	vnsel vm0, $0x0, v18;
	v26 =	vld [tilespmem:s8+$0x30]  }
0x328: {  	v17 =	vadd.f32 $-1.258291200e+07, v17;
	v22 =	vadd.f32 $-1.258291200e+07, v34;
	v25 =	vld [tilespmem:s8+$0xFFFFFFC0];
	v18 =	vmin.u32 v18, $0x1FF  }
0x329: {  	v27 =	vadd.f32 $-1.258291200e+07, v27;
	v28 =	vadd.f32 $-1.258291200e+07, v28;
	v16 =	vtrunc.f32 v16;
	v24 =	vld [tilespmem:s8+$0xFFFFFFD0]  }
0x32a: {  	s4 =	sadd.s32 $0x40, s2;
	v15 =	vadd.f32 $-1.258291200e+07, v15;
	v31 =	vadd.f32 $-1.258291200e+07, v23;
	v30 =	vtrunc.f32 v22;
	v22 =	vld [tilespmem:s8+$0xFFFFFFE0]  }
0x32b: {  	v17 =	vtrunc.f32 v17;
	v27 =	vtrunc.f32 v27;
	v32 =	vor.u32 s4, v1;
	s4 =	sadd.s32 $0x50, s2;
	v23 =	vld [tilespmem:s8+$0xFFFFFFF0]  }
0x32c: {  	v33 =	vor.u32 s4, v1;
	s4 =	sadd.s32 $0x60, s2;
	s2 =	smov.u32 s9;
	v28 =	vtrunc.f32 v28;
	v15 =	vtrunc.f32 v15;
	[tilespmem:v29+s25+$0x0] =	vst.idx.add.f32.msk $0xffff, v26  }
0x32d: {  	s1 =	sadd.s32 $0x400, s1;
	v34 =	vor.u32 s4, v1;
	v16 =	vcvt.f32.s32 v16;
	v31 =	vtrunc.f32 v31;
	[tilespmem:v18+s26+$0x0] =	vst.idx.add.f32.msk $0xffff, v26  }
0x32e: {  	v17 =	vcvt.f32.s32 v17;
	v37 =	vor.u32 $0x200, v29;
	v30 =	vcvt.f32.s32 v30;
	v35 =	vld [tilespmem:s1+$0x30]  }
0x32f: {  	v27 =	vcvt.f32.s32 v27;
	v38 =	vcvt.f32.s32 v28;
	v39 =	vor.u32 $0x200, v18;
	v26 =	vld [tilespmem:s8+$0x0]  }
0x330: {  	v15 =	vcvt.f32.s32 v15;
	v31 =	vcvt.f32.s32 v31;
	v40 =	vadd.s32 v16, v20;
	v28 =	vld [tilespmem:s8+$0x10]  }
0x331: {  	v16 =	vsub.s32 v20, v16;
	v41 =	vadd.s32 v30, v21;
	v21 =	vsub.s32 v21, v30;
	v20 =	vld [tilespmem:s8+$0x20]  }
0x332: {  	v30 =	vadd.s32 v17, v19;
	v17 =	vsub.s32 v19, v17;
	v19 =	vadd.s32 v27, v36  }
0x333: {  	v27 =	vsub.s32 v36, v27;
	v36 =	vadd.s32 v38, v32;
	vm0 =	vgt.s32 v40, $0x0;
	[tilespmem:v37+s25+$0x0] =	vst.idx.add.f32.msk $0xffff, v35  }
0x334: {  	s11 =	sadd.s32 $0x400, s11;
	v32 =	vsub.s32 v32, v38;
	vm1 =	vgt.s32 v16, $0x0;
	v37 =	vadd.s32 v15, v33;
	[tilespmem:v39+s26+$0x0] =	vst.idx.add.f32.msk $0xffff, v35  }
0x335: {  	v38 =	vor.u32 $0x400, v29;
	v15 =	vsub.s32 v33, v15;
	v33 =	vadd.s32 v31, v34;
	v35 =	vld [tilespmem:s11+$0x30]  }
0x336: {  	vm2 =	vgt.s32 v41, $0x0;
	v31 =	vsub.s32 v34, v31;
	v34 =	vor.u32 $0x400, v18;
	[tilespmem:v8+s28+$0x0] =	vst.idx.add.f32.msk $0xffff, v2  }
0x337: {  	vm3 =	vgt.s32 v21, $0x0;
	vm4 =	vgt.s32 v30, $0x0;
	vm5 =	vgt.s32 v17, $0x0;
	[tilespmem:v7+s29+$0x0] =	vst.idx.add.f32.msk $0xffff, v2  }
0x338: {  	vm6 =	vgt.s32 v19, $0x0;
	vm7 =	vgt.s32 v27, $0x0;
	vm8 =	vgt.s32 v36, $0x0;
	[tilespmem:v13+s25+$0x0] =	vst.idx.add.f32.msk $0xffff, v14  }
0x339: {  	vm9 =	vgt.s32 v32, $0x0;
	vm10 =	vgt.s32 v37, $0x0;
	vm11 =	vgt.s32 v15, $0x0;
	[tilespmem:v12+s26+$0x0] =	vst.idx.add.f32.msk $0xffff, v14  }
0x33a: {  	vm12 =	vgt.s32 v31, $0x0;
	v7 =	vnsel vm0, $0x0, v40;
	vm0 =	vgt.s32 v33, $0x0;
	[tilespmem:v38+s25+$0x0] =	vst.idx.add.f32.msk $0xffff, v35  }
0x33b: {  	v8 =	vnsel vm1, $0x0, v16;
	v13 =	vnsel vm3, $0x0, v21;
	v12 =	vnsel vm2, $0x0, v41;
	[tilespmem:v34+s26+$0x0] =	vst.idx.add.f32.msk $0xffff, v35  }
0x33c: {  	v16 =	vnsel vm5, $0x0, v17;
	v14 =	vnsel vm4, $0x0, v30;
	v34 =	vnsel vm6, $0x0, v19;
	[tilespmem:v29+s28+$0x0] =	vst.idx.add.f32.msk $0xffff, v2  }
0x33d: {  	v27 =	vnsel vm7, $0x0, v27;
	v32 =	vnsel vm9, $0x0, v32;
	v35 =	vnsel vm8, $0x0, v36;
	[tilespmem:v18+s29+$0x0] =	vst.idx.add.f32.msk $0xffff, v2  }
0x33e: {  	v33 =	vnsel vm0, $0x0, v33;
	v36 =	vnsel vm10, $0x0, v37;
	v37 =	vnsel vm11, $0x0, v15;
	[tilespmem:v6+s28+$0x0] =	vst.idx.add.f32.msk $0xffff, v2  }
0x33f: {  	v31 =	vnsel vm12, $0x0, v31;
	v30 =	vmin.u32 v7, $0x1FF;
	v29 =	vmin.u32 v8, $0x1FF;
	[tilespmem:v5+s29+$0x0] =	vst.idx.add.f32.msk $0xffff, v2  }
0x340: {  	v21 =	vmin.u32 v12, $0x1FF;
	v17 =	vmin.u32 v14, $0x1FF;
	v19 =	vmin.u32 v13, $0x1FF;
	[tilespmem:v10+s25+$0x0] =	vst.idx.add.f32.msk $0xffff, v11  }
0x341: {  	v15 =	vmin.u32 v27, $0x1FF;
	v18 =	vmin.u32 v16, $0x1FF;
	v16 =	vmin.u32 v34, $0x1FF;
	[tilespmem:v9+s26+$0x0] =	vst.idx.add.f32.msk $0xffff, v11  }
0x342: {  	v7 =	vmin.u32 v32, $0x1FF;
	v8 =	vmin.u32 v35, $0x1FF;
	v6 =	vmin.u32 v36, $0x1FF;
	[tilespmem:v4+s28+$0x0] =	vst.idx.add.f32.msk $0xffff, v2  }
0x343: {  	v5 =	vmin.u32 v37, $0x1FF;
	v4 =	vmin.u32 v33, $0x1FF;
	[tilespmem:v3+s29+$0x0] =	vst.idx.add.f32.msk $0xffff, v2;
	v3 =	vmin.u32 v31, $0x1FF  }
0x344: {  	v14 =	vor.u32 $0x200, v29;
	v11 =	vor.u32 $0x200, v30;
	v31 =	vor.u32 $0x200, v21;
	[tilespmem:v30+s25+$0x0] =	vst.idx.add.f32.msk $0xffff, v25  }
0x345: {  	v32 =	vor.u32 $0x200, v19;
	v34 =	vor.u32 $0x200, v18;
	v33 =	vor.u32 $0x200, v17;
	[tilespmem:v29+s26+$0x0] =	vst.idx.add.f32.msk $0xffff, v25  }
0x346: {  	v35 =	vor.u32 $0x200, v16;
	v36 =	vor.u32 $0x200, v15;
	v37 =	vor.u32 $0x200, v8;
	[tilespmem:v21+s25+$0x0] =	vst.idx.add.f32.msk $0xffff, v24  }
0x347: {  	v38 =	vor.u32 $0x200, v7;
	v39 =	vor.u32 $0x200, v6;
	v40 =	vor.u32 $0x200, v5;
	[tilespmem:v19+s26+$0x0] =	vst.idx.add.f32.msk $0xffff, v24  }
0x348: {  	v41 =	vor.u32 $0x400, v30;
	v42 =	vor.u32 $0x200, v4;
	v43 =	vor.u32 $0x200, v3;
	[tilespmem:v17+s25+$0x0] =	vst.idx.add.f32.msk $0xffff, v22  }
0x349: {  	v45 =	vor.u32 $0x400, v21;
	v46 =	vor.u32 $0x400, v19;
	v44 =	vor.u32 $0x400, v29;
	[tilespmem:v18+s26+$0x0] =	vst.idx.add.f32.msk $0xffff, v22  }
0x34a: {  	v47 =	vor.u32 $0x400, v17;
	v27 =	vor.u32 $0x400, v18;
	v25 =	vor.u32 $0x400, v16;
	[tilespmem:v16+s25+$0x0] =	vst.idx.add.f32.msk $0xffff, v23  }
0x34b: {  	v24 =	vor.u32 $0x400, v15;
	v22 =	vor.u32 $0x400, v7;
	[tilespmem:v15+s26+$0x0] =	vst.idx.add.f32.msk $0xffff, v23;
	v23 =	vor.u32 $0x400, v8  }
0x34c: {  	v13 =	vor.u32 $0x400, v6;
	v12 =	vor.u32 $0x400, v5;
	v10 =	vor.u32 $0x400, v4;
	[tilespmem:v8+s25+$0x0] =	vst.idx.add.f32.msk $0xffff, v26  }
0x34d: {  	v9 =	vor.u32 $0x400, v3;
	[tilespmem:v7+s26+$0x0] =	vst.idx.add.f32.msk $0xffff, v26  }
0x34e: {  	[tilespmem:v6+s25+$0x0] =	vst.idx.add.f32.msk $0xffff, v28  }
0x34f: {  	[tilespmem:v5+s26+$0x0] =	vst.idx.add.f32.msk $0xffff, v28  }
0x350: {  	[tilespmem:v4+s25+$0x0] =	vst.idx.add.f32.msk $0xffff, v20  }
0x351: {  	[tilespmem:v3+s26+$0x0] =	vst.idx.add.f32.msk $0xffff, v20  }
0x352: {  	v20 =	vld [tilespmem:s1+$0xFFFFFFC0]  }
0x353: {  	v26 =	vld [tilespmem:s1+$0xFFFFFFD0]  }
0x354: {  	v28 =	vld [tilespmem:s1+$0xFFFFFFE0]  }
0x355: {  	v48 =	vld [tilespmem:s1+$0xFFFFFFF0]  }
0x356: {  	v49 =	vld [tilespmem:s1+$0x0]  }
0x357: {  	v50 =	vld [tilespmem:s1+$0x10]  }
0x358: {  	v51 =	vld [tilespmem:s1+$0x20]  }
0x359: {  	[tilespmem:v11+s25+$0x0] =	vst.idx.add.f32.msk $0xffff, v20  }
0x35a: {  	[tilespmem:v14+s26+$0x0] =	vst.idx.add.f32.msk $0xffff, v20  }
0x35b: {  	[tilespmem:v31+s25+$0x0] =	vst.idx.add.f32.msk $0xffff, v26  }
0x35c: {  	[tilespmem:v32+s26+$0x0] =	vst.idx.add.f32.msk $0xffff, v26  }
0x35d: {  	[tilespmem:v33+s25+$0x0] =	vst.idx.add.f32.msk $0xffff, v28  }
0x35e: {  	[tilespmem:v34+s26+$0x0] =	vst.idx.add.f32.msk $0xffff, v28  }
0x35f: {  	[tilespmem:v35+s25+$0x0] =	vst.idx.add.f32.msk $0xffff, v48  }
0x360: {  	[tilespmem:v36+s26+$0x0] =	vst.idx.add.f32.msk $0xffff, v48  }
0x361: {  	[tilespmem:v37+s25+$0x0] =	vst.idx.add.f32.msk $0xffff, v49  }
0x362: {  	[tilespmem:v38+s26+$0x0] =	vst.idx.add.f32.msk $0xffff, v49  }
0x363: {  	[tilespmem:v39+s25+$0x0] =	vst.idx.add.f32.msk $0xffff, v50  }
0x364: {  	[tilespmem:v40+s26+$0x0] =	vst.idx.add.f32.msk $0xffff, v50  }
0x365: {  	[tilespmem:v42+s25+$0x0] =	vst.idx.add.f32.msk $0xffff, v51  }
0x366: {  	[tilespmem:v43+s26+$0x0] =	vst.idx.add.f32.msk $0xffff, v51  }
0x367: {  	v20 =	vld [tilespmem:s11+$0xFFFFFFC0]  }
0x368: {  	v32 =	vld [tilespmem:s11+$0xFFFFFFD0]  }
0x369: {  	v31 =	vld [tilespmem:s11+$0xFFFFFFE0]  }
0x36a: {  	v28 =	vld [tilespmem:s11+$0xFFFFFFF0]  }
0x36b: {  	v26 =	vld [tilespmem:s11+$0x0]  }
0x36c: {  	v14 =	vld [tilespmem:s11+$0x10]  }
0x36d: {  	v11 =	vld [tilespmem:s11+$0x20]  }
0x36e: {  	[tilespmem:v41+s25+$0x0] =	vst.idx.add.f32.msk $0xffff, v20  }
0x36f: {  	[tilespmem:v44+s26+$0x0] =	vst.idx.add.f32.msk $0xffff, v20  }
0x370: {  	[tilespmem:v30+s28+$0x0] =	vst.idx.add.f32.msk $0xffff, v2  }
0x371: {  	[tilespmem:v29+s29+$0x0] =	vst.idx.add.f32.msk $0xffff, v2  }
0x372: {  	[tilespmem:v45+s25+$0x0] =	vst.idx.add.f32.msk $0xffff, v32  }
0x373: {  	[tilespmem:v46+s26+$0x0] =	vst.idx.add.f32.msk $0xffff, v32  }
0x374: {  	[tilespmem:v21+s28+$0x0] =	vst.idx.add.f32.msk $0xffff, v2  }
0x375: {  	[tilespmem:v19+s29+$0x0] =	vst.idx.add.f32.msk $0xffff, v2  }
0x376: {  	s7 =	sadd.s32 $0x400, s7;
	[tilespmem:v47+s25+$0x0] =	vst.idx.add.f32.msk $0xffff, v31  }
0x377: {  	v35 =	vld [tilespmem:s7+$0x30]  }
.Ltmp5:
0x378: {  	v34 =	vld [tilespmem:s7+$0xFFFFFFD0];
	(pc) =	sbr.rel @p0 .LBB2_12-.Ltmp5, $4  }
0x379: {  	v30 =	vld [tilespmem:s7+$0xFFFFFFE0]  }
0x37a: {  	v29 =	vld [tilespmem:s7+$0xFFFFFFF0]  }
0x37b: {  	s13 =	sadd.s32 $0x20, s9;
	s4 =	sadd.s32 $0x10, s9;
	v20 =	vor.u32 s9, v1;
	v33 =	vld [tilespmem:s7+$0x0]  }
0x37c: {  	s9 =	sadd.s32 $0x80, s9;
	v21 =	vor.u32 s4, v1;
	v19 =	vor.u32 s13, v1;
	s13 =	sadd.s32 $0x30, s2;
	v32 =	vld [tilespmem:s7+$0x10];
	v35 =	vmax.f32 v35, $-1.024000000e+03  }
0x37d: {  	_ =	sdelay $0x1  }
0x37e: {  	v36 =	vld [tilespmem:s7+$0x20]  }
0x37f: {  	v37 =	vld [tilespmem:s7+$0xFFFFFFC0]  }
0x380: {  	[tilespmem:v27+s26+$0x0] =	vst.idx.add.f32.msk $0xffff, v31  }
0x381: {  	[tilespmem:v25+s25+$0x0] =	vst.idx.add.f32.msk $0xffff, v28  }
0x382: {  	[tilespmem:v23+s25+$0x0] =	vst.idx.add.f32.msk $0xffff, v26  }
0x383: {  	[tilespmem:v13+s25+$0x0] =	vst.idx.add.f32.msk $0xffff, v14  }
0x384: {  	v35 =	vmin.f32 v35, $1.024000000e+03;
	s4 =	sadd.s32 $0x70, s2;
	v42 =	vmax.f32 v34, $-1.024000000e+03;
	[tilespmem:v17+s28+$0x0] =	vst.idx.add.f32.msk $0xffff, v2  }
0x385: {  	v43 =	vor.u32 s13, v1;
	s14 =	sadd.s32 $0x40, s2;
	v35 =	vadd.f32 $1.258291200e+07, v35;
	v38 =	vor.u32 s4, v1;
	[tilespmem:v22+s26+$0x0] =	vst.idx.add.f32.msk $0xffff, v26  }
0x386: {  	s20 =	sadd.s32 $0x60, s2;
	v44 =	vmax.f32 v30, $-1.024000000e+03;
	v58 =	vor.u32 s14, v1;
	[tilespmem:v18+s29+$0x0] =	vst.idx.add.f32.msk $0xffff, v2;
	v18 =	vmin.f32 v42, $1.024000000e+03  }
0x387: {  	v23 =	vmin.f32 v44, $1.024000000e+03;
	v45 =	vmax.f32 v29, $-1.024000000e+03;
	[tilespmem:v8+s28+$0x0] =	vst.idx.add.f32.msk $0xffff, v2;
	v8 =	vor.u32 s20, v1  }
0x388: {  	[tilespmem:v10+s25+$0x0] =	vst.idx.add.f32.msk $0xffff, v11;
	v31 =	vadd.f32 $-1.258291200e+07, v35;
	v18 =	vadd.f32 $1.258291200e+07, v18;
	v25 =	vmin.f32 v45, $1.024000000e+03  }
0x389: {  	s9 =	sadd.s32 $0x400, s8;
	[tilespmem:v24+s26+$0x0] =	vst.idx.add.f32.msk $0xffff, v28;
	v46 =	vmax.f32 v33, $-1.024000000e+03;
	v23 =	vadd.f32 $1.258291200e+07, v23;
	v49 =	vmax.f32 v32, $-1.024000000e+03  }
0x38a: {  	v41 =	vld [tilespmem:s9+$0x30];
	v27 =	vmin.f32 v46, $1.024000000e+03;
	v25 =	vadd.f32 $1.258291200e+07, v25;
	v35 =	vtrunc.f32 v31  }
0x38b: {  	v24 =	vld [tilespmem:s9+$0xFFFFFFC0];
	v47 =	vmax.f32 v37, $-1.024000000e+03;
	v30 =	vmin.f32 v49, $1.024000000e+03;
	v27 =	vadd.f32 $1.258291200e+07, v27  }
0x38c: {  	v26 =	vld [tilespmem:s9+$0xFFFFFFD0];
	v18 =	vadd.f32 $-1.258291200e+07, v18;
	v23 =	vadd.f32 $-1.258291200e+07, v23;
	v17 =	vcvt.f32.s32 v35  }
0x38d: {  	v48 =	vld [tilespmem:s9+$0xFFFFFFE0];
	v28 =	vmin.f32 v47, $1.024000000e+03;
	v30 =	vadd.f32 $1.258291200e+07, v30;
	v25 =	vadd.f32 $-1.258291200e+07, v25  }
0x38e: {  	v53 =	vld [tilespmem:s9+$0xFFFFFFF0];
	v50 =	vmax.f32 v36, $-1.024000000e+03;
	v28 =	vadd.f32 $1.258291200e+07, v28;
	v27 =	vadd.f32 $-1.258291200e+07, v27  }
0x38f: {  	v55 =	vld [tilespmem:s9+$0x0];
	v18 =	vtrunc.f32 v18;
	v23 =	vtrunc.f32 v23;
	v39 =	vadd.s32 v17, v38  }
0x390: {  	v56 =	vld [tilespmem:s9+$0x10];
	v40 =	vsub.s32 v38, v17;
	v17 =	vmin.f32 v50, $1.024000000e+03;
	v30 =	vadd.f32 $-1.258291200e+07, v30  }
0x391: {  	v57 =	vld [tilespmem:s9+$0x20];
	v18 =	vcvt.f32.s32 v18;
	v23 =	vcvt.f32.s32 v23;
	vm0 =	vgt.s32 v39, $0x0  }
0x392: {  	[tilespmem:v16+s28+$0x0] =	vst.idx.add.f32.msk $0xffff, v2;
	vm15 =	vgt.s32 v40, $0x0;
	v28 =	vadd.f32 $-1.258291200e+07, v28;
	v17 =	vadd.f32 $1.258291200e+07, v17  }
0x393: {  	[tilespmem:v15+s29+$0x0] =	vst.idx.add.f32.msk $0xffff, v2;
	v27 =	vtrunc.f32 v27;
	v16 =	vnsel vm0, $0x0, v39;
	v15 =	vnsel vm15, $0x0, v40  }
0x394: {  	[tilespmem:v12+s26+$0x0] =	vst.idx.add.f32.msk $0xffff, v14;
	v30 =	vtrunc.f32 v30;
	v62 =	vcvt.f32.s32 v27;
	v63 =	vadd.s32 v18, v21  }
0x395: {  	[tilespmem:v9+s26+$0x0] =	vst.idx.add.f32.msk $0xffff, v11;
	v18 =	vsub.s32 v21, v18;
	v16 =	vmin.u32 v16, $0x1FF;
	v15 =	vmin.u32 v15, $0x1FF  }
0x396: {  	[tilespmem:v6+s28+$0x0] =	vst.idx.add.f32.msk $0xffff, v2;
	v28 =	vtrunc.f32 v28;
	v17 =	vadd.f32 $-1.258291200e+07, v17;
	vm2 =	vgt.s32 v63, $0x0  }
0x397: {  	[tilespmem:v4+s28+$0x0] =	vst.idx.add.f32.msk $0xffff, v2;
	vm5 =	vgt.s32 v18, $0x0;
	v28 =	vcvt.f32.s32 v28;
	v42 =	vadd.s32 v62, v58  }
0x398: {  	[tilespmem:v5+s29+$0x0] =	vst.idx.add.f32.msk $0xffff, v2;
	v13 =	vsub.s32 v58, v62;
	v5 =	vnsel vm2, $0x0, v63;
	v10 =	vnsel vm5, $0x0, v18  }
0x399: {  	[tilespmem:v7+s29+$0x0] =	vst.idx.add.f32.msk $0xffff, v2;
	v5 =	vmin.u32 v5, $0x1FF;
	v10 =	vmin.u32 v10, $0x1FF;
	vm10 =	vgt.s32 v42, $0x0  }
0x39a: {  	[tilespmem:v3+s29+$0x0] =	vst.idx.add.f32.msk $0xffff, v2;
	vm11 =	vgt.s32 v13, $0x0;
	v60 =	vadd.s32 v28, v20;
	v11 =	vnsel vm10, $0x0, v42  }
0x39b: {  	v61 =	vsub.s32 v20, v28;
	v28 =	vcvt.f32.s32 v30;
	v11 =	vmin.u32 v11, $0x1FF;
	[tilespmem:v16+s25+$0x0] =	vst.idx.add.f32.msk $0xffff, v41  }
0x39c: {  	s13 =	sadd.s32 $0x400, s1;
	v30 =	vadd.s32 v23, v19;
	v13 =	vnsel vm11, $0x0, v13;
	vm4 =	vgt.s32 v60, $0x0;
	[tilespmem:v15+s26+$0x0] =	vst.idx.add.f32.msk $0xffff, v41  }
0x39d: {  	vm6 =	vgt.s32 v30, $0x0;
	v13 =	vmin.u32 v13, $0x1FF;
	v45 =	vnsel vm4, $0x0, v60;
	v51 =	vld [tilespmem:s13+$0x30]  }
0x39e: {  	v17 =	vtrunc.f32 v17;
	v9 =	vnsel vm6, $0x0, v30;
	v46 =	vmin.u32 v45, $0x1FF;
	[tilespmem:v5+s25+$0x0] =	vst.idx.add.f32.msk $0xffff, v26  }
0x39f: {  	v40 =	vsub.s32 v19, v23;
	v17 =	vcvt.f32.s32 v17;
	v9 =	vmin.u32 v9, $0x1FF;
	[tilespmem:v10+s26+$0x0] =	vst.idx.add.f32.msk $0xffff, v26  }
0x3a0: {  	vm7 =	vgt.s32 v40, $0x0;
	v52 =	vor.u32 $0x200, v16;
	vm1 =	vgt.s32 v61, $0x0;
	[tilespmem:v11+s25+$0x0] =	vst.idx.add.f32.msk $0xffff, v55  }
0x3a1: {  	v44 =	vadd.s32 v17, v8;
	v6 =	vsub.s32 v8, v17;
	v8 =	vnsel vm1, $0x0, v61;
	v49 =	vld [tilespmem:s13+$0xFFFFFFD0]  }
0x3a2: {  	v25 =	vtrunc.f32 v25;
	v4 =	vnsel vm7, $0x0, v40;
	v8 =	vmin.u32 v8, $0x1FF;
	[tilespmem:v13+s26+$0x0] =	vst.idx.add.f32.msk $0xffff, v55  }
0x3a3: {  	v7 =	vcvt.f32.s32 v25;
	v4 =	vmin.u32 v4, $0x1FF;
	[tilespmem:v46+s25+$0x0] =	vst.idx.add.f32.msk $0xffff, v24  }
0x3a4: {  	s15 =	sadd.s32 $0x50, s2;
	v54 =	vor.u32 $0x200, v15;
	[tilespmem:v9+s25+$0x0] =	vst.idx.add.f32.msk $0xffff, v48  }
0x3a5: {  	v59 =	vor.u32 s15, v1;
	v41 =	vadd.s32 v7, v43;
	v55 =	vld [tilespmem:s13+$0x0]  }
0x3a6: {  	v7 =	vsub.s32 v43, v7;
	v43 =	vadd.s32 v28, v59;
	vm8 =	vgt.s32 v41, $0x0;
	[tilespmem:v52+s25+$0x0] =	vst.idx.add.f32.msk $0xffff, v51  }
0x3a7: {  	v12 =	vsub.s32 v59, v28;
	vm12 =	vgt.s32 v43, $0x0;
	v3 =	vnsel vm8, $0x0, v41;
	[tilespmem:v8+s26+$0x0] =	vst.idx.add.f32.msk $0xffff, v24  }
0x3a8: {  	vm9 =	vgt.s32 v7, $0x0;
	v47 =	vnsel vm12, $0x0, v43;
	v3 =	vmin.u32 v3, $0x1FF;
	[tilespmem:v4+s26+$0x0] =	vst.idx.add.f32.msk $0xffff, v48  }
0x3a9: {  	vm13 =	vgt.s32 v12, $0x0;
	v7 =	vnsel vm9, $0x0, v7;
	v14 =	vmin.u32 v47, $0x1FF;
	[tilespmem:v54+s26+$0x0] =	vst.idx.add.f32.msk $0xffff, v51  }
0x3aa: {  	v12 =	vnsel vm13, $0x0, v12;
	v7 =	vmin.u32 v7, $0x1FF;
	v48 =	vld [tilespmem:s13+$0xFFFFFFC0]  }
0x3ab: {  	s16 =	sadd.s32 $0x400, s11;
	v12 =	vmin.u32 v12, $0x1FF;
	v51 =	vld [tilespmem:s13+$0xFFFFFFE0]  }
0x3ac: {  	v34 =	vld [tilespmem:s16+$0x30]  }
0x3ad: {  	v63 =	vor.u32 $0x200, v11;
	[tilespmem:v3+s25+$0x0] =	vst.idx.add.f32.msk $0xffff, v53  }
0x3ae: {  	v30 =	vor.u32 $0x200, v13;
	[tilespmem:v14+s25+$0x0] =	vst.idx.add.f32.msk $0xffff, v56  }
0x3af: {  	v50 =	vor.u32 $0x200, v46;
	[tilespmem:v7+s26+$0x0] =	vst.idx.add.f32.msk $0xffff, v53  }
0x3b0: {  	v54 =	vor.u32 $0x200, v5;
	[tilespmem:v12+s26+$0x0] =	vst.idx.add.f32.msk $0xffff, v56  }
0x3b1: {  	v58 =	vor.u32 $0x200, v9;
	v53 =	vld [tilespmem:s13+$0xFFFFFFF0]  }
0x3b2: {  	[tilespmem:v63+s25+$0x0] =	vst.idx.add.f32.msk $0xffff, v55  }
0x3b3: {  	v38 =	vor.u32 $0x400, v16;
	[tilespmem:v30+s26+$0x0] =	vst.idx.add.f32.msk $0xffff, v55  }
0x3b4: {  	v52 =	vor.u32 $0x200, v8;
	[tilespmem:v50+s25+$0x0] =	vst.idx.add.f32.msk $0xffff, v48  }
0x3b5: {  	v60 =	vor.u32 $0x200, v4;
	[tilespmem:v54+s25+$0x0] =	vst.idx.add.f32.msk $0xffff, v49  }
0x3b6: {  	v39 =	vor.u32 $0x400, v15;
	[tilespmem:v58+s25+$0x0] =	vst.idx.add.f32.msk $0xffff, v51  }
0x3b7: {  	v56 =	vor.u32 $0x200, v10;
	v40 =	vld [tilespmem:s16+$0x0]  }
0x3b8: {  	[tilespmem:v38+s25+$0x0] =	vst.idx.add.f32.msk $0xffff, v34  }
0x3b9: {  	[tilespmem:v52+s26+$0x0] =	vst.idx.add.f32.msk $0xffff, v48  }
0x3ba: {  	[tilespmem:v60+s26+$0x0] =	vst.idx.add.f32.msk $0xffff, v51  }
0x3bb: {  	v61 =	vor.u32 $0x200, v3;
	[tilespmem:v39+s26+$0x0] =	vst.idx.add.f32.msk $0xffff, v34  }
0x3bc: {  	[tilespmem:v56+s26+$0x0] =	vst.idx.add.f32.msk $0xffff, v49  }
0x3bd: {  	v35 =	vld [tilespmem:s16+$0xFFFFFFC0]  }
0x3be: {  	v62 =	vor.u32 $0x200, v7;
	v38 =	vld [tilespmem:s16+$0xFFFFFFE0]  }
0x3bf: {  	[tilespmem:v16+s28+$0x0] =	vst.idx.add.f32.msk $0xffff, v2  }
0x3c0: {  	v37 =	vor.u32 $0x400, v46;
	[tilespmem:v61+s25+$0x0] =	vst.idx.add.f32.msk $0xffff, v53  }
0x3c1: {  	v45 =	vor.u32 $0x400, v9;
	v36 =	vld [tilespmem:s16+$0xFFFFFFD0]  }
0x3c2: {  	v39 =	vor.u32 $0x400, v8;
	[tilespmem:v15+s29+$0x0] =	vst.idx.add.f32.msk $0xffff, v2  }
0x3c3: {  	v42 =	vor.u32 $0x400, v5;
	[tilespmem:v62+s26+$0x0] =	vst.idx.add.f32.msk $0xffff, v53  }
0x3c4: {  	vm14 =	vgt.s32 v44, $0x0;
	v22 =	vld [tilespmem:s16+$0xFFFFFFF0]  }
0x3c5: {  	v15 =	vnsel vm14, $0x0, v44;
	v44 =	vor.u32 $0x400, v10;
	[tilespmem:v37+s25+$0x0] =	vst.idx.add.f32.msk $0xffff, v35  }
0x3c6: {  	v15 =	vmin.u32 v15, $0x1FF;
	[tilespmem:v45+s25+$0x0] =	vst.idx.add.f32.msk $0xffff, v38  }
0x3c7: {  	vm15 =	vgt.s32 v6, $0x0;
	[tilespmem:v39+s26+$0x0] =	vst.idx.add.f32.msk $0xffff, v35  }
0x3c8: {  	v6 =	vnsel vm15, $0x0, v6;
	[tilespmem:v42+s25+$0x0] =	vst.idx.add.f32.msk $0xffff, v36  }
0x3c9: {  	v6 =	vmin.u32 v6, $0x1FF;
	[tilespmem:v46+s28+$0x0] =	vst.idx.add.f32.msk $0xffff, v2  }
0x3ca: {  	[tilespmem:v44+s26+$0x0] =	vst.idx.add.f32.msk $0xffff, v36  }
0x3cb: {  	[tilespmem:v15+s25+$0x0] =	vst.idx.add.f32.msk $0xffff, v57  }
0x3cc: {  	[tilespmem:v8+s29+$0x0] =	vst.idx.add.f32.msk $0xffff, v2  }
0x3cd: {  	v8 =	vor.u32 $0x400, v4;
	[tilespmem:v5+s28+$0x0] =	vst.idx.add.f32.msk $0xffff, v2  }
0x3ce: {  	v5 =	vor.u32 $0x400, v3;
	[tilespmem:v6+s26+$0x0] =	vst.idx.add.f32.msk $0xffff, v57  }
0x3cf: {  	v31 =	vor.u32 $0x200, v14;
	v57 =	vld [tilespmem:s13+$0x10]  }
0x3d0: {  	[tilespmem:v10+s29+$0x0] =	vst.idx.add.f32.msk $0xffff, v2  }
0x3d1: {  	v10 =	vor.u32 $0x400, v7;
	v59 =	vld [tilespmem:s13+$0x20]  }
0x3d2: {  	v32 =	vor.u32 $0x200, v12;
	[tilespmem:v8+s26+$0x0] =	vst.idx.add.f32.msk $0xffff, v38  }
0x3d3: {  	v33 =	vor.u32 $0x200, v15;
	[tilespmem:v5+s25+$0x0] =	vst.idx.add.f32.msk $0xffff, v22  }
0x3d4: {  	[tilespmem:v31+s25+$0x0] =	vst.idx.add.f32.msk $0xffff, v57  }
0x3d5: {  	[tilespmem:v9+s28+$0x0] =	vst.idx.add.f32.msk $0xffff, v2  }
0x3d6: {  	v34 =	vor.u32 $0x200, v6;
	[tilespmem:v10+s26+$0x0] =	vst.idx.add.f32.msk $0xffff, v22  }
0x3d7: {  	[tilespmem:v32+s26+$0x0] =	vst.idx.add.f32.msk $0xffff, v57  }
0x3d8: {  	[tilespmem:v33+s25+$0x0] =	vst.idx.add.f32.msk $0xffff, v59  }
0x3d9: {  	[tilespmem:v4+s29+$0x0] =	vst.idx.add.f32.msk $0xffff, v2  }
0x3da: {  	v8 =	vor.u32 $0x400, v11;
	[tilespmem:v3+s28+$0x0] =	vst.idx.add.f32.msk $0xffff, v2  }
0x3db: {  	v4 =	vor.u32 $0x400, v13;
	[tilespmem:v34+s26+$0x0] =	vst.idx.add.f32.msk $0xffff, v59  }
0x3dc: {  	v41 =	vld [tilespmem:s16+$0x10]  }
0x3dd: {  	v3 =	vor.u32 $0x400, v14;
	[tilespmem:v7+s29+$0x0] =	vst.idx.add.f32.msk $0xffff, v2  }
0x3de: {  	v43 =	vld [tilespmem:s16+$0x20]  }
0x3df: {  	v5 =	vor.u32 $0x400, v12;
	[tilespmem:v8+s25+$0x0] =	vst.idx.add.f32.msk $0xffff, v40  }
0x3e0: {  	[tilespmem:v4+s26+$0x0] =	vst.idx.add.f32.msk $0xffff, v40  }
0x3e1: {  	[tilespmem:v11+s28+$0x0] =	vst.idx.add.f32.msk $0xffff, v2  }
0x3e2: {  	v4 =	vor.u32 $0x400, v15;
	[tilespmem:v3+s25+$0x0] =	vst.idx.add.f32.msk $0xffff, v41  }
0x3e3: {  	v7 =	vor.u32 $0x400, v6;
	[tilespmem:v13+s29+$0x0] =	vst.idx.add.f32.msk $0xffff, v2  }
0x3e4: {  	[tilespmem:v5+s26+$0x0] =	vst.idx.add.f32.msk $0xffff, v41  }
0x3e5: {  	[tilespmem:v14+s28+$0x0] =	vst.idx.add.f32.msk $0xffff, v2  }
0x3e6: {  	[tilespmem:v12+s29+$0x0] =	vst.idx.add.f32.msk $0xffff, v2  }
0x3e7: {  	[tilespmem:v4+s25+$0x0] =	vst.idx.add.f32.msk $0xffff, v43  }
0x3e8: {  	[tilespmem:v7+s26+$0x0] =	vst.idx.add.f32.msk $0xffff, v43  }
0x3e9: {  	[tilespmem:v15+s28+$0x0] =	vst.idx.add.f32.msk $0xffff, v2  }
0x3ea: {  	s13 =	simm.s32 $0x14C40;
	[tilespmem:v6+s29+$0x0] =	vst.idx.add.f32.msk $0xffff, v2  }
0x3eb: {  	v3 =	vld [tilespmem:s13+$0x30]  }
0x3ec: {  	v4 =	vld [tilespmem:s13+$0xFFFFFFD0]  }
0x3ed: {  	v5 =	vld [tilespmem:s13+$0xFFFFFFE0]  }
0x3ee: {  	v6 =	vld [tilespmem:s13+$0xFFFFFFF0]  }
0x3ef: {  	v7 =	vld [tilespmem:s13+$0x0]  }
0x3f0: {  	v8 =	vld [tilespmem:s13+$0x10];
	v3 =	vmax.f32 v3, $1.000000000e+00  }
0x3f1: {  	v9 =	vld [tilespmem:s13+$0x20];
	v4 =	vmax.f32 v4, $1.000000000e+00;
	(erf) = vrcp.f32 v3  }
0x3f2: {  	s16 =	simm.s32 $0x14E40;
	v5 =	vmax.f32 v5, $1.000000000e+00;
	v3 =	vld [tilespmem:s13+$0xFFFFFFC0];
	(erf) = vrcp.f32 v4  }
0x3f3: {  	v4 =	vmax.f32 v6, $1.000000000e+00;
	v6 =	vld [tilespmem:s16+$0x30];
	(erf) = vrcp.f32 v5  }
0x3f4: {  	v5 =	vmax.f32 v7, $1.000000000e+00;
	(erf) = vrcp.f32 v4  }
0x3f5: {  	v4 =	vmax.f32 v8, $1.000000000e+00;
	(erf) = vrcp.f32 v5  }
0x3f6: {  	s11 =	simm.s32 $0x14240;
	v5 =	vmax.f32 v9, $1.000000000e+00;
	(erf) = vrcp.f32 v4  }
0x3f7: {  	v7 =	vld [tilespmem:s11+$0xFFFFFE30];
	v3 =	vmax.f32 v3, $1.000000000e+00;
	(erf) = vrcp.f32 v5  }
0x3f8: {  	v4 =	vmax.f32 v6, $1.000000000e+00;
	(erf) = vrcp.f32 v3;
	_ =	sdelay $0x1  }
0x3f9: {  	v9 =	vld [tilespmem:s16+$0xFFFFFFC0];
	(erf) = vrcp.f32 v4;
	v46 =	vpop (erf)  }
0x3fa: {  	v10 =	vld [tilespmem:s16+$0xFFFFFFD0];
	v4 =	vpop (erf)  }
0x3fb: {  	v17 =	vld [tilespmem:s11+$0xFFFFFDD0];
	v5 =	vmul.f32 v46, v7;
	v3 =	vpop (erf)  }
0x3fc: {  	s20 =	sshra.s32 s10, $0x2;
	v11 =	vld [tilespmem:s11+$0xFFFFFDC0];
	v6 =	vpop (erf)  }
0x3fd: {  	s2 =	simm.s32 $0x14840;
	v48 =	vld [tilespmem:s11+$0xFFFFFDE0];
	[tilespmem:s20+$0xB070] =	vst v5;
	v7 =	vpop (erf)  }
0x3fe: {  	v47 =	vmax.f32 v9, $1.000000000e+00;
	v12 =	vld [tilespmem:s2+$0xFFFFFE30];
	v8 =	vpop (erf)  }
0x3ff: {  	v13 =	vld [tilespmem:s16+$0xFFFFFFE0];
	v10 =	vmax.f32 v10, $1.000000000e+00;
	(erf) = vrcp.f32 v47;
	v5 =	vpop (erf)  }
0x400: {  	v15 =	vld [tilespmem:s16+$0xFFFFFFF0];
	(erf) = vrcp.f32 v10;
	v10 =	vmul.f32 v4, v17;
	v9 =	vpop (erf)  }
0x401: {  	v19 =	vld [tilespmem:s11+$0xFFFFFDF0];
	v11 =	vmul.f32 v9, v11  }
0x402: {  	v20 =	vld [tilespmem:s11+$0xFFFFFE00];
	v16 =	vmul.f32 v3, v48;
	[tilespmem:s20+$0xB010] =	vst v10;
	v49 =	vpop (erf)  }
0x403: {  	v12 =	vmul.f32 v12, v49;
	[tilespmem:s20+$0xB000] =	vst v11;
	v11 =	vld [tilespmem:s11+$0xFFFFFE10]  }
0x404: {  	v50 =	vld [tilespmem:s11+$0xFFFFFE20];
	[tilespmem:s20+$0xB020] =	vst v16  }
0x405: {  	v13 =	vmax.f32 v13, $1.000000000e+00;
	[tilespmem:s20+$0x11070] =	vst v12;
	v51 =	vld [tilespmem:s2+$0xFFFFFDC0]  }
0x406: {  	v22 =	vld [tilespmem:s16+$0x0];
	(erf) = vrcp.f32 v13;
	v19 =	vmul.f32 v6, v19;
	[tilespmem:s11+$0xFFFFFE30] =	vst v0  }
0x407: {  	v53 =	vld [tilespmem:s16+$0x10];
	v52 =	vmul.f32 v7, v20;
	[tilespmem:s2+$0xFFFFFE30] =	vst v0  }
0x408: {  	[tilespmem:s20+$0xB030] =	vst v19;
	v21 =	vld [tilespmem:s11+$0x30];
	v11 =	vmul.f32 v8, v11  }
0x409: {  	v54 =	vld [tilespmem:s2+$0xFFFFFDD0];
	[tilespmem:s20+$0xB040] =	vst v52;
	v10 =	vpop (erf);
	v12 =	vmul.f32 v5, v50  }
0x40a: {  	v55 =	vld [tilespmem:s16+$0x20];
	v17 =	vmul.f32 v51, v10;
	[tilespmem:s20+$0xB050] =	vst v11;
	v11 =	vmax.f32 v15, $1.000000000e+00  }
0x40b: {  	v57 =	vld [tilespmem:s2+$0xFFFFFDE0];
	[tilespmem:s20+$0xB060] =	vst v12  }
0x40c: {  	[tilespmem:s20+$0x11000] =	vst v17  }
0x40d: {  	(erf) = vrcp.f32 v11;
	v56 =	vmul.f32 v21, v46;
	[tilespmem:s11+$0xFFFFFDC0] =	vst v0;
	v11 =	vpop (erf)  }
0x40e: {  	[tilespmem:s2+$0xFFFFFDC0] =	vst v0;
	v58 =	vmul.f32 v54, v11  }
0x40f: {  	[tilespmem:s20+$0xC070] =	vst v56;
	v12 =	vpop (erf);
	v33 =	vld [tilespmem:s11+$0xFFFFFFC0]  }
0x410: {  	v60 =	vmax.f32 v22, $1.000000000e+00;
	v59 =	vld [tilespmem:s2+$0x30];
	v15 =	vmul.f32 v57, v12;
	[tilespmem:s20+$0x11010] =	vst v58  }
0x411: {  	(erf) = vrcp.f32 v60;
	[tilespmem:s11+$0xFFFFFDD0] =	vst v0  }
0x412: {  	v16 =	vmax.f32 v53, $1.000000000e+00;
	v61 =	vld [tilespmem:s2+$0xFFFFFDF0];
	[tilespmem:s20+$0x11020] =	vst v15  }
0x413: {  	(erf) = vrcp.f32 v16;
	[tilespmem:s2+$0xFFFFFDD0] =	vst v0  }
0x414: {  	[tilespmem:s11+$0xFFFFFDE0] =	vst v0;
	v20 =	vmul.f32 v33, v9  }
0x415: {  	[tilespmem:s2+$0xFFFFFDE0] =	vst v0;
	v62 =	vmul.f32 v59, v49  }
0x416: {  	v63 =	vld [tilespmem:s2+$0xFFFFFE00];
	v24 =	vpop (erf);
	[tilespmem:s20+$0xC000] =	vst v20  }
0x417: {  	v25 =	vmul.f32 v61, v24;
	[tilespmem:s20+$0x12070] =	vst v62  }
0x418: {  	v28 =	vld [tilespmem:s2+$0xFFFFFE10];
	[tilespmem:s11+$0x30] =	vst v0  }
0x419: {  	[tilespmem:s20+$0x11030] =	vst v25  }
0x41a: {  	v27 =	vpop (erf);
	[tilespmem:s2+$0x30] =	vst v0  }
0x41b: {  	v23 =	vmax.f32 v55, $1.000000000e+00;
	v37 =	vld [tilespmem:s11+$0xFFFFFFE0];
	v29 =	vmul.f32 v63, v27;
	[tilespmem:s11+$0xFFFFFDF0] =	vst v0  }
0x41c: {  	(erf) = vrcp.f32 v23;
	v31 =	vpop (erf);
	[tilespmem:s2+$0xFFFFFDF0] =	vst v0  }
0x41d: {  	v23 =	vld [tilespmem:s2+$0xFFFFFFC0];
	v32 =	vmul.f32 v28, v31;
	[tilespmem:s20+$0x11040] =	vst v29  }
0x41e: {  	[tilespmem:s11+$0xFFFFFE00] =	vst v0  }
0x41f: {  	[tilespmem:s20+$0x11050] =	vst v32  }
0x420: {  	v26 =	vld [tilespmem:s11+$0x230];
	v21 =	vmul.f32 v37, v3;
	[tilespmem:s2+$0xFFFFFE00] =	vst v0  }
0x421: {  	v30 =	vld [tilespmem:s2+$0xFFFFFE20];
	[tilespmem:s11+$0xFFFFFE10] =	vst v0  }
0x422: {  	[tilespmem:s20+$0xC020] =	vst v21;
	v45 =	vmul.f32 v23, v10  }
0x423: {  	v38 =	vld [tilespmem:s11+$0xFFFFFFF0];
	[tilespmem:s2+$0xFFFFFE10] =	vst v0  }
0x424: {  	[tilespmem:s20+$0x12000] =	vst v45  }
0x425: {  	v36 =	vld [tilespmem:s11+$0xFFFFFFD0];
	v34 =	vpop (erf);
	v14 =	vmul.f32 v26, v46;
	[tilespmem:s11+$0xFFFFFFC0] =	vst v0  }
0x426: {  	v39 =	vld [tilespmem:s11+$0x0];
	v16 =	vmul.f32 v30, v34;
	[tilespmem:s2+$0xFFFFFFC0] =	vst v0  }
0x427: {  	[tilespmem:s20+$0xD070] =	vst v14;
	v56 =	vld [tilespmem:s11+$0x1C0]  }
0x428: {  	v18 =	vmul.f32 v38, v6;
	[tilespmem:s20+$0x11060] =	vst v16;
	v35 =	vld [tilespmem:s2+$0x230]  }
0x429: {  	v46 =	vld [tilespmem:s2+$0xFFFFFFE0];
	[tilespmem:s11+$0xFFFFFE20] =	vst v0  }
0x42a: {  	v16 =	vmul.f32 v36, v4;
	[tilespmem:s20+$0xC030] =	vst v18  }
0x42b: {  	v42 =	vmul.f32 v39, v7;
	[tilespmem:s2+$0xFFFFFE20] =	vst v0  }
0x42c: {  	[tilespmem:s20+$0xC010] =	vst v16;
	v48 =	vld [tilespmem:s2+$0xFFFFFFF0];
	v9 =	vmul.f32 v56, v9  }
0x42d: {  	[tilespmem:s20+$0xC040] =	vst v42;
	v17 =	vmul.f32 v35, v49  }
0x42e: {  	v40 =	vld [tilespmem:s11+$0x10];
	v49 =	vmul.f32 v46, v12;
	[tilespmem:s20+$0xD000] =	vst v9  }
0x42f: {  	v41 =	vld [tilespmem:s11+$0x20];
	[tilespmem:s20+$0x13070] =	vst v17  }
0x430: {  	v43 =	vld [tilespmem:s2+$0xFFFFFFD0];
	[tilespmem:s20+$0x12020] =	vst v49  }
0x431: {  	v51 =	vmul.f32 v48, v24;
	[tilespmem:s11+$0x230] =	vst v0  }
0x432: {  	[tilespmem:s11+$0xFFFFFFE0] =	vst v0  }
0x433: {  	v17 =	vmul.f32 v40, v8;
	[tilespmem:s20+$0x12030] =	vst v51  }
0x434: {  	v44 =	vmul.f32 v41, v5;
	[tilespmem:s2+$0x230] =	vst v0  }
0x435: {  	v50 =	vld [tilespmem:s2+$0x0];
	v47 =	vmul.f32 v43, v11;
	[tilespmem:s20+$0xC050] =	vst v17  }
0x436: {  	[tilespmem:s20+$0xC060] =	vst v44  }
0x437: {  	[tilespmem:s20+$0x12010] =	vst v47  }
0x438: {  	[tilespmem:s2+$0xFFFFFFE0] =	vst v0  }
0x439: {  	[tilespmem:s11+$0xFFFFFFF0] =	vst v0;
	v52 =	vld [tilespmem:s2+$0x10]  }
0x43a: {  	v53 =	vmul.f32 v50, v27;
	[tilespmem:s11+$0xFFFFFFD0] =	vst v0;
	v54 =	vld [tilespmem:s2+$0x20]  }
0x43b: {  	[tilespmem:s2+$0xFFFFFFF0] =	vst v0  }
0x43c: {  	[tilespmem:s20+$0x12040] =	vst v53  }
0x43d: {  	[tilespmem:s2+$0xFFFFFFD0] =	vst v0  }
0x43e: {  	[tilespmem:s11+$0x0] =	vst v0;
	v55 =	vmul.f32 v52, v31  }
0x43f: {  	[tilespmem:s2+$0x0] =	vst v0;
	v57 =	vmul.f32 v54, v34  }
0x440: {  	[tilespmem:s20+$0x12050] =	vst v55  }
0x441: {  	v59 =	vld [tilespmem:s11+$0x1E0];
	[tilespmem:s20+$0x12060] =	vst v57  }
0x442: {  	v58 =	vld [tilespmem:s11+$0x1D0];
	[tilespmem:s11+$0x10] =	vst v0  }
0x443: {  	v60 =	vld [tilespmem:s11+$0x1F0];
	[tilespmem:s11+$0x20] =	vst v0  }
0x444: {  	v61 =	vld [tilespmem:s11+$0x200];
	[tilespmem:s2+$0x10] =	vst v0  }
0x445: {  	[tilespmem:s2+$0x20] =	vst v0;
	v62 =	vld [tilespmem:s11+$0x210]  }
0x446: {  	[tilespmem:s13+$0x30] =	vst v0;
	v3 =	vmul.f32 v59, v3;
	v9 =	vld [tilespmem:s11+$0x220]  }
0x447: {  	v63 =	vld [tilespmem:s2+$0x1C0];
	[tilespmem:s16+$0x30] =	vst v0;
	v4 =	vmul.f32 v58, v4  }
0x448: {  	v6 =	vmul.f32 v60, v6;
	[tilespmem:s20+$0xD020] =	vst v3  }
0x449: {  	[tilespmem:s20+$0xD010] =	vst v4;
	v4 =	vmul.f32 v61, v7  }
0x44a: {  	[tilespmem:s20+$0xD030] =	vst v6;
	v3 =	vmul.f32 v62, v8  }
0x44b: {  	[tilespmem:s20+$0xD040] =	vst v4;
	v4 =	vmul.f32 v9, v5;
	v5 =	vld [tilespmem:s2+$0x1D0]  }
0x44c: {  	[tilespmem:s20+$0xD050] =	vst v3;
	v3 =	vmul.f32 v63, v10  }
0x44d: {  	[tilespmem:s20+$0xD060] =	vst v4  }
0x44e: {  	v7 =	vld [tilespmem:s2+$0x200];
	[tilespmem:s20+$0x13000] =	vst v3  }
0x44f: {  	v4 =	vld [tilespmem:s2+$0x1E0];
	[tilespmem:s11+$0x1C0] =	vst v0  }
0x450: {  	v8 =	vld [tilespmem:s2+$0x210];
	v5 =	vmul.f32 v5, v11;
	[tilespmem:s2+$0x1C0] =	vst v0  }
0x451: {  	v9 =	vld [tilespmem:s2+$0x220];
	[tilespmem:s13+$0xFFFFFFC0] =	vst v0  }
0x452: {  	p0 =	por $0x1, $0x1;
	v3 =	vld [tilespmem:s2+$0x1F0];
	[tilespmem:s20+$0x13010] =	vst v5  }
.Ltmp6:
0x453: {  	[tilespmem:s16+$0xFFFFFFC0] =	vst v0;
	(pc) =	sbr.rel @!p0 .LBB2_15-.Ltmp6, $4  }
0x454: {  	[tilespmem:s11+$0x1D0] =	vst v0  }
0x455: {  	v6 =	vmul.f32 v4, v12;
	[tilespmem:s2+$0x1D0] =	vst v0  }
0x456: {  	s1 =	simm.s32 $0x0;
	s7 =	simm.s32 $0x14CC0;
	s8 =	smov.u32 s10;
	v4 =	vmul.f32 v7, v27;
	v9 =	vmul.f32 v9, v34;
	[tilespmem:s13+$0xFFFFFFD0] =	vst v0  }
0x457: {  	s9 =	simm.s32 $0x14E40;
	s15 =	simm.s32 $0x14240;
	s14 =	simm.s32 $0x14840;
	v5 =	vmul.f32 v3, v24;
	v3 =	vmul.f32 v8, v31;
	[tilespmem:s16+$0xFFFFFFD0] =	vst v0  }
.LBB2_14:
0x458: {  	v7 =	vld [tilespmem:s7+$0x30];
	[tilespmem:s20+$0x13020] =	vst v6  }
0x459: {  	v6 =	vld [tilespmem:s7+$0xFFFFFFD0];
	[tilespmem:s11+$0x1E0] =	vst v0  }
0x45a: {  	v8 =	vld [tilespmem:s7+$0xFFFFFFE0];
	[tilespmem:s2+$0x1E0] =	vst v0  }
0x45b: {  	v10 =	vld [tilespmem:s7+$0xFFFFFFF0];
	[tilespmem:s13+$0xFFFFFFE0] =	vst v0  }
0x45c: {  	v11 =	vld [tilespmem:s7+$0x0];
	[tilespmem:s16+$0xFFFFFFE0] =	vst v0  }
0x45d: {  	v12 =	vld [tilespmem:s7+$0x10];
	v7 =	vmax.f32 v7, $1.000000000e+00;
	[tilespmem:s20+$0x13030] =	vst v5  }
0x45e: {  	v5 =	vmax.f32 v6, $1.000000000e+00;
	v6 =	vld [tilespmem:s7+$0x20];
	(erf) = vrcp.f32 v7;
	[tilespmem:s11+$0x1F0] =	vst v0  }
0x45f: {  	s16 =	sadd.s32 $0x80, s16;
	v7 =	vld [tilespmem:s7+$0xFFFFFFC0];
	v8 =	vmax.f32 v8, $1.000000000e+00;
	(erf) = vrcp.f32 v5;
	[tilespmem:s2+$0x1F0] =	vst v0  }
0x460: {  	s1 =	sadd.s32 $0x80, s1;
	v5 =	vmax.f32 v10, $1.000000000e+00;
	v10 =	vld [tilespmem:s16+$0x30];
	(erf) = vrcp.f32 v8;
	[tilespmem:s13+$0xFFFFFFF0] =	vst v0  }
0x461: {  	p0 =	slt.u32 s1, $0x180;
	v8 =	vld [tilespmem:s16+$0xFFFFFFC0];
	v11 =	vmax.f32 v11, $1.000000000e+00;
	(erf) = vrcp.f32 v5;
	[tilespmem:s9+$0xFFFFFFF0] =	vst v0  }
0x462: {  	s11 =	sadd.s32 $0x80, s11;
	v5 =	vld [tilespmem:s16+$0xFFFFFFD0];
	v12 =	vmax.f32 v12, $1.000000000e+00;
	(erf) = vrcp.f32 v11;
	[tilespmem:s20+$0x13040] =	vst v4  }
0x463: {  	v4 =	vmax.f32 v6, $1.000000000e+00;
	v6 =	vld [tilespmem:s11+$0xFFFFFE30];
	(erf) = vrcp.f32 v12;
	[tilespmem:s15+$0x200] =	vst v0  }
0x464: {  	v7 =	vmax.f32 v7, $1.000000000e+00;
	v11 =	vld [tilespmem:s16+$0xFFFFFFE0];
	(erf) = vrcp.f32 v4;
	[tilespmem:s2+$0x200] =	vst v0  }
0x465: {  	v4 =	vld [tilespmem:s16+$0xFFFFFFF0];
	v10 =	vmax.f32 v10, $1.000000000e+00;
	(erf) = vrcp.f32 v7;
	[tilespmem:s13+$0x0] =	vst v0  }
0x466: {  	v8 =	vmax.f32 v8, $1.000000000e+00;
	v12 =	vld [tilespmem:s16+$0x0];
	(erf) = vrcp.f32 v10;
	[tilespmem:s9+$0x0] =	vst v0  }
0x467: {  	v5 =	vmax.f32 v5, $1.000000000e+00;
	v10 =	vld [tilespmem:s16+$0x10];
	(erf) = vrcp.f32 v8;
	v17 =	vpop (erf);
	[tilespmem:s20+$0x13050] =	vst v3  }
0x468: {  	s8 =	sadd.s32 $0x1000, s8;
	v3 =	vld [tilespmem:s16+$0x20];
	v14 =	vmul.f32 v17, v6;
	v7 =	vpop (erf);
	(erf) = vrcp.f32 v5;
	[tilespmem:s15+$0x210] =	vst v0  }
0x469: {  	s4 =	sshra.s32 s8, $0x2;
	v13 =	vld [tilespmem:s11+$0xFFFFFDC0];
	v15 =	vmax.f32 v11, $1.000000000e+00;
	v8 =	vpop (erf);
	[tilespmem:s2+$0x210] =	vst v0  }
0x46a: {  	s2 =	sadd.s32 $0x80, s2;
	v11 =	vld [tilespmem:s11+$0xFFFFFDD0];
	v16 =	vmax.f32 v4, $1.000000000e+00;
	[tilespmem:s4+$0xB070] =	vst v14;
	(erf) = vrcp.f32 v15;
	v6 =	vpop (erf)  }
0x46b: {  	v12 =	vmax.f32 v12, $1.000000000e+00;
	v14 =	vld [tilespmem:s2+$0xFFFFFE30];
	(erf) = vrcp.f32 v16;
	v5 =	vpop (erf);
	[tilespmem:s13+$0x10] =	vst v0  }
0x46c: {  	v15 =	vld [tilespmem:s11+$0xFFFFFDE0];
	v10 =	vmax.f32 v10, $1.000000000e+00;
	(erf) = vrcp.f32 v12;
	v4 =	vpop (erf);
	[tilespmem:s9+$0x10] =	vst v0  }
0x46d: {  	v12 =	vld [tilespmem:s11+$0xFFFFFDF0];
	v18 =	vmax.f32 v3, $1.000000000e+00;
	(erf) = vrcp.f32 v10;
	v3 =	vpop (erf);
	[tilespmem:s20+$0x13060] =	vst v9;
	s20 =	smov.u32 s4  }
0x46e: {  	v19 =	vld [tilespmem:s11+$0xFFFFFE00];
	v16 =	vpop (erf);
	(erf) = vrcp.f32 v18;
	[tilespmem:s15+$0x220] =	vst v0;
	s15 =	smov.u32 s11  }
0x46f: {  	v22 =	vmul.f32 v16, v13;
	v13 =	vmul.f32 v7, v11;
	v18 =	vld [tilespmem:s11+$0xFFFFFE10];
	v20 =	vpop (erf);
	[tilespmem:s14+$0x220] =	vst v0;
	s14 =	smov.u32 s2  }
0x470: {  	v21 =	vld [tilespmem:s11+$0xFFFFFE20];
	v23 =	vmul.f32 v14, v20;
	v9 =	vpop (erf);
	[tilespmem:s13+$0x20] =	vst v0;
	s13 =	smov.u32 s7  }
0x471: {  	[tilespmem:s20+$0xB000] =	vst v22;
	v14 =	vmul.f32 v8, v15;
	v10 =	vpop (erf)  }
0x472: {  	v15 =	vld [tilespmem:s2+$0xFFFFFDC0];
	v22 =	vmul.f32 v6, v12;
	[tilespmem:s20+$0x11070] =	vst v23  }
0x473: {  	v19 =	vmul.f32 v5, v19;
	[tilespmem:s11+$0xFFFFFE30] =	vst v0;
	v11 =	vpop (erf)  }
0x474: {  	v18 =	vmul.f32 v4, v18;
	[tilespmem:s2+$0xFFFFFE30] =	vst v0;
	v12 =	vpop (erf)  }
0x475: {  	[tilespmem:s20+$0xB010] =	vst v13;
	v21 =	vmul.f32 v3, v21;
	v23 =	vld [tilespmem:s11+$0x30];
	v13 =	vpop (erf)  }
0x476: {  	v24 =	vld [tilespmem:s2+$0xFFFFFDD0];
	[tilespmem:s20+$0xB020] =	vst v14;
	v14 =	vpop (erf)  }
0x477: {  	v25 =	vmul.f32 v15, v9;
	v26 =	vld [tilespmem:s2+$0xFFFFFDE0];
	[tilespmem:s20+$0xB030] =	vst v22;
	v15 =	vpop (erf)  }
0x478: {  	v22 =	vld [tilespmem:s2+$0xFFFFFDF0];
	[tilespmem:s20+$0xB040] =	vst v19  }
0x479: {  	v19 =	vld [tilespmem:s2+$0xFFFFFE00];
	[tilespmem:s20+$0xB050] =	vst v18  }
0x47a: {  	v18 =	vld [tilespmem:s2+$0xFFFFFE10];
	[tilespmem:s20+$0xB060] =	vst v21;
	v21 =	vmul.f32 v23, v17  }
0x47b: {  	[tilespmem:s20+$0x11000] =	vst v25;
	v23 =	vmul.f32 v24, v10;
	v24 =	vld [tilespmem:s2+$0xFFFFFE20]  }
0x47c: {  	v25 =	vmul.f32 v26, v11;
	[tilespmem:s20+$0xC070] =	vst v21  }
0x47d: {  	[tilespmem:s11+$0xFFFFFDC0] =	vst v0;
	v21 =	vmul.f32 v22, v12;
	v22 =	vld [tilespmem:s2+$0x30]  }
0x47e: {  	[tilespmem:s2+$0xFFFFFDC0] =	vst v0;
	v19 =	vmul.f32 v19, v13  }
0x47f: {  	v26 =	vld [tilespmem:s11+$0xFFFFFFC0];
	[tilespmem:s20+$0x11010] =	vst v23;
	v18 =	vmul.f32 v18, v14  }
0x480: {  	[tilespmem:s11+$0xFFFFFDD0] =	vst v0;
	v23 =	vmul.f32 v24, v15  }
0x481: {  	[tilespmem:s2+$0xFFFFFDD0] =	vst v0  }
0x482: {  	v24 =	vld [tilespmem:s11+$0xFFFFFFD0];
	[tilespmem:s20+$0x11020] =	vst v25;
	v22 =	vmul.f32 v22, v20  }
0x483: {  	[tilespmem:s11+$0xFFFFFDE0] =	vst v0  }
0x484: {  	v25 =	vmul.f32 v26, v16;
	[tilespmem:s20+$0x12070] =	vst v22  }
0x485: {  	[tilespmem:s11+$0x30] =	vst v0  }
0x486: {  	[tilespmem:s2+$0x30] =	vst v0  }
0x487: {  	v22 =	vmul.f32 v24, v7;
	[tilespmem:s2+$0xFFFFFDE0] =	vst v0;
	v24 =	vld [tilespmem:s11+$0x230]  }
0x488: {  	v26 =	vld [tilespmem:s11+$0xFFFFFFE0];
	[tilespmem:s20+$0x11030] =	vst v21  }
0x489: {  	[tilespmem:s11+$0xFFFFFDF0] =	vst v0  }
0x48a: {  	[tilespmem:s2+$0xFFFFFDF0] =	vst v0  }
0x48b: {  	v21 =	vld [tilespmem:s11+$0xFFFFFFF0];
	[tilespmem:s20+$0x11040] =	vst v19  }
0x48c: {  	[tilespmem:s11+$0xFFFFFE00] =	vst v0;
	v17 =	vmul.f32 v24, v17  }
0x48d: {  	v19 =	vmul.f32 v26, v8;
	[tilespmem:s2+$0xFFFFFE00] =	vst v0  }
0x48e: {  	v24 =	vld [tilespmem:s11+$0x0];
	[tilespmem:s20+$0xD070] =	vst v17  }
0x48f: {  	[tilespmem:s20+$0x11050] =	vst v18;
	v17 =	vld [tilespmem:s2+$0x230]  }
0x490: {  	v18 =	vmul.f32 v21, v6;
	[tilespmem:s11+$0xFFFFFE10] =	vst v0  }
0x491: {  	[tilespmem:s2+$0xFFFFFE10] =	vst v0  }
0x492: {  	v21 =	vld [tilespmem:s11+$0x10];
	[tilespmem:s20+$0x11060] =	vst v23  }
0x493: {  	v23 =	vmul.f32 v24, v5;
	[tilespmem:s11+$0xFFFFFE20] =	vst v0  }
0x494: {  	[tilespmem:s2+$0xFFFFFE20] =	vst v0;
	v17 =	vmul.f32 v17, v20  }
0x495: {  	[tilespmem:s20+$0xC000] =	vst v25;
	v20 =	vld [tilespmem:s11+$0x20]  }
0x496: {  	v24 =	vld [tilespmem:s2+$0xFFFFFFC0];
	[tilespmem:s20+$0x13070] =	vst v17  }
0x497: {  	v17 =	vmul.f32 v21, v4;
	[tilespmem:s11+$0x230] =	vst v0  }
0x498: {  	[tilespmem:s2+$0x230] =	vst v0  }
0x499: {  	[tilespmem:s7+$0x30] =	vst v0  }
0x49a: {  	v20 =	vmul.f32 v20, v3;
	[tilespmem:s16+$0x30] =	vst v0  }
0x49b: {  	v21 =	vmul.f32 v24, v9;
	[tilespmem:s20+$0xC010] =	vst v22  }
0x49c: {  	v22 =	vld [tilespmem:s2+$0xFFFFFFD0];
	[tilespmem:s20+$0xC020] =	vst v19  }
0x49d: {  	v19 =	vld [tilespmem:s2+$0xFFFFFFE0];
	[tilespmem:s20+$0xC030] =	vst v18  }
0x49e: {  	v18 =	vld [tilespmem:s2+$0xFFFFFFF0];
	[tilespmem:s20+$0xC040] =	vst v23  }
0x49f: {  	v23 =	vld [tilespmem:s2+$0x0];
	[tilespmem:s20+$0xC050] =	vst v17  }
0x4a0: {  	v17 =	vld [tilespmem:s2+$0x10];
	[tilespmem:s20+$0xC060] =	vst v20  }
0x4a1: {  	[tilespmem:s20+$0x12000] =	vst v21;
	v20 =	vmul.f32 v22, v10;
	v21 =	vld [tilespmem:s2+$0x20]  }
0x4a2: {  	[tilespmem:s11+$0xFFFFFFC0] =	vst v0;
	v19 =	vmul.f32 v19, v11  }
0x4a3: {  	[tilespmem:s2+$0xFFFFFFC0] =	vst v0;
	v18 =	vmul.f32 v18, v12  }
0x4a4: {  	v22 =	vld [tilespmem:s11+$0x1C0];
	[tilespmem:s20+$0x12010] =	vst v20;
	v20 =	vmul.f32 v23, v13  }
0x4a5: {  	[tilespmem:s11+$0xFFFFFFD0] =	vst v0;
	v17 =	vmul.f32 v17, v14  }
0x4a6: {  	[tilespmem:s2+$0xFFFFFFD0] =	vst v0;
	v21 =	vmul.f32 v21, v15  }
0x4a7: {  	v23 =	vld [tilespmem:s11+$0x1D0];
	[tilespmem:s20+$0x12020] =	vst v19  }
0x4a8: {  	[tilespmem:s11+$0xFFFFFFE0] =	vst v0  }
0x4a9: {  	v16 =	vmul.f32 v22, v16;
	[tilespmem:s2+$0xFFFFFFE0] =	vst v0  }
0x4aa: {  	v19 =	vld [tilespmem:s11+$0x1E0];
	[tilespmem:s20+$0x12030] =	vst v18  }
0x4ab: {  	[tilespmem:s11+$0xFFFFFFF0] =	vst v0  }
0x4ac: {  	v7 =	vmul.f32 v23, v7;
	[tilespmem:s2+$0xFFFFFFF0] =	vst v0  }
0x4ad: {  	v18 =	vld [tilespmem:s11+$0x1F0];
	[tilespmem:s20+$0x12040] =	vst v20  }
0x4ae: {  	[tilespmem:s11+$0x0] =	vst v0  }
0x4af: {  	v8 =	vmul.f32 v19, v8;
	[tilespmem:s2+$0x0] =	vst v0  }
0x4b0: {  	v19 =	vld [tilespmem:s11+$0x200];
	[tilespmem:s20+$0x12050] =	vst v17  }
0x4b1: {  	[tilespmem:s11+$0x10] =	vst v0  }
0x4b2: {  	v6 =	vmul.f32 v18, v6;
	[tilespmem:s2+$0x10] =	vst v0  }
0x4b3: {  	v17 =	vld [tilespmem:s11+$0x210];
	[tilespmem:s20+$0x12060] =	vst v21  }
0x4b4: {  	[tilespmem:s11+$0x20] =	vst v0  }
0x4b5: {  	v5 =	vmul.f32 v19, v5;
	[tilespmem:s2+$0x20] =	vst v0  }
0x4b6: {  	[tilespmem:s20+$0xD000] =	vst v16;
	v16 =	vld [tilespmem:s11+$0x220]  }
0x4b7: {  	v18 =	vld [tilespmem:s2+$0x1C0];
	[tilespmem:s20+$0xD010] =	vst v7  }
0x4b8: {  	v7 =	vld [tilespmem:s2+$0x1D0];
	[tilespmem:s20+$0xD020] =	vst v8;
	v4 =	vmul.f32 v17, v4  }
0x4b9: {  	v8 =	vld [tilespmem:s2+$0x1E0];
	[tilespmem:s20+$0xD030] =	vst v6  }
0x4ba: {  	v17 =	vld [tilespmem:s2+$0x1F0];
	[tilespmem:s20+$0xD040] =	vst v5  }
0x4bb: {  	v19 =	vld [tilespmem:s2+$0x200];
	[tilespmem:s20+$0xD050] =	vst v4;
	v3 =	vmul.f32 v16, v3  }
0x4bc: {  	v4 =	vmul.f32 v18, v9;
	v9 =	vld [tilespmem:s2+$0x210];
	[tilespmem:s9+$0x20] =	vst v0;
	s9 =	smov.u32 s16  }
0x4bd: {  	v7 =	vmul.f32 v7, v10;
	[tilespmem:s20+$0xD060] =	vst v3  }
0x4be: {  	[tilespmem:s20+$0x13000] =	vst v4;
	v6 =	vmul.f32 v8, v11;
	v8 =	vld [tilespmem:s2+$0x220]  }
0x4bf: {  	[tilespmem:s11+$0x1C0] =	vst v0;
	v5 =	vmul.f32 v17, v12  }
0x4c0: {  	[tilespmem:s2+$0x1C0] =	vst v0;
	v4 =	vmul.f32 v19, v13  }
0x4c1: {  	[tilespmem:s7+$0xFFFFFFC0] =	vst v0;
	v3 =	vmul.f32 v9, v14  }
0x4c2: {  	[tilespmem:s16+$0xFFFFFFC0] =	vst v0  }
.Ltmp7:
0x4c3: {  	[tilespmem:s20+$0x13010] =	vst v7;
	v9 =	vmul.f32 v8, v15;
	(pc) =	sbr.rel @p0 .LBB2_14-.Ltmp7, $4  }
0x4c4: {  	[tilespmem:s11+$0x1D0] =	vst v0  }
0x4c5: {  	[tilespmem:s2+$0x1D0] =	vst v0  }
0x4c6: {  	[tilespmem:s7+$0xFFFFFFD0] =	vst v0  }
0x4c7: {  	s7 =	sadd.s32 $0x80, s7;
	[tilespmem:s16+$0xFFFFFFD0] =	vst v0  }
.LBB2_15:
0x4c8: {  	[tilespmem:s20+$0x13020] =	vst v6  }
0x4c9: {  	[tilespmem:s20+$0x13040] =	vst v4  }
0x4ca: {  	[tilespmem:s20+$0x13060] =	vst v9  }
0x4cb: {  	[tilespmem:s11+$0x1E0] =	vst v0  }
0x4cc: {  	[tilespmem:s20+$0x13030] =	vst v5  }
0x4cd: {  	[tilespmem:s15+$0x200] =	vst v0  }
0x4ce: {  	[tilespmem:s20+$0x13050] =	vst v3  }
0x4cf: {  	[tilespmem:s15+$0x220] =	vst v0  }
0x4d0: {  	[tilespmem:s2+$0x1E0] =	vst v0  }
0x4d1: {  	[tilespmem:s11+$0x1F0] =	vst v0  }
0x4d2: {  	[tilespmem:s2+$0x200] =	vst v0  }
0x4d3: {  	[tilespmem:s15+$0x210] =	vst v0  }
0x4d4: {  	[tilespmem:s14+$0x220] =	vst v0  }
0x4d5: {  	[tilespmem:s13+$0xFFFFFFE0] =	vst v0  }
0x4d6: {  	[tilespmem:s2+$0x1F0] =	vst v0  }
0x4d7: {  	[tilespmem:s13+$0x0] =	vst v0  }
0x4d8: {  	[tilespmem:s2+$0x210] =	vst v0  }
0x4d9: {  	[tilespmem:s13+$0x20] =	vst v0  }
0x4da: {  	s12 =	sadd.s32 $0x1, s12;
	[tilespmem:s16+$0xFFFFFFE0] =	vst v0  }
0x4db: {  	p0 =	sne.s32 s12, $0x8;
	[tilespmem:s13+$0xFFFFFFF0] =	vst v0  }
.Ltmp8:
0x4dc: {  	[tilespmem:s9+$0x0] =	vst v0;
	(pc) =	sbr.rel @p0 .LBB2_11-.Ltmp8, $4  }
0x4dd: {  	[tilespmem:s13+$0x10] =	vst v0  }
0x4de: {  	[tilespmem:s9+$0x20] =	vst v0  }
0x4df: {  	s0 =	sadd.s32 $0x80, s0;
	s3 =	sadd.s32 $0x80, s3;
	[tilespmem:s9+$0xFFFFFFF0] =	vst v0  }
0x4e0: {  	s17 =	sadd.s32 $0x80, s17;
	s18 =	sadd.s32 $0x80, s18;
	s10 =	sadd.s32 $0x200, s10;
	[tilespmem:s9+$0x10] =	vst v0  }
0x4e1: {  	s1 =	rddreg [dreg:$0x2]  }
0x4e2: {  	s2 =	simm.s32 $0xB000;
	s0 =	sadd.s32 s1, s30  }
0x4e3: {  	[hbm4b:s0+s6] =	stream.linear.scatter [tilespmem:s2], [sflag:$0x4], $0x1000, $0x38;
	[tilespmem:$0x15000] =	vst v63  }
0x4e4: {  	s13 =	sadd.s32 s5, s30;
	s14 =	simm.s32 $0x11000  }
0x4e5: {  	[hbm4b:s13+s6] =	stream.linear.scatter [tilespmem:s14], [sflag:$0x4], $0x1000, $0x38;
	[tilespmem:$0x15000] =	vst v63  }
0x4e6: {  	s16 =	simm.s32 $0xC000;
	s21 =	sadd.s32 $0x1, s21;
	s15 =	sadd.s32 s1, s23  }
0x4e7: {  	[hbm4b:s15+s6] =	stream.linear.scatter [tilespmem:s16], [sflag:$0x4], $0x1000, $0x38;
	[tilespmem:$0x15000] =	vst v63  }
0x4e8: {  	s17 =	sadd.s32 s5, s23;
	s18 =	simm.s32 $0x12000;
	p0 =	sne.s32 s21, $0x8  }
0x4e9: {  	[hbm4b:s17+s6] =	stream.linear.scatter [tilespmem:s18], [sflag:$0x4], $0x1000, $0x38;
	[tilespmem:$0x15000] =	vst v63  }
.Ltmp9:
0x4ea: {  	_ = 	snop;
	(pc) =	sbr.rel @p0 .LBB2_4-.Ltmp9, $4  }
0x4eb: {  	s20 =	sadd.s32 s1, s22;
	s23 =	simm.s32 $0xD000  }
0x4ec: {  	[hbm4b:s20+s6] =	stream.linear.scatter [tilespmem:s23], [sflag:$0x4], $0x1000, $0x38;
	[tilespmem:$0x15000] =	vst v63  }
0x4ed: {  	s31 =	simm.s32 $0x13000;
	s30 =	sadd.s32 s5, s22  }
0x4ee: {  	[hbm4b:s30+s6] =	stream.linear.scatter [tilespmem:s31], [sflag:$0x4], $0x1000, $0x38;
	[tilespmem:$0x15000] =	vst v63  }
0x4ef: {  	s0 =	simm.s32 $0x3  }
0x4f0: {  	_ =	swait.ge [sflag:s0], $0x1000  }
0x4f1: {  	[sflag:s0] =	ssyncset.done $0x0  }
0x4f2: {  	[sflag:s0] =	ssyncadd.s32 $0xFFFFF000  }
0x4f3: {  	_ =	swait.ge [sflag:s0], $0x1000  }
0x4f4: {  	[sflag:s0] =	ssyncset.done $0x0  }
0x4f5: {  	[sflag:s0] =	ssyncadd.s32 $0xFFFFF000  }
0x4f6: {  	_ =	swait.ge [sflag:s0], $0x1000  }
0x4f7: {  	[sflag:s0] =	ssyncset.done $0x0  }
0x4f8: {  	[sflag:s0] =	ssyncadd.s32 $0xFFFFF000  }
0x4f9: {  	_ =	swait.ge [sflag:s0], $0x1000  }
0x4fa: {  	[sflag:s0] =	ssyncset.done $0x0  }
0x4fb: {  	[sflag:s0] =	ssyncadd.s32 $0xFFFFF000  }
0x4fc: {  	_ =	swait.ge [sflag:s0], $0x1000  }
0x4fd: {  	[sflag:s0] =	ssyncset.done $0x0  }
0x4fe: {  	[sflag:s0] =	ssyncadd.s32 $0xFFFFF000  }
0x4ff: {  	_ =	swait.ge [sflag:s0], $0x1000  }
0x500: {  	[sflag:s0] =	ssyncset.done $0x0  }
0x501: {  	s1 =	simm.s32 $0x4;
	[sflag:s0] =	ssyncadd.s32 $0xFFFFF000  }
0x502: {  	_ =	swait.ge [sflag:s1], $0x1000  }
0x503: {  	[sflag:s1] =	ssyncset.done $0x0  }
0x504: {  	[sflag:s1] =	ssyncadd.s32 $0xFFFFF000  }
0x505: {  	_ =	swait.ge [sflag:s1], $0x1000  }
0x506: {  	[sflag:s1] =	ssyncset.done $0x0  }
0x507: {  	[sflag:s1] =	ssyncadd.s32 $0xFFFFF000  }
0x508: {  	_ =	swait.ge [sflag:s1], $0x1000  }
0x509: {  	[sflag:s1] =	ssyncset.done $0x0  }
0x50a: {  	[sflag:s1] =	ssyncadd.s32 $0xFFFFF000  }
0x50b: {  	_ =	swait.ge [sflag:s1], $0x1000  }
0x50c: {  	[sflag:s1] =	ssyncset.done $0x0  }
0x50d: {  	[sflag:s1] =	ssyncadd.s32 $0xFFFFF000  }
0x50e: {  	_ =	swait.ge [sflag:s1], $0x1000  }
0x50f: {  	[sflag:s1] =	ssyncset.done $0x0  }
0x510: {  	[sflag:s1] =	ssyncadd.s32 $0xFFFFF000  }
0x511: {  	_ =	swait.ge [sflag:s1], $0x1000  }
0x512: {  	s2 =	rddreg [dreg:$0xf]  }
0x513: {  	s31 =	rddreg [dreg:$0xe];
	s2 =	sadd.s32 $0x1, s2  }
0x514: {  	p0 =	sne.s32 s2, s31  }
.Ltmp10:
0x515: {  	_ = 	snop;
	(pc) =	sbr.rel @p0 .LBB2_1-.Ltmp10, $3  }
0x516: {  	_ =	sdelay $0x1  }
0x517: {  	[sflag:s1] =	ssyncset.done $0x0  }
0x518: {  	[sflag:s1] =	ssyncadd.s32 $0xFFFFF000  }
0x519: {  	_ =	sfence.sel $0x180000  }
0x51a: {  	[bflag:$0x0] =	sbarrier.arrive $0xFFFF  }
0x51b: {  	_ =	strace $0x90000047  }
0x51c: {  	s0 =	stileid.u32;
	[bflag:$0x2] =	sbarrier.arrive $0xFFFF  }
0x51d: {  	p0 =	sne.s32 s0, $0x0;
	s0 =	rddreg [dreg:$0x4]  }
0x51e: {  	s0 =	sadd.s32 @!p0 $0x100000, s0  }
0x51f: {  	[sflag:s0] =	ssyncadd.tile.s32 @!p0 $0x1;
	_ =	shalt  }
.Lfunc_end2:
_tile_overlayer_lowered:
.L_overlay_start_2:
0x520: {  	(tag) =	ssettag $0x2  }
0x521: {  	s0 =	rddreg [dreg:$0x0];
	s2 =	stileid.u32  }
0x522: {  	s1 =	rddreg [dreg:$0x1];
	p0 =	sne.s32 s2, $0x0  }
0x523: {  	s3 =	rddreg [dreg:$0x2];
	[bflag:$0x3] =	sbarrier.arrive $0xFFFF;
	s2 =	simm.s32 @!p0 $0x1C05  }
0x524: {  	[timem:s3], [sflag:s2] =	dma.local @!p0 [hbm:s0], s1  }
0x525: {  	s0 =	simm.s32 @!p0 $0x5  }
0x526: {  	_ =	swait.ge @!p0 [sflag:s0], s1  }
0x527: {  	s1 =	ssub.s32 @!p0 $0x0, s1;
	[sflag:s0] =	ssyncset.done @!p0 $0x0  }
0x528: {  	[sflag:s0] =	ssyncadd.s32 @!p0 s1  }
0x529: {  	[bflag:$0x3] =	sbarrier.arrive $0xFFFF  }
0x52a: {  	_ =	shalt  }

</sc_bundles>
